<compile_context>
chip_gen: v7x
topology: tpu7x:2x2x1
jax: 0.10.2.dev20260603
libtpu: 0.0.44.dev20260713+nightly
codegen_flags: <defaults>
</compile_context>

<pallas_src>
import functools

import jax
import jax.numpy as jnp
from jax import lax
from jax.experimental import pallas as pl
from jax.experimental.pallas import tpu as pltpu
from jax.experimental.pallas import tpu_sc as plsc

N = 10000
E = 160000
H = 4
C = 128
SCALE = (C // H) ** (-0.5)

NC = 2
NS = 16
NW = NC * NS
B = 96
CHUNKS_PER_W = 54
E_PER_W = CHUNKS_PER_W * B
E_PAD = NW * E_PER_W
N_PAD = 10240
ROWS_PER_TILE = N_PAD // NS
HALF_ROWS = ROWS_PER_TILE // 2

D = 128
DM = 128
PQ = 0
PP = 64
PK = 66
PV = 82
PW = 72

BN = 1280


def _prep_body(obs_ref, wq_ref, wk_ref, tab_ref):
    obs = obs_ref[...]
    wq = wq_ref[...]
    wk = wk_ref[...]
    qf = jnp.concatenate([obs[:, 0:12], obs[:, 30:37]], axis=1)
    kf = jnp.concatenate([obs[:, 12:24], obs[:, 26:30]], axis=1)
    vf = obs[:, 12:30]
    pos = obs[:, 0:2]
    hi = lax.Precision.HIGHEST
    ms = []
    for h in range(H):
        ms.append(lax.dot_general(
            wq[:, h * C:(h + 1) * C], wk[:, h * C:(h + 1) * C],
            (((1,), (1,)), ((), ())), precision=hi,
            preferred_element_type=jnp.float32))
    m = jnp.concatenate(ms, axis=1)
    qm = lax.dot_general(qf, m, (((1,), (0,)), ((), ())), precision=hi,
                         preferred_element_type=jnp.float32)
    nrow = obs.shape[0]
    tab_ref[...] = jnp.concatenate(
        [qm, pos, kf, vf, jnp.zeros((nrow, D - 100), jnp.float32)], axis=1)


def _prep(obs_p, wq, wk):
    return pl.pallas_call(
        _prep_body,
        grid=(N_PAD // BN,),
        in_specs=[
            pl.BlockSpec((BN, 37), lambda i: (i, 0)),
            pl.BlockSpec((19, 512), lambda i: (0, 0)),
            pl.BlockSpec((16, 512), lambda i: (0, 0)),
        ],
        out_specs=pl.BlockSpec((BN, D), lambda i: (i, 0)),
        out_shape=jax.ShapeDtypeStruct((N_PAD, D), jnp.float32),
    )(obs_p, wq, wk)


def _edge_body(src_hbm, dst_hbm, tab_hbm, out_hbm,
               acc, sidx, didx, drows, srows, msg):
    cid = lax.axis_index("c")
    sid = lax.axis_index("s")
    wid = sid * NC + cid

    zero16 = jnp.zeros((16,), jnp.float32)

    def zmsg(i, carry):
        for cc in range(DM // 16):
            msg[i, pl.ds(cc * 16, 16)] = zero16
        return carry
    lax.fori_loop(0, B, zmsg, 0)

    r0 = sid * ROWS_PER_TILE
    for k in range(ROWS_PER_TILE // 64):
        pltpu.sync_copy(msg.at[pl.ds(0, 64)], acc.at[pl.ds(r0 + k * 64, 64)])
    plsc.subcore_barrier()

    lane = lax.iota(jnp.int32, 16)

    def chunk(ci, carry):
        crow = wid * CHUNKS_PER_W + ci
        pltpu.sync_copy(src_hbm.at[crow], sidx.at[0])
        pltpu.sync_copy(dst_hbm.at[crow], didx.at[0])
        pltpu.sync_copy(tab_hbm.at[didx.at[0]], drows)
        pltpu.sync_copy(tab_hbm.at[sidx.at[0]], srows)

        def group(g, gc):
            rowsel = lane + g * 16

            def gcol(ref, col):
                return plsc.load_gather(
                    ref, [rowsel, jnp.full((16,), col, jnp.int32)])

            a0 = jnp.zeros((16,), jnp.float32)
            a1 = jnp.zeros((16,), jnp.float32)
            a2 = jnp.zeros((16,), jnp.float32)
            a3 = jnp.zeros((16,), jnp.float32)
            for j in range(16):
                kc = gcol(srows, PK + j)
                a0 = a0 + gcol(drows, PQ + j) * kc
                a1 = a1 + gcol(drows, PQ + 16 + j) * kc
                a2 = a2 + gcol(drows, PQ + 32 + j) * kc
                a3 = a3 + gcol(drows, PQ + 48 + j) * kc

            dx = gcol(drows, PP) - gcol(srows, PP)
            dy = gcol(drows, PP + 1) - gcol(srows, PP + 1)
            d2 = dx * dx + dy * dy + 1e-12
            ii = plsc.bitcast(d2, jnp.int32)
            ii = jnp.int32(0x5F3759DF) - lax.shift_right_arithmetic(ii, 1)
            y = plsc.bitcast(ii, jnp.float32)
            for _ in range(3):
                y = y * (1.5 - 0.5 * d2 * y * y)
            dist = d2 * y
            f = jnp.exp(-dist) * SCALE

            ws = [jnp.exp(a0 * f), jnp.exp(a1 * f),
                  jnp.exp(a2 * f), jnp.exp(a3 * f)]

            def scol(col, val):
                plsc.store_scatter(
                    msg, [rowsel, jnp.full((16,), col, jnp.int32)], val)

            for h in range(H):
                scol(PW + h, ws[h])
            for jv in range(18):
                vc = gcol(srows, PV + jv)
                for h in range(H):
                    scol(h * 18 + jv, ws[h] * vc)
            return gc

        lax.fori_loop(0, B // 16, group, 0)
        pltpu.sync_copy(msg, acc.at[didx.at[0]], add=True)
        return carry

    lax.fori_loop(0, CHUNKS_PER_W, chunk, 0)
    plsc.subcore_barrier()

    o0 = cid * N_PAD + r0
    for k in range(ROWS_PER_TILE // 64):
        pltpu.sync_copy(acc.at[pl.ds(r0 + k * 64, 64)], msg.at[pl.ds(0, 64)])
        pltpu.sync_copy(msg.at[pl.ds(0, 64)],
                        out_hbm.at[pl.ds(o0 + k * 64, 64)])


_edge_fn = None


def _edge(*args):
    global _edge_fn
    if _edge_fn is None:
        _edge_fn = functools.partial(
            pl.kernel,
            out_type=jax.ShapeDtypeStruct((NC * N_PAD, DM), jnp.float32),
            mesh=plsc.VectorSubcoreMesh(
                core_axis_name="c", subcore_axis_name="s",
                num_cores=NC, num_subcores=NS),
            compiler_params=pltpu.CompilerParams(
                needs_layout_passes=False),
            scratch_types=[
                pltpu.VMEM_SHARED((N_PAD, DM), jnp.float32),
                pltpu.VMEM((1, B), jnp.int32),
                pltpu.VMEM((1, B), jnp.int32),
                pltpu.VMEM((B, D), jnp.float32),
                pltpu.VMEM((B, D), jnp.float32),
                pltpu.VMEM((B, DM), jnp.float32),
            ],
        )(_edge_body)
    return _edge_fn(*args)


def _finish_body(acc_ref, wv_ref, wout_ref, wfin_ref, bout_ref, bfin_ref,
                 out_ref):
    acc = acc_ref[0] + acc_ref[1]
    wv = wv_ref[...]
    wout = wout_ref[...]
    wfin = wfin_ref[...]
    hi = lax.Precision.HIGHEST
    b3 = lax.dot_general(bout_ref[...], wfin, (((1,), (0,)), ((), ())),
                         precision=hi,
                         preferred_element_type=jnp.float32) + bfin_ref[...]
    out = jnp.broadcast_to(b3, (acc.shape[0], 2))
    for h in range(H):
        w3 = lax.dot_general(
            lax.dot_general(wv[:, h * C:(h + 1) * C],
                            wout[h * C:(h + 1) * C, :],
                            (((1,), (0,)), ((), ())), precision=hi,
                            preferred_element_type=jnp.float32),
            wfin, (((1,), (0,)), ((), ())), precision=hi,
            preferred_element_type=jnp.float32)
        denom = acc[:, PW + h:PW + h + 1] + 1e-16
        a = acc[:, h * 18:(h + 1) * 18] / denom
        out = out + lax.dot_general(a, w3, (((1,), (0,)), ((), ())),
                                    precision=hi,
                                    preferred_element_type=jnp.float32)
    out_ref[...] = out


def _finish(acc3, wv, wout, wfin, bout2, bfin2):
    return pl.pallas_call(
        _finish_body,
        grid=(N_PAD // BN,),
        in_specs=[
            pl.BlockSpec((NC, BN, DM), lambda i: (0, i, 0)),
            pl.BlockSpec((18, 512), lambda i: (0, 0)),
            pl.BlockSpec((512, 128), lambda i: (0, 0)),
            pl.BlockSpec((128, 2), lambda i: (0, 0)),
            pl.BlockSpec((1, 128), lambda i: (0, 0)),
            pl.BlockSpec((1, 2), lambda i: (0, 0)),
        ],
        out_specs=pl.BlockSpec((BN, 2), lambda i: (i, 0)),
        out_shape=jax.ShapeDtypeStruct((N_PAD, 2), jnp.float32),
    )(acc3, wv, wout, wfin, bout2, bfin2)


def kernel(obs, edge_index, Wq, Wk, Wv, Wout, bout, Wfin, bfin):
    obs_p = jnp.pad(obs, ((0, N_PAD - N), (0, 0)))
    tab = _prep(obs_p, Wq, Wk)
    src_ids = jnp.concatenate(
        [edge_index[0].astype(jnp.int32),
         jnp.zeros((E_PAD - E,), jnp.int32)]).reshape(E_PAD // B, B)
    dst_ids = jnp.concatenate(
        [edge_index[1].astype(jnp.int32),
         jnp.full((E_PAD - E,), N, jnp.int32)]).reshape(E_PAD // B, B)
    parts = _edge(src_ids, dst_ids, tab)
    acc3 = parts.reshape(NC, N_PAD, DM)
    out = _finish(acc3, Wv, Wout, Wfin,
                  bout.reshape(1, -1), bfin.reshape(1, -1))
    return out[:N]

# --- scband reference (transcript-rebuilt; emitter-appended) ---
"""Pipeline reference for scband-enhanced-pgatactor-57286273794131 (READ-ONLY COPY).

The authoritative reference and input builder live on the scoring server;
editing this copy changes nothing except your own understanding.
"""

import jax, jax.numpy as jnp
import numpy as np

N = 10000
E = 160000
H = 4           # n_attention_heads
C = 128         # out_channels per head (gnn_hidden_dim)
HID = H * C     # 512, concat dim
LAYER_OUT = 128 # lin_out output dim
N_OUT = 2       # n_agent_outputs
QD, KD, VD = 19, 16, 18  # from ObservationConfig(k_neighbors=2, k_obstacles=2)
SCALE = (C // H) ** (-0.5)
C_DECAY = 1.0


def _extract_qkv(obs):
    # ObservationConfig slices with k_neighbors=2, k_obstacles=2 (total_obs_dim=37)
    qf = jnp.concatenate([
        obs[:, 0:2], obs[:, 2:4], obs[:, 4:6], obs[:, 6:8], obs[:, 8:10],
        obs[:, 10:12], obs[:, 30:31], obs[:, 31:33], obs[:, 33:35],
        obs[:, 35:36], obs[:, 36:37]
    ], axis=-1)                                             # [N, 19]
    kf = jnp.concatenate([obs[:, 12:24], obs[:, 26:30]], axis=-1)   # [N, 16]
    vf = jnp.concatenate([obs[:, 12:24], obs[:, 24:26], obs[:, 26:30]], axis=-1)  # [N, 18]
    pos = obs[:, 0:2]
    return qf, kf, vf, pos


def setup_inputs(seed: int = 0) -> dict:
    key = jax.random.key(seed)
    ks = jax.random.split(key, 10)
    obs = jax.random.normal(ks[0], (N, 37), dtype=jnp.float32)
    edge_index = jax.random.randint(ks[1], (2, E), 0, N)
    Wq = jax.random.normal(ks[2], (QD, HID), dtype=jnp.float32) * (1.0 / np.sqrt(QD))
    Wk = jax.random.normal(ks[3], (KD, HID), dtype=jnp.float32) * (1.0 / np.sqrt(KD))
    Wv = jax.random.normal(ks[4], (VD, HID), dtype=jnp.float32) * (1.0 / np.sqrt(VD))
    Wout = jax.random.normal(ks[5], (HID, LAYER_OUT), dtype=jnp.float32) * (1.0 / np.sqrt(HID))
    bout = jnp.zeros((LAYER_OUT,), dtype=jnp.float32)
    Wfin = jax.random.normal(ks[6], (LAYER_OUT, N_OUT), dtype=jnp.float32) * (1.0 / np.sqrt(LAYER_OUT))
    bfin = jnp.zeros((N_OUT,), dtype=jnp.float32)
    return {"obs": obs, "edge_index": edge_index, "Wq": Wq, "Wk": Wk, "Wv": Wv,
            "Wout": Wout, "bout": bout, "Wfin": Wfin, "bfin": bfin}


def reference(obs, edge_index, Wq, Wk, Wv, Wout, bout, Wfin, bfin):
    qf, kf, vf, pos = _extract_qkv(obs)
    q = (qf @ Wq).reshape(-1, H, C)
    k = (kf @ Wk).reshape(-1, H, C)
    v = (vf @ Wv).reshape(-1, H, C)
    src = edge_index[0]
    dst = edge_index[1]
    # message: position-weighted dot-product attention logits per edge
    alpha = jnp.sum(q[dst] * k[src], axis=-1) * SCALE           # [E, H]
    d = pos[dst] - pos[src]
    dist = jnp.sqrt(jnp.sum(d * d, axis=-1, keepdims=True) + 1e-12)  # [E, 1]
    alpha = alpha * jnp.exp(-C_DECAY * dist)                    # [E, H]
    # segment softmax over incoming edges of each dst node
    amax = jax.ops.segment_max(alpha, dst, num_segments=N)      # [N, H]
    amax = jnp.where(jnp.isfinite(amax), amax, 0.0)
    ex = jnp.exp(alpha - amax[dst])
    denom = jax.ops.segment_sum(ex, dst, num_segments=N) + 1e-16
    a = ex / denom[dst]                                         # [E, H]
    # aggregate: scatter-add value messages
    msg = v[src] * a[:, :, None]                                # [E, H, C]
    out = jax.ops.segment_sum(msg, dst, num_segments=N)         # [N, H, C]
    out = out.reshape(-1, H * C)                                # concat heads
    out = out @ Wout + bout                                     # lin_out -> [N, 128]
    out = out @ Wfin + bfin                                     # actor head -> [N, 2]
    return out

if __name__ == "__main__":
    import jax
    _d = setup_inputs()
    print(jax.jit(kernel)(*tuple(_d.values())))

</pallas_src>

<mosaic_0001>
#map = affine_map<(d0, d1) -> (0, 0)>
module attributes {stable_mosaic.version = 14 : i64} {
  func.func @_edge_body(%arg0: i32, %arg1: i32, %arg2: memref<1728x96xi32, #tpu.memory_space<hbm>>, %arg3: memref<1728x96xi32, #tpu.memory_space<hbm>>, %arg4: memref<10240x128xf32, #tpu.memory_space<hbm>>, %arg5: memref<20480x128xf32, #tpu.memory_space<hbm>>, %arg6: memref<10240x128xf32, #tpu.memory_space<vmem_shared>>, %arg7: memref<1x96xi32, #tpu.memory_space<vmem>>, %arg8: memref<1x96xi32, #tpu.memory_space<vmem>>, %arg9: memref<96x128xf32, #tpu.memory_space<vmem>>, %arg10: memref<96x128xf32, #tpu.memory_space<vmem>>, %arg11: memref<96x128xf32, #tpu.memory_space<vmem>>) attributes {dimension_semantics = [#tpu.dimension_semantics<core_parallel>, #tpu.dimension_semantics<subcore_parallel>], iteration_bounds = array<i64: 2, 16>, scalar_prefetch = 0 : i64, scratch_operands = 6 : i64, tpu.core_type = #tpu.core_type<sc_vector_subcore>, window_params = [{transform_indices = #map}, {transform_indices = #map}, {transform_indices = #map}, {transform_indices = #map}]} {
    %mul3A = arith.constant 2 : i32
    %mul3A_0 = arith.muli %arg1, %mul3A : i32
    %add3A = arith.addi %mul3A_0, %arg0 : i32
    %broadcast_in_dim3A = arith.constant 0.000000e+00 : f32
    %broadcast_in_dim3A_1 = vector.broadcast %broadcast_in_dim3A : f32 to vector<16xf32>
    %scan3A = arith.constant 0 : i32
    %scan3A_2 = arith.constant 0 : i32
    %scan3A_3 = arith.constant 96 : i32
    %scan3A_4 = arith.addi %scan3A_2, %scan3A_3 : i32
    %scan3A_5 = arith.constant 1 : i32
    scf.for %scan3A_79 = %scan3A_2 to %scan3A_4 step %scan3A_5  : i32 {
      %swap3A = arith.index_cast %scan3A_79 : i32 to index
      %swap3A_80 = arith.constant 0 : index
      %swap3A_81 = tpu.vector_load %arg11[%swap3A, %swap3A_80] {strides = array<i32>} : memref<96x128xf32, #tpu.memory_space<vmem>>, vector<16xf32>,
      tpu.vector_store %arg11[%swap3A, %swap3A_80], %broadcast_in_dim3A_1 {strides = array<i32>} : memref<96x128xf32, #tpu.memory_space<vmem>>, vector<16xf32>,
      %swap3A_82 = arith.index_cast %scan3A_79 : i32 to index
      %swap3A_83 = arith.constant 16 : index
      %swap3A_84 = tpu.vector_load %arg11[%swap3A_82, %swap3A_83] {strides = array<i32>} : memref<96x128xf32, #tpu.memory_space<vmem>>, vector<16xf32>,
      tpu.vector_store %arg11[%swap3A_82, %swap3A_83], %broadcast_in_dim3A_1 {strides = array<i32>} : memref<96x128xf32, #tpu.memory_space<vmem>>, vector<16xf32>,
      %swap3A_85 = arith.index_cast %scan3A_79 : i32 to index
      %swap3A_86 = arith.constant 32 : index
      %swap3A_87 = tpu.vector_load %arg11[%swap3A_85, %swap3A_86] {strides = array<i32>} : memref<96x128xf32, #tpu.memory_space<vmem>>, vector<16xf32>,
      tpu.vector_store %arg11[%swap3A_85, %swap3A_86], %broadcast_in_dim3A_1 {strides = array<i32>} : memref<96x128xf32, #tpu.memory_space<vmem>>, vector<16xf32>,
      %swap3A_88 = arith.index_cast %scan3A_79 : i32 to index
      %swap3A_89 = arith.constant 48 : index
      %swap3A_90 = tpu.vector_load %arg11[%swap3A_88, %swap3A_89] {strides = array<i32>} : memref<96x128xf32, #tpu.memory_space<vmem>>, vector<16xf32>,
      tpu.vector_store %arg11[%swap3A_88, %swap3A_89], %broadcast_in_dim3A_1 {strides = array<i32>} : memref<96x128xf32, #tpu.memory_space<vmem>>, vector<16xf32>,
      %swap3A_91 = arith.index_cast %scan3A_79 : i32 to index
      %swap3A_92 = arith.constant 64 : index
      %swap3A_93 = tpu.vector_load %arg11[%swap3A_91, %swap3A_92] {strides = array<i32>} : memref<96x128xf32, #tpu.memory_space<vmem>>, vector<16xf32>,
      tpu.vector_store %arg11[%swap3A_91, %swap3A_92], %broadcast_in_dim3A_1 {strides = array<i32>} : memref<96x128xf32, #tpu.memory_space<vmem>>, vector<16xf32>,
      %swap3A_94 = arith.index_cast %scan3A_79 : i32 to index
      %swap3A_95 = arith.constant 80 : index
      %swap3A_96 = tpu.vector_load %arg11[%swap3A_94, %swap3A_95] {strides = array<i32>} : memref<96x128xf32, #tpu.memory_space<vmem>>, vector<16xf32>,
      tpu.vector_store %arg11[%swap3A_94, %swap3A_95], %broadcast_in_dim3A_1 {strides = array<i32>} : memref<96x128xf32, #tpu.memory_space<vmem>>, vector<16xf32>,
      %swap3A_97 = arith.index_cast %scan3A_79 : i32 to index
      %swap3A_98 = arith.constant 96 : index
      %swap3A_99 = tpu.vector_load %arg11[%swap3A_97, %swap3A_98] {strides = array<i32>} : memref<96x128xf32, #tpu.memory_space<vmem>>, vector<16xf32>,
      tpu.vector_store %arg11[%swap3A_97, %swap3A_98], %broadcast_in_dim3A_1 {strides = array<i32>} : memref<96x128xf32, #tpu.memory_space<vmem>>, vector<16xf32>,
      %swap3A_100 = arith.index_cast %scan3A_79 : i32 to index
      %swap3A_101 = arith.constant 112 : index
      %swap3A_102 = tpu.vector_load %arg11[%swap3A_100, %swap3A_101] {strides = array<i32>} : memref<96x128xf32, #tpu.memory_space<vmem>>, vector<16xf32>,
      tpu.vector_store %arg11[%swap3A_100, %swap3A_101], %broadcast_in_dim3A_1 {strides = array<i32>} : memref<96x128xf32, #tpu.memory_space<vmem>>, vector<16xf32>,
    }
    %scan3A_6 = arith.constant 96 : i32
    %mul3A_7 = arith.constant 640 : i32
    %mul3A_8 = arith.muli %arg1, %mul3A_7 : i32
    %add3A_9 = arith.constant 0 : i32
    %add3A_10 = arith.addi %mul3A_8, %add3A_9 : i32
    "tpu.region"() ({
      %run_scoped3A = tpu.sem_alloc : memref<!tpu.dma_semaphore, #tpu.memory_space<semaphore_mem>>
      %dma_start3A = arith.constant 0 : i32
      %dma_start3A_79 = arith.constant 0 : i32
      %dma_start3A_80 = tpu.memref_slice %arg11[%dma_start3A, %dma_start3A_79] : memref<96x128xf32, #tpu.memory_space<vmem>> -> memref<64x128xf32, #tpu.memory_space<vmem>>
      %dma_start3A_81 = arith.constant 0 : i32
      %dma_start3A_82 = tpu.memref_slice %arg6[%add3A_10, %dma_start3A_81] : memref<10240x128xf32, #tpu.memory_space<vmem_shared>> -> memref<64x128xf32, #tpu.memory_space<vmem_shared>>
      %dma_start3A_83 = arith.constant 0 : i32
      %dma_start3A_84 = tpu.memref_slice %arg6[%add3A_10, %dma_start3A_83] : memref<10240x128xf32, #tpu.memory_space<vmem_shared>> -> memref<64x128xf32, #tpu.memory_space<vmem_shared>>
      %dma_start3A_85 = arith.constant 0 : i32
      %dma_start3A_86 = arith.constant 0 : i32
      %dma_start3A_87 = tpu.memref_slice %arg11[%dma_start3A_85, %dma_start3A_86] : memref<96x128xf32, #tpu.memory_space<vmem>> -> memref<64x128xf32, #tpu.memory_space<vmem>>
      tpu.enqueue_dma source(%dma_start3A_87 : memref<64x128xf32, #tpu.memory_space<vmem>>) target(%dma_start3A_84 : memref<64x128xf32, #tpu.memory_space<vmem_shared>>) target_semaphore(%run_scoped3A : memref<!tpu.dma_semaphore, #tpu.memory_space<semaphore_mem>>)
      %dma_wait3A = arith.constant 0 : i32
      %dma_wait3A_88 = arith.constant 0 : i32
      %dma_wait3A_89 = tpu.memref_slice %arg11[%dma_wait3A, %dma_wait3A_88] : memref<96x128xf32, #tpu.memory_space<vmem>> -> memref<64x128xf32, #tpu.memory_space<vmem>>
      %dma_wait3A_90 = arith.constant 0 : i32
      %dma_wait3A_91 = tpu.memref_slice %arg6[%add3A_10, %dma_wait3A_90] : memref<10240x128xf32, #tpu.memory_space<vmem_shared>> -> memref<64x128xf32, #tpu.memory_space<vmem_shared>>
      %dma_wait3A_92 = arith.constant 0 : i32
      %dma_wait3A_93 = tpu.memref_slice %arg6[%add3A_10, %dma_wait3A_92] : memref<10240x128xf32, #tpu.memory_space<vmem_shared>> -> memref<64x128xf32, #tpu.memory_space<vmem_shared>>
      %dma_wait3A_94 = arith.constant 0 : i32
      %dma_wait3A_95 = arith.constant 0 : i32
      %dma_wait3A_96 = tpu.memref_slice %arg11[%dma_wait3A_94, %dma_wait3A_95] : memref<96x128xf32, #tpu.memory_space<vmem>> -> memref<64x128xf32, #tpu.memory_space<vmem>>
      tpu.wait_dma2 semaphore(%run_scoped3A : memref<!tpu.dma_semaphore, #tpu.memory_space<semaphore_mem>>) src(%dma_wait3A_96 : memref<64x128xf32, #tpu.memory_space<vmem>>) dst(%dma_wait3A_93 : memref<64x128xf32, #tpu.memory_space<vmem_shared>>)
      tpu.yield
    }) : () -> ()
    %add3A_11 = arith.constant 64 : i32
    %add3A_12 = arith.addi %mul3A_8, %add3A_11 : i32
    "tpu.region"() ({
      %run_scoped3A = tpu.sem_alloc : memref<!tpu.dma_semaphore, #tpu.memory_space<semaphore_mem>>
      %dma_start3A = arith.constant 0 : i32
      %dma_start3A_79 = arith.constant 0 : i32
      %dma_start3A_80 = tpu.memref_slice %arg11[%dma_start3A, %dma_start3A_79] : memref<96x128xf32, #tpu.memory_space<vmem>> -> memref<64x128xf32, #tpu.memory_space<vmem>>
      %dma_start3A_81 = arith.constant 0 : i32
      %dma_start3A_82 = tpu.memref_slice %arg6[%add3A_12, %dma_start3A_81] : memref<10240x128xf32, #tpu.memory_space<vmem_shared>> -> memref<64x128xf32, #tpu.memory_space<vmem_shared>>
      %dma_start3A_83 = arith.constant 0 : i32
      %dma_start3A_84 = tpu.memref_slice %arg6[%add3A_12, %dma_start3A_83] : memref<10240x128xf32, #tpu.memory_space<vmem_shared>> -> memref<64x128xf32, #tpu.memory_space<vmem_shared>>
      %dma_start3A_85 = arith.constant 0 : i32
      %dma_start3A_86 = arith.constant 0 : i32
      %dma_start3A_87 = tpu.memref_slice %arg11[%dma_start3A_85, %dma_start3A_86] : memref<96x128xf32, #tpu.memory_space<vmem>> -> memref<64x128xf32, #tpu.memory_space<vmem>>
      tpu.enqueue_dma source(%dma_start3A_87 : memref<64x128xf32, #tpu.memory_space<vmem>>) target(%dma_start3A_84 : memref<64x128xf32, #tpu.memory_space<vmem_shared>>) target_semaphore(%run_scoped3A : memref<!tpu.dma_semaphore, #tpu.memory_space<semaphore_mem>>)
      %dma_wait3A = arith.constant 0 : i32
      %dma_wait3A_88 = arith.constant 0 : i32
      %dma_wait3A_89 = tpu.memref_slice %arg11[%dma_wait3A, %dma_wait3A_88] : memref<96x128xf32, #tpu.memory_space<vmem>> -> memref<64x128xf32, #tpu.memory_space<vmem>>
      %dma_wait3A_90 = arith.constant 0 : i32
      %dma_wait3A_91 = tpu.memref_slice %arg6[%add3A_12, %dma_wait3A_90] : memref<10240x128xf32, #tpu.memory_space<vmem_shared>> -> memref<64x128xf32, #tpu.memory_space<vmem_shared>>
      %dma_wait3A_92 = arith.constant 0 : i32
      %dma_wait3A_93 = tpu.memref_slice %arg6[%add3A_12, %dma_wait3A_92] : memref<10240x128xf32, #tpu.memory_space<vmem_shared>> -> memref<64x128xf32, #tpu.memory_space<vmem_shared>>
      %dma_wait3A_94 = arith.constant 0 : i32
      %dma_wait3A_95 = arith.constant 0 : i32
      %dma_wait3A_96 = tpu.memref_slice %arg11[%dma_wait3A_94, %dma_wait3A_95] : memref<96x128xf32, #tpu.memory_space<vmem>> -> memref<64x128xf32, #tpu.memory_space<vmem>>
      tpu.wait_dma2 semaphore(%run_scoped3A : memref<!tpu.dma_semaphore, #tpu.memory_space<semaphore_mem>>) src(%dma_wait3A_96 : memref<64x128xf32, #tpu.memory_space<vmem>>) dst(%dma_wait3A_93 : memref<64x128xf32, #tpu.memory_space<vmem_shared>>)
      tpu.yield
    }) : () -> ()
    %add3A_13 = arith.constant 128 : i32
    %add3A_14 = arith.addi %mul3A_8, %add3A_13 : i32
    "tpu.region"() ({
      %run_scoped3A = tpu.sem_alloc : memref<!tpu.dma_semaphore, #tpu.memory_space<semaphore_mem>>
      %dma_start3A = arith.constant 0 : i32
      %dma_start3A_79 = arith.constant 0 : i32
      %dma_start3A_80 = tpu.memref_slice %arg11[%dma_start3A, %dma_start3A_79] : memref<96x128xf32, #tpu.memory_space<vmem>> -> memref<64x128xf32, #tpu.memory_space<vmem>>
      %dma_start3A_81 = arith.constant 0 : i32
      %dma_start3A_82 = tpu.memref_slice %arg6[%add3A_14, %dma_start3A_81] : memref<10240x128xf32, #tpu.memory_space<vmem_shared>> -> memref<64x128xf32, #tpu.memory_space<vmem_shared>>
      %dma_start3A_83 = arith.constant 0 : i32
      %dma_start3A_84 = tpu.memref_slice %arg6[%add3A_14, %dma_start3A_83] : memref<10240x128xf32, #tpu.memory_space<vmem_shared>> -> memref<64x128xf32, #tpu.memory_space<vmem_shared>>
      %dma_start3A_85 = arith.constant 0 : i32
      %dma_start3A_86 = arith.constant 0 : i32
      %dma_start3A_87 = tpu.memref_slice %arg11[%dma_start3A_85, %dma_start3A_86] : memref<96x128xf32, #tpu.memory_space<vmem>> -> memref<64x128xf32, #tpu.memory_space<vmem>>
      tpu.enqueue_dma source(%dma_start3A_87 : memref<64x128xf32, #tpu.memory_space<vmem>>) target(%dma_start3A_84 : memref<64x128xf32, #tpu.memory_space<vmem_shared>>) target_semaphore(%run_scoped3A : memref<!tpu.dma_semaphore, #tpu.memory_space<semaphore_mem>>)
      %dma_wait3A = arith.constant 0 : i32
      %dma_wait3A_88 = arith.constant 0 : i32
      %dma_wait3A_89 = tpu.memref_slice %arg11[%dma_wait3A, %dma_wait3A_88] : memref<96x128xf32, #tpu.memory_space<vmem>> -> memref<64x128xf32, #tpu.memory_space<vmem>>
      %dma_wait3A_90 = arith.constant 0 : i32
      %dma_wait3A_91 = tpu.memref_slice %arg6[%add3A_14, %dma_wait3A_90] : memref<10240x128xf32, #tpu.memory_space<vmem_shared>> -> memref<64x128xf32, #tpu.memory_space<vmem_shared>>
      %dma_wait3A_92 = arith.constant 0 : i32
      %dma_wait3A_93 = tpu.memref_slice %arg6[%add3A_14, %dma_wait3A_92] : memref<10240x128xf32, #tpu.memory_space<vmem_shared>> -> memref<64x128xf32, #tpu.memory_space<vmem_shared>>
      %dma_wait3A_94 = arith.constant 0 : i32
      %dma_wait3A_95 = arith.constant 0 : i32
      %dma_wait3A_96 = tpu.memref_slice %arg11[%dma_wait3A_94, %dma_wait3A_95] : memref<96x128xf32, #tpu.memory_space<vmem>> -> memref<64x128xf32, #tpu.memory_space<vmem>>
      tpu.wait_dma2 semaphore(%run_scoped3A : memref<!tpu.dma_semaphore, #tpu.memory_space<semaphore_mem>>) src(%dma_wait3A_96 : memref<64x128xf32, #tpu.memory_space<vmem>>) dst(%dma_wait3A_93 : memref<64x128xf32, #tpu.memory_space<vmem_shared>>)
      tpu.yield
    }) : () -> ()
    %add3A_15 = arith.constant 192 : i32
    %add3A_16 = arith.addi %mul3A_8, %add3A_15 : i32
    "tpu.region"() ({
      %run_scoped3A = tpu.sem_alloc : memref<!tpu.dma_semaphore, #tpu.memory_space<semaphore_mem>>
      %dma_start3A = arith.constant 0 : i32
      %dma_start3A_79 = arith.constant 0 : i32
      %dma_start3A_80 = tpu.memref_slice %arg11[%dma_start3A, %dma_start3A_79] : memref<96x128xf32, #tpu.memory_space<vmem>> -> memref<64x128xf32, #tpu.memory_space<vmem>>
      %dma_start3A_81 = arith.constant 0 : i32
      %dma_start3A_82 = tpu.memref_slice %arg6[%add3A_16, %dma_start3A_81] : memref<10240x128xf32, #tpu.memory_space<vmem_shared>> -> memref<64x128xf32, #tpu.memory_space<vmem_shared>>
      %dma_start3A_83 = arith.constant 0 : i32
      %dma_start3A_84 = tpu.memref_slice %arg6[%add3A_16, %dma_start3A_83] : memref<10240x128xf32, #tpu.memory_space<vmem_shared>> -> memref<64x128xf32, #tpu.memory_space<vmem_shared>>
      %dma_start3A_85 = arith.constant 0 : i32
      %dma_start3A_86 = arith.constant 0 : i32
      %dma_start3A_87 = tpu.memref_slice %arg11[%dma_start3A_85, %dma_start3A_86] : memref<96x128xf32, #tpu.memory_space<vmem>> -> memref<64x128xf32, #tpu.memory_space<vmem>>
      tpu.enqueue_dma source(%dma_start3A_87 : memref<64x128xf32, #tpu.memory_space<vmem>>) target(%dma_start3A_84 : memref<64x128xf32, #tpu.memory_space<vmem_shared>>) target_semaphore(%run_scoped3A : memref<!tpu.dma_semaphore, #tpu.memory_space<semaphore_mem>>)
      %dma_wait3A = arith.constant 0 : i32
      %dma_wait3A_88 = arith.constant 0 : i32
      %dma_wait3A_89 = tpu.memref_slice %arg11[%dma_wait3A, %dma_wait3A_88] : memref<96x128xf32, #tpu.memory_space<vmem>> -> memref<64x128xf32, #tpu.memory_space<vmem>>
      %dma_wait3A_90 = arith.constant 0 : i32
      %dma_wait3A_91 = tpu.memref_slice %arg6[%add3A_16, %dma_wait3A_90] : memref<10240x128xf32, #tpu.memory_space<vmem_shared>> -> memref<64x128xf32, #tpu.memory_space<vmem_shared>>
      %dma_wait3A_92 = arith.constant 0 : i32
      %dma_wait3A_93 = tpu.memref_slice %arg6[%add3A_16, %dma_wait3A_92] : memref<10240x128xf32, #tpu.memory_space<vmem_shared>> -> memref<64x128xf32, #tpu.memory_space<vmem_shared>>
      %dma_wait3A_94 = arith.constant 0 : i32
      %dma_wait3A_95 = arith.constant 0 : i32
      %dma_wait3A_96 = tpu.memref_slice %arg11[%dma_wait3A_94, %dma_wait3A_95] : memref<96x128xf32, #tpu.memory_space<vmem>> -> memref<64x128xf32, #tpu.memory_space<vmem>>
      tpu.wait_dma2 semaphore(%run_scoped3A : memref<!tpu.dma_semaphore, #tpu.memory_space<semaphore_mem>>) src(%dma_wait3A_96 : memref<64x128xf32, #tpu.memory_space<vmem>>) dst(%dma_wait3A_93 : memref<64x128xf32, #tpu.memory_space<vmem_shared>>)
      tpu.yield
    }) : () -> ()
    %add3A_17 = arith.constant 256 : i32
    %add3A_18 = arith.addi %mul3A_8, %add3A_17 : i32
    "tpu.region"() ({
      %run_scoped3A = tpu.sem_alloc : memref<!tpu.dma_semaphore, #tpu.memory_space<semaphore_mem>>
      %dma_start3A = arith.constant 0 : i32
      %dma_start3A_79 = arith.constant 0 : i32
      %dma_start3A_80 = tpu.memref_slice %arg11[%dma_start3A, %dma_start3A_79] : memref<96x128xf32, #tpu.memory_space<vmem>> -> memref<64x128xf32, #tpu.memory_space<vmem>>
      %dma_start3A_81 = arith.constant 0 : i32
      %dma_start3A_82 = tpu.memref_slice %arg6[%add3A_18, %dma_start3A_81] : memref<10240x128xf32, #tpu.memory_space<vmem_shared>> -> memref<64x128xf32, #tpu.memory_space<vmem_shared>>
      %dma_start3A_83 = arith.constant 0 : i32
      %dma_start3A_84 = tpu.memref_slice %arg6[%add3A_18, %dma_start3A_83] : memref<10240x128xf32, #tpu.memory_space<vmem_shared>> -> memref<64x128xf32, #tpu.memory_space<vmem_shared>>
      %dma_start3A_85 = arith.constant 0 : i32
      %dma_start3A_86 = arith.constant 0 : i32
      %dma_start3A_87 = tpu.memref_slice %arg11[%dma_start3A_85, %dma_start3A_86] : memref<96x128xf32, #tpu.memory_space<vmem>> -> memref<64x128xf32, #tpu.memory_space<vmem>>
      tpu.enqueue_dma source(%dma_start3A_87 : memref<64x128xf32, #tpu.memory_space<vmem>>) target(%dma_start3A_84 : memref<64x128xf32, #tpu.memory_space<vmem_shared>>) target_semaphore(%run_scoped3A : memref<!tpu.dma_semaphore, #tpu.memory_space<semaphore_mem>>)
      %dma_wait3A = arith.constant 0 : i32
      %dma_wait3A_88 = arith.constant 0 : i32
      %dma_wait3A_89 = tpu.memref_slice %arg11[%dma_wait3A, %dma_wait3A_88] : memref<96x128xf32, #tpu.memory_space<vmem>> -> memref<64x128xf32, #tpu.memory_space<vmem>>
      %dma_wait3A_90 = arith.constant 0 : i32
      %dma_wait3A_91 = tpu.memref_slice %arg6[%add3A_18, %dma_wait3A_90] : memref<10240x128xf32, #tpu.memory_space<vmem_shared>> -> memref<64x128xf32, #tpu.memory_space<vmem_shared>>
      %dma_wait3A_92 = arith.constant 0 : i32
      %dma_wait3A_93 = tpu.memref_slice %arg6[%add3A_18, %dma_wait3A_92] : memref<10240x128xf32, #tpu.memory_space<vmem_shared>> -> memref<64x128xf32, #tpu.memory_space<vmem_shared>>
      %dma_wait3A_94 = arith.constant 0 : i32
      %dma_wait3A_95 = arith.constant 0 : i32
      %dma_wait3A_96 = tpu.memref_slice %arg11[%dma_wait3A_94, %dma_wait3A_95] : memref<96x128xf32, #tpu.memory_space<vmem>> -> memref<64x128xf32, #tpu.memory_space<vmem>>
      tpu.wait_dma2 semaphore(%run_scoped3A : memref<!tpu.dma_semaphore, #tpu.memory_space<semaphore_mem>>) src(%dma_wait3A_96 : memref<64x128xf32, #tpu.memory_space<vmem>>) dst(%dma_wait3A_93 : memref<64x128xf32, #tpu.memory_space<vmem_shared>>)
      tpu.yield
    }) : () -> ()
    %add3A_19 = arith.constant 320 : i32
    %add3A_20 = arith.addi %mul3A_8, %add3A_19 : i32
    "tpu.region"() ({
      %run_scoped3A = tpu.sem_alloc : memref<!tpu.dma_semaphore, #tpu.memory_space<semaphore_mem>>
      %dma_start3A = arith.constant 0 : i32
      %dma_start3A_79 = arith.constant 0 : i32
      %dma_start3A_80 = tpu.memref_slice %arg11[%dma_start3A, %dma_start3A_79] : memref<96x128xf32, #tpu.memory_space<vmem>> -> memref<64x128xf32, #tpu.memory_space<vmem>>
      %dma_start3A_81 = arith.constant 0 : i32
      %dma_start3A_82 = tpu.memref_slice %arg6[%add3A_20, %dma_start3A_81] : memref<10240x128xf32, #tpu.memory_space<vmem_shared>> -> memref<64x128xf32, #tpu.memory_space<vmem_shared>>
      %dma_start3A_83 = arith.constant 0 : i32
      %dma_start3A_84 = tpu.memref_slice %arg6[%add3A_20, %dma_start3A_83] : memref<10240x128xf32, #tpu.memory_space<vmem_shared>> -> memref<64x128xf32, #tpu.memory_space<vmem_shared>>
      %dma_start3A_85 = arith.constant 0 : i32
      %dma_start3A_86 = arith.constant 0 : i32
      %dma_start3A_87 = tpu.memref_slice %arg11[%dma_start3A_85, %dma_start3A_86] : memref<96x128xf32, #tpu.memory_space<vmem>> -> memref<64x128xf32, #tpu.memory_space<vmem>>
      tpu.enqueue_dma source(%dma_start3A_87 : memref<64x128xf32, #tpu.memory_space<vmem>>) target(%dma_start3A_84 : memref<64x128xf32, #tpu.memory_space<vmem_shared>>) target_semaphore(%run_scoped3A : memref<!tpu.dma_semaphore, #tpu.memory_space<semaphore_mem>>)
      %dma_wait3A = arith.constant 0 : i32
      %dma_wait3A_88 = arith.constant 0 : i32
      %dma_wait3A_89 = tpu.memref_slice %arg11[%dma_wait3A, %dma_wait3A_88] : memref<96x128xf32, #tpu.memory_space<vmem>> -> memref<64x128xf32, #tpu.memory_space<vmem>>
      %dma_wait3A_90 = arith.constant 0 : i32
      %dma_wait3A_91 = tpu.memref_slice %arg6[%add3A_20, %dma_wait3A_90] : memref<10240x128xf32, #tpu.memory_space<vmem_shared>> -> memref<64x128xf32, #tpu.memory_space<vmem_shared>>
      %dma_wait3A_92 = arith.constant 0 : i32
      %dma_wait3A_93 = tpu.memref_slice %arg6[%add3A_20, %dma_wait3A_92] : memref<10240x128xf32, #tpu.memory_space<vmem_shared>> -> memref<64x128xf32, #tpu.memory_space<vmem_shared>>
      %dma_wait3A_94 = arith.constant 0 : i32
      %dma_wait3A_95 = arith.constant 0 : i32
      %dma_wait3A_96 = tpu.memref_slice %arg11[%dma_wait3A_94, %dma_wait3A_95] : memref<96x128xf32, #tpu.memory_space<vmem>> -> memref<64x128xf32, #tpu.memory_space<vmem>>
      tpu.wait_dma2 semaphore(%run_scoped3A : memref<!tpu.dma_semaphore, #tpu.memory_space<semaphore_mem>>) src(%dma_wait3A_96 : memref<64x128xf32, #tpu.memory_space<vmem>>) dst(%dma_wait3A_93 : memref<64x128xf32, #tpu.memory_space<vmem_shared>>)
      tpu.yield
    }) : () -> ()
    %add3A_21 = arith.constant 384 : i32
    %add3A_22 = arith.addi %mul3A_8, %add3A_21 : i32
    "tpu.region"() ({
      %run_scoped3A = tpu.sem_alloc : memref<!tpu.dma_semaphore, #tpu.memory_space<semaphore_mem>>
      %dma_start3A = arith.constant 0 : i32
      %dma_start3A_79 = arith.constant 0 : i32
      %dma_start3A_80 = tpu.memref_slice %arg11[%dma_start3A, %dma_start3A_79] : memref<96x128xf32, #tpu.memory_space<vmem>> -> memref<64x128xf32, #tpu.memory_space<vmem>>
      %dma_start3A_81 = arith.constant 0 : i32
      %dma_start3A_82 = tpu.memref_slice %arg6[%add3A_22, %dma_start3A_81] : memref<10240x128xf32, #tpu.memory_space<vmem_shared>> -> memref<64x128xf32, #tpu.memory_space<vmem_shared>>
      %dma_start3A_83 = arith.constant 0 : i32
      %dma_start3A_84 = tpu.memref_slice %arg6[%add3A_22, %dma_start3A_83] : memref<10240x128xf32, #tpu.memory_space<vmem_shared>> -> memref<64x128xf32, #tpu.memory_space<vmem_shared>>
      %dma_start3A_85 = arith.constant 0 : i32
      %dma_start3A_86 = arith.constant 0 : i32
      %dma_start3A_87 = tpu.memref_slice %arg11[%dma_start3A_85, %dma_start3A_86] : memref<96x128xf32, #tpu.memory_space<vmem>> -> memref<64x128xf32, #tpu.memory_space<vmem>>
      tpu.enqueue_dma source(%dma_start3A_87 : memref<64x128xf32, #tpu.memory_space<vmem>>) target(%dma_start3A_84 : memref<64x128xf32, #tpu.memory_space<vmem_shared>>) target_semaphore(%run_scoped3A : memref<!tpu.dma_semaphore, #tpu.memory_space<semaphore_mem>>)
      %dma_wait3A = arith.constant 0 : i32
      %dma_wait3A_88 = arith.constant 0 : i32
      %dma_wait3A_89 = tpu.memref_slice %arg11[%dma_wait3A, %dma_wait3A_88] : memref<96x128xf32, #tpu.memory_space<vmem>> -> memref<64x128xf32, #tpu.memory_space<vmem>>
      %dma_wait3A_90 = arith.constant 0 : i32
      %dma_wait3A_91 = tpu.memref_slice %arg6[%add3A_22, %dma_wait3A_90] : memref<10240x128xf32, #tpu.memory_space<vmem_shared>> -> memref<64x128xf32, #tpu.memory_space<vmem_shared>>
      %dma_wait3A_92 = arith.constant 0 : i32
      %dma_wait3A_93 = tpu.memref_slice %arg6[%add3A_22, %dma_wait3A_92] : memref<10240x128xf32, #tpu.memory_space<vmem_shared>> -> memref<64x128xf32, #tpu.memory_space<vmem_shared>>
      %dma_wait3A_94 = arith.constant 0 : i32
      %dma_wait3A_95 = arith.constant 0 : i32
      %dma_wait3A_96 = tpu.memref_slice %arg11[%dma_wait3A_94, %dma_wait3A_95] : memref<96x128xf32, #tpu.memory_space<vmem>> -> memref<64x128xf32, #tpu.memory_space<vmem>>
      tpu.wait_dma2 semaphore(%run_scoped3A : memref<!tpu.dma_semaphore, #tpu.memory_space<semaphore_mem>>) src(%dma_wait3A_96 : memref<64x128xf32, #tpu.memory_space<vmem>>) dst(%dma_wait3A_93 : memref<64x128xf32, #tpu.memory_space<vmem_shared>>)
      tpu.yield
    }) : () -> ()
    %add3A_23 = arith.constant 448 : i32
    %add3A_24 = arith.addi %mul3A_8, %add3A_23 : i32
    "tpu.region"() ({
      %run_scoped3A = tpu.sem_alloc : memref<!tpu.dma_semaphore, #tpu.memory_space<semaphore_mem>>
      %dma_start3A = arith.constant 0 : i32
      %dma_start3A_79 = arith.constant 0 : i32
      %dma_start3A_80 = tpu.memref_slice %arg11[%dma_start3A, %dma_start3A_79] : memref<96x128xf32, #tpu.memory_space<vmem>> -> memref<64x128xf32, #tpu.memory_space<vmem>>
      %dma_start3A_81 = arith.constant 0 : i32
      %dma_start3A_82 = tpu.memref_slice %arg6[%add3A_24, %dma_start3A_81] : memref<10240x128xf32, #tpu.memory_space<vmem_shared>> -> memref<64x128xf32, #tpu.memory_space<vmem_shared>>
      %dma_start3A_83 = arith.constant 0 : i32
      %dma_start3A_84 = tpu.memref_slice %arg6[%add3A_24, %dma_start3A_83] : memref<10240x128xf32, #tpu.memory_space<vmem_shared>> -> memref<64x128xf32, #tpu.memory_space<vmem_shared>>
      %dma_start3A_85 = arith.constant 0 : i32
      %dma_start3A_86 = arith.constant 0 : i32
      %dma_start3A_87 = tpu.memref_slice %arg11[%dma_start3A_85, %dma_start3A_86] : memref<96x128xf32, #tpu.memory_space<vmem>> -> memref<64x128xf32, #tpu.memory_space<vmem>>
      tpu.enqueue_dma source(%dma_start3A_87 : memref<64x128xf32, #tpu.memory_space<vmem>>) target(%dma_start3A_84 : memref<64x128xf32, #tpu.memory_space<vmem_shared>>) target_semaphore(%run_scoped3A : memref<!tpu.dma_semaphore, #tpu.memory_space<semaphore_mem>>)
      %dma_wait3A = arith.constant 0 : i32
      %dma_wait3A_88 = arith.constant 0 : i32
      %dma_wait3A_89 = tpu.memref_slice %arg11[%dma_wait3A, %dma_wait3A_88] : memref<96x128xf32, #tpu.memory_space<vmem>> -> memref<64x128xf32, #tpu.memory_space<vmem>>
      %dma_wait3A_90 = arith.constant 0 : i32
      %dma_wait3A_91 = tpu.memref_slice %arg6[%add3A_24, %dma_wait3A_90] : memref<10240x128xf32, #tpu.memory_space<vmem_shared>> -> memref<64x128xf32, #tpu.memory_space<vmem_shared>>
      %dma_wait3A_92 = arith.constant 0 : i32
      %dma_wait3A_93 = tpu.memref_slice %arg6[%add3A_24, %dma_wait3A_92] : memref<10240x128xf32, #tpu.memory_space<vmem_shared>> -> memref<64x128xf32, #tpu.memory_space<vmem_shared>>
      %dma_wait3A_94 = arith.constant 0 : i32
      %dma_wait3A_95 = arith.constant 0 : i32
      %dma_wait3A_96 = tpu.memref_slice %arg11[%dma_wait3A_94, %dma_wait3A_95] : memref<96x128xf32, #tpu.memory_space<vmem>> -> memref<64x128xf32, #tpu.memory_space<vmem>>
      tpu.wait_dma2 semaphore(%run_scoped3A : memref<!tpu.dma_semaphore, #tpu.memory_space<semaphore_mem>>) src(%dma_wait3A_96 : memref<64x128xf32, #tpu.memory_space<vmem>>) dst(%dma_wait3A_93 : memref<64x128xf32, #tpu.memory_space<vmem_shared>>)
      tpu.yield
    }) : () -> ()
    %add3A_25 = arith.constant 512 : i32
    %add3A_26 = arith.addi %mul3A_8, %add3A_25 : i32
    "tpu.region"() ({
      %run_scoped3A = tpu.sem_alloc : memref<!tpu.dma_semaphore, #tpu.memory_space<semaphore_mem>>
      %dma_start3A = arith.constant 0 : i32
      %dma_start3A_79 = arith.constant 0 : i32
      %dma_start3A_80 = tpu.memref_slice %arg11[%dma_start3A, %dma_start3A_79] : memref<96x128xf32, #tpu.memory_space<vmem>> -> memref<64x128xf32, #tpu.memory_space<vmem>>
      %dma_start3A_81 = arith.constant 0 : i32
      %dma_start3A_82 = tpu.memref_slice %arg6[%add3A_26, %dma_start3A_81] : memref<10240x128xf32, #tpu.memory_space<vmem_shared>> -> memref<64x128xf32, #tpu.memory_space<vmem_shared>>
      %dma_start3A_83 = arith.constant 0 : i32
      %dma_start3A_84 = tpu.memref_slice %arg6[%add3A_26, %dma_start3A_83] : memref<10240x128xf32, #tpu.memory_space<vmem_shared>> -> memref<64x128xf32, #tpu.memory_space<vmem_shared>>
      %dma_start3A_85 = arith.constant 0 : i32
      %dma_start3A_86 = arith.constant 0 : i32
      %dma_start3A_87 = tpu.memref_slice %arg11[%dma_start3A_85, %dma_start3A_86] : memref<96x128xf32, #tpu.memory_space<vmem>> -> memref<64x128xf32, #tpu.memory_space<vmem>>
      tpu.enqueue_dma source(%dma_start3A_87 : memref<64x128xf32, #tpu.memory_space<vmem>>) target(%dma_start3A_84 : memref<64x128xf32, #tpu.memory_space<vmem_shared>>) target_semaphore(%run_scoped3A : memref<!tpu.dma_semaphore, #tpu.memory_space<semaphore_mem>>)
      %dma_wait3A = arith.constant 0 : i32
      %dma_wait3A_88 = arith.constant 0 : i32
      %dma_wait3A_89 = tpu.memref_slice %arg11[%dma_wait3A, %dma_wait3A_88] : memref<96x128xf32, #tpu.memory_space<vmem>> -> memref<64x128xf32, #tpu.memory_space<vmem>>
      %dma_wait3A_90 = arith.constant 0 : i32
      %dma_wait3A_91 = tpu.memref_slice %arg6[%add3A_26, %dma_wait3A_90] : memref<10240x128xf32, #tpu.memory_space<vmem_shared>> -> memref<64x128xf32, #tpu.memory_space<vmem_shared>>
      %dma_wait3A_92 = arith.constant 0 : i32
      %dma_wait3A_93 = tpu.memref_slice %arg6[%add3A_26, %dma_wait3A_92] : memref<10240x128xf32, #tpu.memory_space<vmem_shared>> -> memref<64x128xf32, #tpu.memory_space<vmem_shared>>
      %dma_wait3A_94 = arith.constant 0 : i32
      %dma_wait3A_95 = arith.constant 0 : i32
      %dma_wait3A_96 = tpu.memref_slice %arg11[%dma_wait3A_94, %dma_wait3A_95] : memref<96x128xf32, #tpu.memory_space<vmem>> -> memref<64x128xf32, #tpu.memory_space<vmem>>
      tpu.wait_dma2 semaphore(%run_scoped3A : memref<!tpu.dma_semaphore, #tpu.memory_space<semaphore_mem>>) src(%dma_wait3A_96 : memref<64x128xf32, #tpu.memory_space<vmem>>) dst(%dma_wait3A_93 : memref<64x128xf32, #tpu.memory_space<vmem_shared>>)
      tpu.yield
    }) : () -> ()
    %add3A_27 = arith.constant 576 : i32
    %add3A_28 = arith.addi %mul3A_8, %add3A_27 : i32
    "tpu.region"() ({
      %run_scoped3A = tpu.sem_alloc : memref<!tpu.dma_semaphore, #tpu.memory_space<semaphore_mem>>
      %dma_start3A = arith.constant 0 : i32
      %dma_start3A_79 = arith.constant 0 : i32
      %dma_start3A_80 = tpu.memref_slice %arg11[%dma_start3A, %dma_start3A_79] : memref<96x128xf32, #tpu.memory_space<vmem>> -> memref<64x128xf32, #tpu.memory_space<vmem>>
      %dma_start3A_81 = arith.constant 0 : i32
      %dma_start3A_82 = tpu.memref_slice %arg6[%add3A_28, %dma_start3A_81] : memref<10240x128xf32, #tpu.memory_space<vmem_shared>> -> memref<64x128xf32, #tpu.memory_space<vmem_shared>>
      %dma_start3A_83 = arith.constant 0 : i32
      %dma_start3A_84 = tpu.memref_slice %arg6[%add3A_28, %dma_start3A_83] : memref<10240x128xf32, #tpu.memory_space<vmem_shared>> -> memref<64x128xf32, #tpu.memory_space<vmem_shared>>
      %dma_start3A_85 = arith.constant 0 : i32
      %dma_start3A_86 = arith.constant 0 : i32
      %dma_start3A_87 = tpu.memref_slice %arg11[%dma_start3A_85, %dma_start3A_86] : memref<96x128xf32, #tpu.memory_space<vmem>> -> memref<64x128xf32, #tpu.memory_space<vmem>>
      tpu.enqueue_dma source(%dma_start3A_87 : memref<64x128xf32, #tpu.memory_space<vmem>>) target(%dma_start3A_84 : memref<64x128xf32, #tpu.memory_space<vmem_shared>>) target_semaphore(%run_scoped3A : memref<!tpu.dma_semaphore, #tpu.memory_space<semaphore_mem>>)
      %dma_wait3A = arith.constant 0 : i32
      %dma_wait3A_88 = arith.constant 0 : i32
      %dma_wait3A_89 = tpu.memref_slice %arg11[%dma_wait3A, %dma_wait3A_88] : memref<96x128xf32, #tpu.memory_space<vmem>> -> memref<64x128xf32, #tpu.memory_space<vmem>>
      %dma_wait3A_90 = arith.constant 0 : i32
      %dma_wait3A_91 = tpu.memref_slice %arg6[%add3A_28, %dma_wait3A_90] : memref<10240x128xf32, #tpu.memory_space<vmem_shared>> -> memref<64x128xf32, #tpu.memory_space<vmem_shared>>
      %dma_wait3A_92 = arith.constant 0 : i32
      %dma_wait3A_93 = tpu.memref_slice %arg6[%add3A_28, %dma_wait3A_92] : memref<10240x128xf32, #tpu.memory_space<vmem_shared>> -> memref<64x128xf32, #tpu.memory_space<vmem_shared>>
      %dma_wait3A_94 = arith.constant 0 : i32
      %dma_wait3A_95 = arith.constant 0 : i32
      %dma_wait3A_96 = tpu.memref_slice %arg11[%dma_wait3A_94, %dma_wait3A_95] : memref<96x128xf32, #tpu.memory_space<vmem>> -> memref<64x128xf32, #tpu.memory_space<vmem>>
      tpu.wait_dma2 semaphore(%run_scoped3A : memref<!tpu.dma_semaphore, #tpu.memory_space<semaphore_mem>>) src(%dma_wait3A_96 : memref<64x128xf32, #tpu.memory_space<vmem>>) dst(%dma_wait3A_93 : memref<64x128xf32, #tpu.memory_space<vmem_shared>>)
      tpu.yield
    }) : () -> ()
    %barrier3A = arith.constant 0 : index
    tpu.barrier barrier_id(%barrier3A)
    %iota3A = tpu.iota {dimensions = array<i32: 0>} : vector<16xi32>
    %scan3A_29 = arith.constant 0 : i32
    %scan3A_30 = arith.constant 0 : i32
    %scan3A_31 = arith.constant 54 : i32
    %scan3A_32 = arith.addi %scan3A_30, %scan3A_31 : i32
    %scan3A_33 = arith.constant 1 : i32
    scf.for %scan3A_79 = %scan3A_30 to %scan3A_32 step %scan3A_33  : i32 {
      %mul3A_80 = arith.constant 54 : i32
      %mul3A_81 = arith.muli %add3A, %mul3A_80 : i32
      %add3A_82 = arith.addi %mul3A_81, %scan3A_79 : i32
      %run_scoped3A = arith.constant 0 : i32
      "tpu.region"() ({
        %run_scoped3A_93 = tpu.sem_alloc : memref<!tpu.dma_semaphore, #tpu.memory_space<semaphore_mem>>
        %dma_start3A = arith.constant 0 : i32
        %dma_start3A_94 = tpu.memref_slice %arg7[%run_scoped3A, %dma_start3A] : memref<1x96xi32, #tpu.memory_space<vmem>> -> memref<1x96xi32, #tpu.memory_space<vmem>>
        %dma_start3A_95 = tpu.memref_squeeze %dma_start3A_94 : memref<1x96xi32, #tpu.memory_space<vmem>> -> memref<96xi32, #tpu.memory_space<vmem>>
        %dma_start3A_96 = arith.constant 0 : i32
        %dma_start3A_97 = tpu.memref_slice %arg2[%add3A_82, %dma_start3A_96] : memref<1728x96xi32, #tpu.memory_space<hbm>> -> memref<1x96xi32, #tpu.memory_space<hbm>>
        %dma_start3A_98 = tpu.memref_squeeze %dma_start3A_97 : memref<1x96xi32, #tpu.memory_space<hbm>> -> memref<96xi32, #tpu.memory_space<hbm>>
        %dma_start3A_99 = arith.constant 0 : i32
        %dma_start3A_100 = tpu.memref_slice %arg7[%run_scoped3A, %dma_start3A_99] : memref<1x96xi32, #tpu.memory_space<vmem>> -> memref<1x96xi32, #tpu.memory_space<vmem>>
        %dma_start3A_101 = tpu.memref_squeeze %dma_start3A_100 : memref<1x96xi32, #tpu.memory_space<vmem>> -> memref<96xi32, #tpu.memory_space<vmem>>
        %dma_start3A_102 = arith.constant 0 : i32
        %dma_start3A_103 = tpu.memref_slice %arg2[%add3A_82, %dma_start3A_102] : memref<1728x96xi32, #tpu.memory_space<hbm>> -> memref<1x96xi32, #tpu.memory_space<hbm>>
        %dma_start3A_104 = tpu.memref_squeeze %dma_start3A_103 : memref<1x96xi32, #tpu.memory_space<hbm>> -> memref<96xi32, #tpu.memory_space<hbm>>
        tpu.enqueue_dma source(%dma_start3A_104 : memref<96xi32, #tpu.memory_space<hbm>>) target(%dma_start3A_101 : memref<96xi32, #tpu.memory_space<vmem>>) target_semaphore(%run_scoped3A_93 : memref<!tpu.dma_semaphore, #tpu.memory_space<semaphore_mem>>)
        %dma_wait3A = arith.constant 0 : i32
        %dma_wait3A_105 = tpu.memref_slice %arg7[%run_scoped3A, %dma_wait3A] : memref<1x96xi32, #tpu.memory_space<vmem>> -> memref<1x96xi32, #tpu.memory_space<vmem>>
        %dma_wait3A_106 = tpu.memref_squeeze %dma_wait3A_105 : memref<1x96xi32, #tpu.memory_space<vmem>> -> memref<96xi32, #tpu.memory_space<vmem>>
        %dma_wait3A_107 = arith.constant 0 : i32
        %dma_wait3A_108 = tpu.memref_slice %arg2[%add3A_82, %dma_wait3A_107] : memref<1728x96xi32, #tpu.memory_space<hbm>> -> memref<1x96xi32, #tpu.memory_space<hbm>>
        %dma_wait3A_109 = tpu.memref_squeeze %dma_wait3A_108 : memref<1x96xi32, #tpu.memory_space<hbm>> -> memref<96xi32, #tpu.memory_space<hbm>>
        %dma_wait3A_110 = arith.constant 0 : i32
        %dma_wait3A_111 = tpu.memref_slice %arg7[%run_scoped3A, %dma_wait3A_110] : memref<1x96xi32, #tpu.memory_space<vmem>> -> memref<1x96xi32, #tpu.memory_space<vmem>>
        %dma_wait3A_112 = tpu.memref_squeeze %dma_wait3A_111 : memref<1x96xi32, #tpu.memory_space<vmem>> -> memref<96xi32, #tpu.memory_space<vmem>>
        %dma_wait3A_113 = arith.constant 0 : i32
        %dma_wait3A_114 = tpu.memref_slice %arg2[%add3A_82, %dma_wait3A_113] : memref<1728x96xi32, #tpu.memory_space<hbm>> -> memref<1x96xi32, #tpu.memory_space<hbm>>
        %dma_wait3A_115 = tpu.memref_squeeze %dma_wait3A_114 : memref<1x96xi32, #tpu.memory_space<hbm>> -> memref<96xi32, #tpu.memory_space<hbm>>
        tpu.wait_dma2 semaphore(%run_scoped3A_93 : memref<!tpu.dma_semaphore, #tpu.memory_space<semaphore_mem>>) src(%dma_wait3A_115 : memref<96xi32, #tpu.memory_space<hbm>>) dst(%dma_wait3A_112 : memref<96xi32, #tpu.memory_space<vmem>>)
        tpu.yield
      }) : () -> ()
      %run_scoped3A_83 = arith.constant 0 : i32
      "tpu.region"() ({
        %run_scoped3A_93 = tpu.sem_alloc : memref<!tpu.dma_semaphore, #tpu.memory_space<semaphore_mem>>
        %dma_start3A = arith.constant 0 : i32
        %dma_start3A_94 = tpu.memref_slice %arg8[%run_scoped3A_83, %dma_start3A] : memref<1x96xi32, #tpu.memory_space<vmem>> -> memref<1x96xi32, #tpu.memory_space<vmem>>
        %dma_start3A_95 = tpu.memref_squeeze %dma_start3A_94 : memref<1x96xi32, #tpu.memory_space<vmem>> -> memref<96xi32, #tpu.memory_space<vmem>>
        %dma_start3A_96 = arith.constant 0 : i32
        %dma_start3A_97 = tpu.memref_slice %arg3[%add3A_82, %dma_start3A_96] : memref<1728x96xi32, #tpu.memory_space<hbm>> -> memref<1x96xi32, #tpu.memory_space<hbm>>
        %dma_start3A_98 = tpu.memref_squeeze %dma_start3A_97 : memref<1x96xi32, #tpu.memory_space<hbm>> -> memref<96xi32, #tpu.memory_space<hbm>>
        %dma_start3A_99 = arith.constant 0 : i32
        %dma_start3A_100 = tpu.memref_slice %arg8[%run_scoped3A_83, %dma_start3A_99] : memref<1x96xi32, #tpu.memory_space<vmem>> -> memref<1x96xi32, #tpu.memory_space<vmem>>
        %dma_start3A_101 = tpu.memref_squeeze %dma_start3A_100 : memref<1x96xi32, #tpu.memory_space<vmem>> -> memref<96xi32, #tpu.memory_space<vmem>>
        %dma_start3A_102 = arith.constant 0 : i32
        %dma_start3A_103 = tpu.memref_slice %arg3[%add3A_82, %dma_start3A_102] : memref<1728x96xi32, #tpu.memory_space<hbm>> -> memref<1x96xi32, #tpu.memory_space<hbm>>
        %dma_start3A_104 = tpu.memref_squeeze %dma_start3A_103 : memref<1x96xi32, #tpu.memory_space<hbm>> -> memref<96xi32, #tpu.memory_space<hbm>>
        tpu.enqueue_dma source(%dma_start3A_104 : memref<96xi32, #tpu.memory_space<hbm>>) target(%dma_start3A_101 : memref<96xi32, #tpu.memory_space<vmem>>) target_semaphore(%run_scoped3A_93 : memref<!tpu.dma_semaphore, #tpu.memory_space<semaphore_mem>>)
        %dma_wait3A = arith.constant 0 : i32
        %dma_wait3A_105 = tpu.memref_slice %arg8[%run_scoped3A_83, %dma_wait3A] : memref<1x96xi32, #tpu.memory_space<vmem>> -> memref<1x96xi32, #tpu.memory_space<vmem>>
        %dma_wait3A_106 = tpu.memref_squeeze %dma_wait3A_105 : memref<1x96xi32, #tpu.memory_space<vmem>> -> memref<96xi32, #tpu.memory_space<vmem>>
        %dma_wait3A_107 = arith.constant 0 : i32
        %dma_wait3A_108 = tpu.memref_slice %arg3[%add3A_82, %dma_wait3A_107] : memref<1728x96xi32, #tpu.memory_space<hbm>> -> memref<1x96xi32, #tpu.memory_space<hbm>>
        %dma_wait3A_109 = tpu.memref_squeeze %dma_wait3A_108 : memref<1x96xi32, #tpu.memory_space<hbm>> -> memref<96xi32, #tpu.memory_space<hbm>>
        %dma_wait3A_110 = arith.constant 0 : i32
        %dma_wait3A_111 = tpu.memref_slice %arg8[%run_scoped3A_83, %dma_wait3A_110] : memref<1x96xi32, #tpu.memory_space<vmem>> -> memref<1x96xi32, #tpu.memory_space<vmem>>
        %dma_wait3A_112 = tpu.memref_squeeze %dma_wait3A_111 : memref<1x96xi32, #tpu.memory_space<vmem>> -> memref<96xi32, #tpu.memory_space<vmem>>
        %dma_wait3A_113 = arith.constant 0 : i32
        %dma_wait3A_114 = tpu.memref_slice %arg3[%add3A_82, %dma_wait3A_113] : memref<1728x96xi32, #tpu.memory_space<hbm>> -> memref<1x96xi32, #tpu.memory_space<hbm>>
        %dma_wait3A_115 = tpu.memref_squeeze %dma_wait3A_114 : memref<1x96xi32, #tpu.memory_space<hbm>> -> memref<96xi32, #tpu.memory_space<hbm>>
        tpu.wait_dma2 semaphore(%run_scoped3A_93 : memref<!tpu.dma_semaphore, #tpu.memory_space<semaphore_mem>>) src(%dma_wait3A_115 : memref<96xi32, #tpu.memory_space<hbm>>) dst(%dma_wait3A_112 : memref<96xi32, #tpu.memory_space<vmem>>)
        tpu.yield
      }) : () -> ()
      %run_scoped3A_84 = arith.constant 0 : i32
      "tpu.region"() ({
        %run_scoped3A_93 = tpu.sem_alloc : memref<!tpu.dma_semaphore, #tpu.memory_space<semaphore_mem>>
        %dma_start3A = arith.constant 0 : i32
        %dma_start3A_94 = tpu.memref_slice %arg8[%run_scoped3A_84, %dma_start3A] : memref<1x96xi32, #tpu.memory_space<vmem>> -> memref<1x96xi32, #tpu.memory_space<vmem>>
        %dma_start3A_95 = tpu.memref_squeeze %dma_start3A_94 : memref<1x96xi32, #tpu.memory_space<vmem>> -> memref<96xi32, #tpu.memory_space<vmem>>
        %dma_start3A_96 = arith.constant 0 : i32
        %dma_start3A_97 = arith.constant 0 : i32
        %dma_start3A_98 = tpu.memref_slice %arg4[%dma_start3A_96, %dma_start3A_97] : memref<10240x128xf32, #tpu.memory_space<hbm>> -> memref<10240x128xf32, #tpu.memory_space<hbm>>
        tpu.enqueue_indirect_dma source(%dma_start3A_98 : memref<10240x128xf32, #tpu.memory_space<hbm>>) target(%arg9 : memref<96x128xf32, #tpu.memory_space<vmem>>) offsets(%dma_start3A_95 : memref<96xi32, #tpu.memory_space<vmem>>) semaphore(%run_scoped3A_93 : memref<!tpu.dma_semaphore, #tpu.memory_space<semaphore_mem>>)
        %dma_wait3A = arith.constant 0 : i32
        %dma_wait3A_99 = tpu.memref_slice %arg8[%run_scoped3A_84, %dma_wait3A] : memref<1x96xi32, #tpu.memory_space<vmem>> -> memref<1x96xi32, #tpu.memory_space<vmem>>
        %dma_wait3A_100 = tpu.memref_squeeze %dma_wait3A_99 : memref<1x96xi32, #tpu.memory_space<vmem>> -> memref<96xi32, #tpu.memory_space<vmem>>
        %dma_wait3A_101 = arith.constant 0 : i32
        %dma_wait3A_102 = arith.constant 0 : i32
        %dma_wait3A_103 = tpu.memref_slice %arg4[%dma_wait3A_101, %dma_wait3A_102] : memref<10240x128xf32, #tpu.memory_space<hbm>> -> memref<10240x128xf32, #tpu.memory_space<hbm>>
        tpu.wait_indirect_dma semaphore(%run_scoped3A_93 : memref<!tpu.dma_semaphore, #tpu.memory_space<semaphore_mem>>) src(%dma_wait3A_103 : memref<10240x128xf32, #tpu.memory_space<hbm>>) dst(%arg9 : memref<96x128xf32, #tpu.memory_space<vmem>>)
        tpu.yield
      }) : () -> ()
      %run_scoped3A_85 = arith.constant 0 : i32
      "tpu.region"() ({
        %run_scoped3A_93 = tpu.sem_alloc : memref<!tpu.dma_semaphore, #tpu.memory_space<semaphore_mem>>
        %dma_start3A = arith.constant 0 : i32
        %dma_start3A_94 = tpu.memref_slice %arg7[%run_scoped3A_85, %dma_start3A] : memref<1x96xi32, #tpu.memory_space<vmem>> -> memref<1x96xi32, #tpu.memory_space<vmem>>
        %dma_start3A_95 = tpu.memref_squeeze %dma_start3A_94 : memref<1x96xi32, #tpu.memory_space<vmem>> -> memref<96xi32, #tpu.memory_space<vmem>>
        %dma_start3A_96 = arith.constant 0 : i32
        %dma_start3A_97 = arith.constant 0 : i32
        %dma_start3A_98 = tpu.memref_slice %arg4[%dma_start3A_96, %dma_start3A_97] : memref<10240x128xf32, #tpu.memory_space<hbm>> -> memref<10240x128xf32, #tpu.memory_space<hbm>>
        tpu.enqueue_indirect_dma source(%dma_start3A_98 : memref<10240x128xf32, #tpu.memory_space<hbm>>) target(%arg10 : memref<96x128xf32, #tpu.memory_space<vmem>>) offsets(%dma_start3A_95 : memref<96xi32, #tpu.memory_space<vmem>>) semaphore(%run_scoped3A_93 : memref<!tpu.dma_semaphore, #tpu.memory_space<semaphore_mem>>)
        %dma_wait3A = arith.constant 0 : i32
        %dma_wait3A_99 = tpu.memref_slice %arg7[%run_scoped3A_85, %dma_wait3A] : memref<1x96xi32, #tpu.memory_space<vmem>> -> memref<1x96xi32, #tpu.memory_space<vmem>>
        %dma_wait3A_100 = tpu.memref_squeeze %dma_wait3A_99 : memref<1x96xi32, #tpu.memory_space<vmem>> -> memref<96xi32, #tpu.memory_space<vmem>>
        %dma_wait3A_101 = arith.constant 0 : i32
        %dma_wait3A_102 = arith.constant 0 : i32
        %dma_wait3A_103 = tpu.memref_slice %arg4[%dma_wait3A_101, %dma_wait3A_102] : memref<10240x128xf32, #tpu.memory_space<hbm>> -> memref<10240x128xf32, #tpu.memory_space<hbm>>
        tpu.wait_indirect_dma semaphore(%run_scoped3A_93 : memref<!tpu.dma_semaphore, #tpu.memory_space<semaphore_mem>>) src(%dma_wait3A_103 : memref<10240x128xf32, #tpu.memory_space<hbm>>) dst(%arg10 : memref<96x128xf32, #tpu.memory_space<vmem>>)
        tpu.yield
      }) : () -> ()
      %scan3A_86 = arith.constant 0 : i32
      %scan3A_87 = arith.constant 0 : i32
      %scan3A_88 = arith.constant 6 : i32
      %scan3A_89 = arith.addi %scan3A_87, %scan3A_88 : i32
      %scan3A_90 = arith.constant 1 : i32
      scf.for %scan3A_93 = %scan3A_87 to %scan3A_89 step %scan3A_90  : i32 {
        %mul3A_94 = arith.constant 16 : i32
        %mul3A_95 = arith.muli %scan3A_93, %mul3A_94 : i32
        %add3A_96 = vector.broadcast %mul3A_95 : i32 to vector<16xi32>
        %add3A_97 = arith.addi %iota3A, %add3A_96 : vector<16xi32>
        %broadcast_in_dim3A_98 = arith.constant 0.000000e+00 : f32
        %broadcast_in_dim3A_99 = vector.broadcast %broadcast_in_dim3A_98 : f32 to vector<16xf32>
        %broadcast_in_dim3A_100 = arith.constant 0.000000e+00 : f32
        %broadcast_in_dim3A_101 = vector.broadcast %broadcast_in_dim3A_100 : f32 to vector<16xf32>
        %broadcast_in_dim3A_102 = arith.constant 0.000000e+00 : f32
        %broadcast_in_dim3A_103 = vector.broadcast %broadcast_in_dim3A_102 : f32 to vector<16xf32>
        %broadcast_in_dim3A_104 = arith.constant 0.000000e+00 : f32
        %broadcast_in_dim3A_105 = vector.broadcast %broadcast_in_dim3A_104 : f32 to vector<16xf32>
        %broadcast_in_dim3A_106 = arith.constant 66 : i32
        %broadcast_in_dim3A_107 = vector.broadcast %broadcast_in_dim3A_106 : i32 to vector<16xi32>
        %gather3A = tpu.vector_load_idx %arg10[%add3A_97, %broadcast_in_dim3A_107] : memref<96x128xf32, #tpu.memory_space<vmem>>[vector<16xi32>, vector<16xi32>], vector<16xf32>,
        %broadcast_in_dim3A_108 = arith.constant 0 : i32
        %broadcast_in_dim3A_109 = vector.broadcast %broadcast_in_dim3A_108 : i32 to vector<16xi32>
        %gather3A_110 = tpu.vector_load_idx %arg9[%add3A_97, %broadcast_in_dim3A_109] : memref<96x128xf32, #tpu.memory_space<vmem>>[vector<16xi32>, vector<16xi32>], vector<16xf32>,
        %mul3A_111 = arith.mulf %gather3A_110, %gather3A : vector<16xf32>
        %add3A_112 = arith.addf %broadcast_in_dim3A_99, %mul3A_111 : vector<16xf32>
        %broadcast_in_dim3A_113 = arith.constant 16 : i32
        %broadcast_in_dim3A_114 = vector.broadcast %broadcast_in_dim3A_113 : i32 to vector<16xi32>
        %gather3A_115 = tpu.vector_load_idx %arg9[%add3A_97, %broadcast_in_dim3A_114] : memref<96x128xf32, #tpu.memory_space<vmem>>[vector<16xi32>, vector<16xi32>], vector<16xf32>,
        %mul3A_116 = arith.mulf %gather3A_115, %gather3A : vector<16xf32>
        %add3A_117 = arith.addf %broadcast_in_dim3A_101, %mul3A_116 : vector<16xf32>
        %broadcast_in_dim3A_118 = arith.constant 32 : i32
        %broadcast_in_dim3A_119 = vector.broadcast %broadcast_in_dim3A_118 : i32 to vector<16xi32>
        %gather3A_120 = tpu.vector_load_idx %arg9[%add3A_97, %broadcast_in_dim3A_119] : memref<96x128xf32, #tpu.memory_space<vmem>>[vector<16xi32>, vector<16xi32>], vector<16xf32>,
        %mul3A_121 = arith.mulf %gather3A_120, %gather3A : vector<16xf32>
        %add3A_122 = arith.addf %broadcast_in_dim3A_103, %mul3A_121 : vector<16xf32>
        %broadcast_in_dim3A_123 = arith.constant 48 : i32
        %broadcast_in_dim3A_124 = vector.broadcast %broadcast_in_dim3A_123 : i32 to vector<16xi32>
        %gather3A_125 = tpu.vector_load_idx %arg9[%add3A_97, %broadcast_in_dim3A_124] : memref<96x128xf32, #tpu.memory_space<vmem>>[vector<16xi32>, vector<16xi32>], vector<16xf32>,
        %mul3A_126 = arith.mulf %gather3A_125, %gather3A : vector<16xf32>
        %add3A_127 = arith.addf %broadcast_in_dim3A_105, %mul3A_126 : vector<16xf32>
        %broadcast_in_dim3A_128 = arith.constant 67 : i32
        %broadcast_in_dim3A_129 = vector.broadcast %broadcast_in_dim3A_128 : i32 to vector<16xi32>
        %gather3A_130 = tpu.vector_load_idx %arg10[%add3A_97, %broadcast_in_dim3A_129] : memref<96x128xf32, #tpu.memory_space<vmem>>[vector<16xi32>, vector<16xi32>], vector<16xf32>,
        %broadcast_in_dim3A_131 = arith.constant 1 : i32
        %broadcast_in_dim3A_132 = vector.broadcast %broadcast_in_dim3A_131 : i32 to vector<16xi32>
        %gather3A_133 = tpu.vector_load_idx %arg9[%add3A_97, %broadcast_in_dim3A_132] : memref<96x128xf32, #tpu.memory_space<vmem>>[vector<16xi32>, vector<16xi32>], vector<16xf32>,
        %mul3A_134 = arith.mulf %gather3A_133, %gather3A_130 : vector<16xf32>
        %add3A_135 = arith.addf %add3A_112, %mul3A_134 : vector<16xf32>
        %broadcast_in_dim3A_136 = arith.constant 17 : i32
        %broadcast_in_dim3A_137 = vector.broadcast %broadcast_in_dim3A_136 : i32 to vector<16xi32>
        %gather3A_138 = tpu.vector_load_idx %arg9[%add3A_97, %broadcast_in_dim3A_137] : memref<96x128xf32, #tpu.memory_space<vmem>>[vector<16xi32>, vector<16xi32>], vector<16xf32>,
        %mul3A_139 = arith.mulf %gather3A_138, %gather3A_130 : vector<16xf32>
        %add3A_140 = arith.addf %add3A_117, %mul3A_139 : vector<16xf32>
        %broadcast_in_dim3A_141 = arith.constant 33 : i32
        %broadcast_in_dim3A_142 = vector.broadcast %broadcast_in_dim3A_141 : i32 to vector<16xi32>
        %gather3A_143 = tpu.vector_load_idx %arg9[%add3A_97, %broadcast_in_dim3A_142] : memref<96x128xf32, #tpu.memory_space<vmem>>[vector<16xi32>, vector<16xi32>], vector<16xf32>,
        %mul3A_144 = arith.mulf %gather3A_143, %gather3A_130 : vector<16xf32>
        %add3A_145 = arith.addf %add3A_122, %mul3A_144 : vector<16xf32>
        %broadcast_in_dim3A_146 = arith.constant 49 : i32
        %broadcast_in_dim3A_147 = vector.broadcast %broadcast_in_dim3A_146 : i32 to vector<16xi32>
        %gather3A_148 = tpu.vector_load_idx %arg9[%add3A_97, %broadcast_in_dim3A_147] : memref<96x128xf32, #tpu.memory_space<vmem>>[vector<16xi32>, vector<16xi32>], vector<16xf32>,
        %mul3A_149 = arith.mulf %gather3A_148, %gather3A_130 : vector<16xf32>
        %add3A_150 = arith.addf %add3A_127, %mul3A_149 : vector<16xf32>
        %broadcast_in_dim3A_151 = arith.constant 68 : i32
        %broadcast_in_dim3A_152 = vector.broadcast %broadcast_in_dim3A_151 : i32 to vector<16xi32>
        %gather3A_153 = tpu.vector_load_idx %arg10[%add3A_97, %broadcast_in_dim3A_152] : memref<96x128xf32, #tpu.memory_space<vmem>>[vector<16xi32>, vector<16xi32>], vector<16xf32>,
        %broadcast_in_dim3A_154 = arith.constant 2 : i32
        %broadcast_in_dim3A_155 = vector.broadcast %broadcast_in_dim3A_154 : i32 to vector<16xi32>
        %gather3A_156 = tpu.vector_load_idx %arg9[%add3A_97, %broadcast_in_dim3A_155] : memref<96x128xf32, #tpu.memory_space<vmem>>[vector<16xi32>, vector<16xi32>], vector<16xf32>,
        %mul3A_157 = arith.mulf %gather3A_156, %gather3A_153 : vector<16xf32>
        %add3A_158 = arith.addf %add3A_135, %mul3A_157 : vector<16xf32>
        %broadcast_in_dim3A_159 = arith.constant 18 : i32
        %broadcast_in_dim3A_160 = vector.broadcast %broadcast_in_dim3A_159 : i32 to vector<16xi32>
        %gather3A_161 = tpu.vector_load_idx %arg9[%add3A_97, %broadcast_in_dim3A_160] : memref<96x128xf32, #tpu.memory_space<vmem>>[vector<16xi32>, vector<16xi32>], vector<16xf32>,
        %mul3A_162 = arith.mulf %gather3A_161, %gather3A_153 : vector<16xf32>
        %add3A_163 = arith.addf %add3A_140, %mul3A_162 : vector<16xf32>
        %broadcast_in_dim3A_164 = arith.constant 34 : i32
        %broadcast_in_dim3A_165 = vector.broadcast %broadcast_in_dim3A_164 : i32 to vector<16xi32>
        %gather3A_166 = tpu.vector_load_idx %arg9[%add3A_97, %broadcast_in_dim3A_165] : memref<96x128xf32, #tpu.memory_space<vmem>>[vector<16xi32>, vector<16xi32>], vector<16xf32>,
        %mul3A_167 = arith.mulf %gather3A_166, %gather3A_153 : vector<16xf32>
        %add3A_168 = arith.addf %add3A_145, %mul3A_167 : vector<16xf32>
        %broadcast_in_dim3A_169 = arith.constant 50 : i32
        %broadcast_in_dim3A_170 = vector.broadcast %broadcast_in_dim3A_169 : i32 to vector<16xi32>
        %gather3A_171 = tpu.vector_load_idx %arg9[%add3A_97, %broadcast_in_dim3A_170] : memref<96x128xf32, #tpu.memory_space<vmem>>[vector<16xi32>, vector<16xi32>], vector<16xf32>,
        %mul3A_172 = arith.mulf %gather3A_171, %gather3A_153 : vector<16xf32>
        %add3A_173 = arith.addf %add3A_150, %mul3A_172 : vector<16xf32>
        %broadcast_in_dim3A_174 = arith.constant 69 : i32
        %broadcast_in_dim3A_175 = vector.broadcast %broadcast_in_dim3A_174 : i32 to vector<16xi32>
        %gather3A_176 = tpu.vector_load_idx %arg10[%add3A_97, %broadcast_in_dim3A_175] : memref<96x128xf32, #tpu.memory_space<vmem>>[vector<16xi32>, vector<16xi32>], vector<16xf32>,
        %broadcast_in_dim3A_177 = arith.constant 3 : i32
        %broadcast_in_dim3A_178 = vector.broadcast %broadcast_in_dim3A_177 : i32 to vector<16xi32>
        %gather3A_179 = tpu.vector_load_idx %arg9[%add3A_97, %broadcast_in_dim3A_178] : memref<96x128xf32, #tpu.memory_space<vmem>>[vector<16xi32>, vector<16xi32>], vector<16xf32>,
        %mul3A_180 = arith.mulf %gather3A_179, %gather3A_176 : vector<16xf32>
        %add3A_181 = arith.addf %add3A_158, %mul3A_180 : vector<16xf32>
        %broadcast_in_dim3A_182 = arith.constant 19 : i32
        %broadcast_in_dim3A_183 = vector.broadcast %broadcast_in_dim3A_182 : i32 to vector<16xi32>
        %gather3A_184 = tpu.vector_load_idx %arg9[%add3A_97, %broadcast_in_dim3A_183] : memref<96x128xf32, #tpu.memory_space<vmem>>[vector<16xi32>, vector<16xi32>], vector<16xf32>,
        %mul3A_185 = arith.mulf %gather3A_184, %gather3A_176 : vector<16xf32>
        %add3A_186 = arith.addf %add3A_163, %mul3A_185 : vector<16xf32>
        %broadcast_in_dim3A_187 = arith.constant 35 : i32
        %broadcast_in_dim3A_188 = vector.broadcast %broadcast_in_dim3A_187 : i32 to vector<16xi32>
        %gather3A_189 = tpu.vector_load_idx %arg9[%add3A_97, %broadcast_in_dim3A_188] : memref<96x128xf32, #tpu.memory_space<vmem>>[vector<16xi32>, vector<16xi32>], vector<16xf32>,
        %mul3A_190 = arith.mulf %gather3A_189, %gather3A_176 : vector<16xf32>
        %add3A_191 = arith.addf %add3A_168, %mul3A_190 : vector<16xf32>
        %broadcast_in_dim3A_192 = arith.constant 51 : i32
        %broadcast_in_dim3A_193 = vector.broadcast %broadcast_in_dim3A_192 : i32 to vector<16xi32>
        %gather3A_194 = tpu.vector_load_idx %arg9[%add3A_97, %broadcast_in_dim3A_193] : memref<96x128xf32, #tpu.memory_space<vmem>>[vector<16xi32>, vector<16xi32>], vector<16xf32>,
        %mul3A_195 = arith.mulf %gather3A_194, %gather3A_176 : vector<16xf32>
        %add3A_196 = arith.addf %add3A_173, %mul3A_195 : vector<16xf32>
        %broadcast_in_dim3A_197 = arith.constant 70 : i32
        %broadcast_in_dim3A_198 = vector.broadcast %broadcast_in_dim3A_197 : i32 to vector<16xi32>
        %gather3A_199 = tpu.vector_load_idx %arg10[%add3A_97, %broadcast_in_dim3A_198] : memref<96x128xf32, #tpu.memory_space<vmem>>[vector<16xi32>, vector<16xi32>], vector<16xf32>,
        %broadcast_in_dim3A_200 = arith.constant 4 : i32
        %broadcast_in_dim3A_201 = vector.broadcast %broadcast_in_dim3A_200 : i32 to vector<16xi32>
        %gather3A_202 = tpu.vector_load_idx %arg9[%add3A_97, %broadcast_in_dim3A_201] : memref<96x128xf32, #tpu.memory_space<vmem>>[vector<16xi32>, vector<16xi32>], vector<16xf32>,
        %mul3A_203 = arith.mulf %gather3A_202, %gather3A_199 : vector<16xf32>
        %add3A_204 = arith.addf %add3A_181, %mul3A_203 : vector<16xf32>
        %broadcast_in_dim3A_205 = arith.constant 20 : i32
        %broadcast_in_dim3A_206 = vector.broadcast %broadcast_in_dim3A_205 : i32 to vector<16xi32>
        %gather3A_207 = tpu.vector_load_idx %arg9[%add3A_97, %broadcast_in_dim3A_206] : memref<96x128xf32, #tpu.memory_space<vmem>>[vector<16xi32>, vector<16xi32>], vector<16xf32>,
        %mul3A_208 = arith.mulf %gather3A_207, %gather3A_199 : vector<16xf32>
        %add3A_209 = arith.addf %add3A_186, %mul3A_208 : vector<16xf32>
        %broadcast_in_dim3A_210 = arith.constant 36 : i32
        %broadcast_in_dim3A_211 = vector.broadcast %broadcast_in_dim3A_210 : i32 to vector<16xi32>
        %gather3A_212 = tpu.vector_load_idx %arg9[%add3A_97, %broadcast_in_dim3A_211] : memref<96x128xf32, #tpu.memory_space<vmem>>[vector<16xi32>, vector<16xi32>], vector<16xf32>,
        %mul3A_213 = arith.mulf %gather3A_212, %gather3A_199 : vector<16xf32>
        %add3A_214 = arith.addf %add3A_191, %mul3A_213 : vector<16xf32>
        %broadcast_in_dim3A_215 = arith.constant 52 : i32
        %broadcast_in_dim3A_216 = vector.broadcast %broadcast_in_dim3A_215 : i32 to vector<16xi32>
        %gather3A_217 = tpu.vector_load_idx %arg9[%add3A_97, %broadcast_in_dim3A_216] : memref<96x128xf32, #tpu.memory_space<vmem>>[vector<16xi32>, vector<16xi32>], vector<16xf32>,
        %mul3A_218 = arith.mulf %gather3A_217, %gather3A_199 : vector<16xf32>
        %add3A_219 = arith.addf %add3A_196, %mul3A_218 : vector<16xf32>
        %broadcast_in_dim3A_220 = arith.constant 71 : i32
        %broadcast_in_dim3A_221 = vector.broadcast %broadcast_in_dim3A_220 : i32 to vector<16xi32>
        %gather3A_222 = tpu.vector_load_idx %arg10[%add3A_97, %broadcast_in_dim3A_221] : memref<96x128xf32, #tpu.memory_space<vmem>>[vector<16xi32>, vector<16xi32>], vector<16xf32>,
        %broadcast_in_dim3A_223 = arith.constant 5 : i32
        %broadcast_in_dim3A_224 = vector.broadcast %broadcast_in_dim3A_223 : i32 to vector<16xi32>
        %gather3A_225 = tpu.vector_load_idx %arg9[%add3A_97, %broadcast_in_dim3A_224] : memref<96x128xf32, #tpu.memory_space<vmem>>[vector<16xi32>, vector<16xi32>], vector<16xf32>,
        %mul3A_226 = arith.mulf %gather3A_225, %gather3A_222 : vector<16xf32>
        %add3A_227 = arith.addf %add3A_204, %mul3A_226 : vector<16xf32>
        %broadcast_in_dim3A_228 = arith.constant 21 : i32
        %broadcast_in_dim3A_229 = vector.broadcast %broadcast_in_dim3A_228 : i32 to vector<16xi32>
        %gather3A_230 = tpu.vector_load_idx %arg9[%add3A_97, %broadcast_in_dim3A_229] : memref<96x128xf32, #tpu.memory_space<vmem>>[vector<16xi32>, vector<16xi32>], vector<16xf32>,
        %mul3A_231 = arith.mulf %gather3A_230, %gather3A_222 : vector<16xf32>
        %add3A_232 = arith.addf %add3A_209, %mul3A_231 : vector<16xf32>
        %broadcast_in_dim3A_233 = arith.constant 37 : i32
        %broadcast_in_dim3A_234 = vector.broadcast %broadcast_in_dim3A_233 : i32 to vector<16xi32>
        %gather3A_235 = tpu.vector_load_idx %arg9[%add3A_97, %broadcast_in_dim3A_234] : memref<96x128xf32, #tpu.memory_space<vmem>>[vector<16xi32>, vector<16xi32>], vector<16xf32>,
        %mul3A_236 = arith.mulf %gather3A_235, %gather3A_222 : vector<16xf32>
        %add3A_237 = arith.addf %add3A_214, %mul3A_236 : vector<16xf32>
        %broadcast_in_dim3A_238 = arith.constant 53 : i32
        %broadcast_in_dim3A_239 = vector.broadcast %broadcast_in_dim3A_238 : i32 to vector<16xi32>
        %gather3A_240 = tpu.vector_load_idx %arg9[%add3A_97, %broadcast_in_dim3A_239] : memref<96x128xf32, #tpu.memory_space<vmem>>[vector<16xi32>, vector<16xi32>], vector<16xf32>,
        %mul3A_241 = arith.mulf %gather3A_240, %gather3A_222 : vector<16xf32>
        %add3A_242 = arith.addf %add3A_219, %mul3A_241 : vector<16xf32>
        %broadcast_in_dim3A_243 = arith.constant 72 : i32
        %broadcast_in_dim3A_244 = vector.broadcast %broadcast_in_dim3A_243 : i32 to vector<16xi32>
        %gather3A_245 = tpu.vector_load_idx %arg10[%add3A_97, %broadcast_in_dim3A_244] : memref<96x128xf32, #tpu.memory_space<vmem>>[vector<16xi32>, vector<16xi32>], vector<16xf32>,
        %broadcast_in_dim3A_246 = arith.constant 6 : i32
        %broadcast_in_dim3A_247 = vector.broadcast %broadcast_in_dim3A_246 : i32 to vector<16xi32>
        %gather3A_248 = tpu.vector_load_idx %arg9[%add3A_97, %broadcast_in_dim3A_247] : memref<96x128xf32, #tpu.memory_space<vmem>>[vector<16xi32>, vector<16xi32>], vector<16xf32>,
        %mul3A_249 = arith.mulf %gather3A_248, %gather3A_245 : vector<16xf32>
        %add3A_250 = arith.addf %add3A_227, %mul3A_249 : vector<16xf32>
        %broadcast_in_dim3A_251 = arith.constant 22 : i32
        %broadcast_in_dim3A_252 = vector.broadcast %broadcast_in_dim3A_251 : i32 to vector<16xi32>
        %gather3A_253 = tpu.vector_load_idx %arg9[%add3A_97, %broadcast_in_dim3A_252] : memref<96x128xf32, #tpu.memory_space<vmem>>[vector<16xi32>, vector<16xi32>], vector<16xf32>,
        %mul3A_254 = arith.mulf %gather3A_253, %gather3A_245 : vector<16xf32>
        %add3A_255 = arith.addf %add3A_232, %mul3A_254 : vector<16xf32>
        %broadcast_in_dim3A_256 = arith.constant 38 : i32
        %broadcast_in_dim3A_257 = vector.broadcast %broadcast_in_dim3A_256 : i32 to vector<16xi32>
        %gather3A_258 = tpu.vector_load_idx %arg9[%add3A_97, %broadcast_in_dim3A_257] : memref<96x128xf32, #tpu.memory_space<vmem>>[vector<16xi32>, vector<16xi32>], vector<16xf32>,
        %mul3A_259 = arith.mulf %gather3A_258, %gather3A_245 : vector<16xf32>
        %add3A_260 = arith.addf %add3A_237, %mul3A_259 : vector<16xf32>
        %broadcast_in_dim3A_261 = arith.constant 54 : i32
        %broadcast_in_dim3A_262 = vector.broadcast %broadcast_in_dim3A_261 : i32 to vector<16xi32>
        %gather3A_263 = tpu.vector_load_idx %arg9[%add3A_97, %broadcast_in_dim3A_262] : memref<96x128xf32, #tpu.memory_space<vmem>>[vector<16xi32>, vector<16xi32>], vector<16xf32>,
        %mul3A_264 = arith.mulf %gather3A_263, %gather3A_245 : vector<16xf32>
        %add3A_265 = arith.addf %add3A_242, %mul3A_264 : vector<16xf32>
        %broadcast_in_dim3A_266 = arith.constant 73 : i32
        %broadcast_in_dim3A_267 = vector.broadcast %broadcast_in_dim3A_266 : i32 to vector<16xi32>
        %gather3A_268 = tpu.vector_load_idx %arg10[%add3A_97, %broadcast_in_dim3A_267] : memref<96x128xf32, #tpu.memory_space<vmem>>[vector<16xi32>, vector<16xi32>], vector<16xf32>,
        %broadcast_in_dim3A_269 = arith.constant 7 : i32
        %broadcast_in_dim3A_270 = vector.broadcast %broadcast_in_dim3A_269 : i32 to vector<16xi32>
        %gather3A_271 = tpu.vector_load_idx %arg9[%add3A_97, %broadcast_in_dim3A_270] : memref<96x128xf32, #tpu.memory_space<vmem>>[vector<16xi32>, vector<16xi32>], vector<16xf32>,
        %mul3A_272 = arith.mulf %gather3A_271, %gather3A_268 : vector<16xf32>
        %add3A_273 = arith.addf %add3A_250, %mul3A_272 : vector<16xf32>
        %broadcast_in_dim3A_274 = arith.constant 23 : i32
        %broadcast_in_dim3A_275 = vector.broadcast %broadcast_in_dim3A_274 : i32 to vector<16xi32>
        %gather3A_276 = tpu.vector_load_idx %arg9[%add3A_97, %broadcast_in_dim3A_275] : memref<96x128xf32, #tpu.memory_space<vmem>>[vector<16xi32>, vector<16xi32>], vector<16xf32>,
        %mul3A_277 = arith.mulf %gather3A_276, %gather3A_268 : vector<16xf32>
        %add3A_278 = arith.addf %add3A_255, %mul3A_277 : vector<16xf32>
        %broadcast_in_dim3A_279 = arith.constant 39 : i32
        %broadcast_in_dim3A_280 = vector.broadcast %broadcast_in_dim3A_279 : i32 to vector<16xi32>
        %gather3A_281 = tpu.vector_load_idx %arg9[%add3A_97, %broadcast_in_dim3A_280] : memref<96x128xf32, #tpu.memory_space<vmem>>[vector<16xi32>, vector<16xi32>], vector<16xf32>,
        %mul3A_282 = arith.mulf %gather3A_281, %gather3A_268 : vector<16xf32>
        %add3A_283 = arith.addf %add3A_260, %mul3A_282 : vector<16xf32>
        %broadcast_in_dim3A_284 = arith.constant 55 : i32
        %broadcast_in_dim3A_285 = vector.broadcast %broadcast_in_dim3A_284 : i32 to vector<16xi32>
        %gather3A_286 = tpu.vector_load_idx %arg9[%add3A_97, %broadcast_in_dim3A_285] : memref<96x128xf32, #tpu.memory_space<vmem>>[vector<16xi32>, vector<16xi32>], vector<16xf32>,
        %mul3A_287 = arith.mulf %gather3A_286, %gather3A_268 : vector<16xf32>
        %add3A_288 = arith.addf %add3A_265, %mul3A_287 : vector<16xf32>
        %broadcast_in_dim3A_289 = arith.constant 74 : i32
        %broadcast_in_dim3A_290 = vector.broadcast %broadcast_in_dim3A_289 : i32 to vector<16xi32>
        %gather3A_291 = tpu.vector_load_idx %arg10[%add3A_97, %broadcast_in_dim3A_290] : memref<96x128xf32, #tpu.memory_space<vmem>>[vector<16xi32>, vector<16xi32>], vector<16xf32>,
        %broadcast_in_dim3A_292 = arith.constant 8 : i32
        %broadcast_in_dim3A_293 = vector.broadcast %broadcast_in_dim3A_292 : i32 to vector<16xi32>
        %gather3A_294 = tpu.vector_load_idx %arg9[%add3A_97, %broadcast_in_dim3A_293] : memref<96x128xf32, #tpu.memory_space<vmem>>[vector<16xi32>, vector<16xi32>], vector<16xf32>,
        %mul3A_295 = arith.mulf %gather3A_294, %gather3A_291 : vector<16xf32>
        %add3A_296 = arith.addf %add3A_273, %mul3A_295 : vector<16xf32>
        %broadcast_in_dim3A_297 = arith.constant 24 : i32
        %broadcast_in_dim3A_298 = vector.broadcast %broadcast_in_dim3A_297 : i32 to vector<16xi32>
        %gather3A_299 = tpu.vector_load_idx %arg9[%add3A_97, %broadcast_in_dim3A_298] : memref<96x128xf32, #tpu.memory_space<vmem>>[vector<16xi32>, vector<16xi32>], vector<16xf32>,
        %mul3A_300 = arith.mulf %gather3A_299, %gather3A_291 : vector<16xf32>
        %add3A_301 = arith.addf %add3A_278, %mul3A_300 : vector<16xf32>
        %broadcast_in_dim3A_302 = arith.constant 40 : i32
        %broadcast_in_dim3A_303 = vector.broadcast %broadcast_in_dim3A_302 : i32 to vector<16xi32>
        %gather3A_304 = tpu.vector_load_idx %arg9[%add3A_97, %broadcast_in_dim3A_303] : memref<96x128xf32, #tpu.memory_space<vmem>>[vector<16xi32>, vector<16xi32>], vector<16xf32>,
        %mul3A_305 = arith.mulf %gather3A_304, %gather3A_291 : vector<16xf32>
        %add3A_306 = arith.addf %add3A_283, %mul3A_305 : vector<16xf32>
        %broadcast_in_dim3A_307 = arith.constant 56 : i32
        %broadcast_in_dim3A_308 = vector.broadcast %broadcast_in_dim3A_307 : i32 to vector<16xi32>
        %gather3A_309 = tpu.vector_load_idx %arg9[%add3A_97, %broadcast_in_dim3A_308] : memref<96x128xf32, #tpu.memory_space<vmem>>[vector<16xi32>, vector<16xi32>], vector<16xf32>,
        %mul3A_310 = arith.mulf %gather3A_309, %gather3A_291 : vector<16xf32>
        %add3A_311 = arith.addf %add3A_288, %mul3A_310 : vector<16xf32>
        %broadcast_in_dim3A_312 = arith.constant 75 : i32
        %broadcast_in_dim3A_313 = vector.broadcast %broadcast_in_dim3A_312 : i32 to vector<16xi32>
        %gather3A_314 = tpu.vector_load_idx %arg10[%add3A_97, %broadcast_in_dim3A_313] : memref<96x128xf32, #tpu.memory_space<vmem>>[vector<16xi32>, vector<16xi32>], vector<16xf32>,
        %broadcast_in_dim3A_315 = arith.constant 9 : i32
        %broadcast_in_dim3A_316 = vector.broadcast %broadcast_in_dim3A_315 : i32 to vector<16xi32>
        %gather3A_317 = tpu.vector_load_idx %arg9[%add3A_97, %broadcast_in_dim3A_316] : memref<96x128xf32, #tpu.memory_space<vmem>>[vector<16xi32>, vector<16xi32>], vector<16xf32>,
        %mul3A_318 = arith.mulf %gather3A_317, %gather3A_314 : vector<16xf32>
        %add3A_319 = arith.addf %add3A_296, %mul3A_318 : vector<16xf32>
        %broadcast_in_dim3A_320 = arith.constant 25 : i32
        %broadcast_in_dim3A_321 = vector.broadcast %broadcast_in_dim3A_320 : i32 to vector<16xi32>
        %gather3A_322 = tpu.vector_load_idx %arg9[%add3A_97, %broadcast_in_dim3A_321] : memref<96x128xf32, #tpu.memory_space<vmem>>[vector<16xi32>, vector<16xi32>], vector<16xf32>,
        %mul3A_323 = arith.mulf %gather3A_322, %gather3A_314 : vector<16xf32>
        %add3A_324 = arith.addf %add3A_301, %mul3A_323 : vector<16xf32>
        %broadcast_in_dim3A_325 = arith.constant 41 : i32
        %broadcast_in_dim3A_326 = vector.broadcast %broadcast_in_dim3A_325 : i32 to vector<16xi32>
        %gather3A_327 = tpu.vector_load_idx %arg9[%add3A_97, %broadcast_in_dim3A_326] : memref<96x128xf32, #tpu.memory_space<vmem>>[vector<16xi32>, vector<16xi32>], vector<16xf32>,
        %mul3A_328 = arith.mulf %gather3A_327, %gather3A_314 : vector<16xf32>
        %add3A_329 = arith.addf %add3A_306, %mul3A_328 : vector<16xf32>
        %broadcast_in_dim3A_330 = arith.constant 57 : i32
        %broadcast_in_dim3A_331 = vector.broadcast %broadcast_in_dim3A_330 : i32 to vector<16xi32>
        %gather3A_332 = tpu.vector_load_idx %arg9[%add3A_97, %broadcast_in_dim3A_331] : memref<96x128xf32, #tpu.memory_space<vmem>>[vector<16xi32>, vector<16xi32>], vector<16xf32>,
        %mul3A_333 = arith.mulf %gather3A_332, %gather3A_314 : vector<16xf32>
        %add3A_334 = arith.addf %add3A_311, %mul3A_333 : vector<16xf32>
        %broadcast_in_dim3A_335 = arith.constant 76 : i32
        %broadcast_in_dim3A_336 = vector.broadcast %broadcast_in_dim3A_335 : i32 to vector<16xi32>
        %gather3A_337 = tpu.vector_load_idx %arg10[%add3A_97, %broadcast_in_dim3A_336] : memref<96x128xf32, #tpu.memory_space<vmem>>[vector<16xi32>, vector<16xi32>], vector<16xf32>,
        %broadcast_in_dim3A_338 = arith.constant 10 : i32
        %broadcast_in_dim3A_339 = vector.broadcast %broadcast_in_dim3A_338 : i32 to vector<16xi32>
        %gather3A_340 = tpu.vector_load_idx %arg9[%add3A_97, %broadcast_in_dim3A_339] : memref<96x128xf32, #tpu.memory_space<vmem>>[vector<16xi32>, vector<16xi32>], vector<16xf32>,
        %mul3A_341 = arith.mulf %gather3A_340, %gather3A_337 : vector<16xf32>
        %add3A_342 = arith.addf %add3A_319, %mul3A_341 : vector<16xf32>
        %broadcast_in_dim3A_343 = arith.constant 26 : i32
        %broadcast_in_dim3A_344 = vector.broadcast %broadcast_in_dim3A_343 : i32 to vector<16xi32>
        %gather3A_345 = tpu.vector_load_idx %arg9[%add3A_97, %broadcast_in_dim3A_344] : memref<96x128xf32, #tpu.memory_space<vmem>>[vector<16xi32>, vector<16xi32>], vector<16xf32>,
        %mul3A_346 = arith.mulf %gather3A_345, %gather3A_337 : vector<16xf32>
        %add3A_347 = arith.addf %add3A_324, %mul3A_346 : vector<16xf32>
        %broadcast_in_dim3A_348 = arith.constant 42 : i32
        %broadcast_in_dim3A_349 = vector.broadcast %broadcast_in_dim3A_348 : i32 to vector<16xi32>
        %gather3A_350 = tpu.vector_load_idx %arg9[%add3A_97, %broadcast_in_dim3A_349] : memref<96x128xf32, #tpu.memory_space<vmem>>[vector<16xi32>, vector<16xi32>], vector<16xf32>,
        %mul3A_351 = arith.mulf %gather3A_350, %gather3A_337 : vector<16xf32>
        %add3A_352 = arith.addf %add3A_329, %mul3A_351 : vector<16xf32>
        %broadcast_in_dim3A_353 = arith.constant 58 : i32
        %broadcast_in_dim3A_354 = vector.broadcast %broadcast_in_dim3A_353 : i32 to vector<16xi32>
        %gather3A_355 = tpu.vector_load_idx %arg9[%add3A_97, %broadcast_in_dim3A_354] : memref<96x128xf32, #tpu.memory_space<vmem>>[vector<16xi32>, vector<16xi32>], vector<16xf32>,
        %mul3A_356 = arith.mulf %gather3A_355, %gather3A_337 : vector<16xf32>
        %add3A_357 = arith.addf %add3A_334, %mul3A_356 : vector<16xf32>
        %broadcast_in_dim3A_358 = arith.constant 77 : i32
        %broadcast_in_dim3A_359 = vector.broadcast %broadcast_in_dim3A_358 : i32 to vector<16xi32>
        %gather3A_360 = tpu.vector_load_idx %arg10[%add3A_97, %broadcast_in_dim3A_359] : memref<96x128xf32, #tpu.memory_space<vmem>>[vector<16xi32>, vector<16xi32>], vector<16xf32>,
        %broadcast_in_dim3A_361 = arith.constant 11 : i32
        %broadcast_in_dim3A_362 = vector.broadcast %broadcast_in_dim3A_361 : i32 to vector<16xi32>
        %gather3A_363 = tpu.vector_load_idx %arg9[%add3A_97, %broadcast_in_dim3A_362] : memref<96x128xf32, #tpu.memory_space<vmem>>[vector<16xi32>, vector<16xi32>], vector<16xf32>,
        %mul3A_364 = arith.mulf %gather3A_363, %gather3A_360 : vector<16xf32>
        %add3A_365 = arith.addf %add3A_342, %mul3A_364 : vector<16xf32>
        %broadcast_in_dim3A_366 = arith.constant 27 : i32
        %broadcast_in_dim3A_367 = vector.broadcast %broadcast_in_dim3A_366 : i32 to vector<16xi32>
        %gather3A_368 = tpu.vector_load_idx %arg9[%add3A_97, %broadcast_in_dim3A_367] : memref<96x128xf32, #tpu.memory_space<vmem>>[vector<16xi32>, vector<16xi32>], vector<16xf32>,
        %mul3A_369 = arith.mulf %gather3A_368, %gather3A_360 : vector<16xf32>
        %add3A_370 = arith.addf %add3A_347, %mul3A_369 : vector<16xf32>
        %broadcast_in_dim3A_371 = arith.constant 43 : i32
        %broadcast_in_dim3A_372 = vector.broadcast %broadcast_in_dim3A_371 : i32 to vector<16xi32>
        %gather3A_373 = tpu.vector_load_idx %arg9[%add3A_97, %broadcast_in_dim3A_372] : memref<96x128xf32, #tpu.memory_space<vmem>>[vector<16xi32>, vector<16xi32>], vector<16xf32>,
        %mul3A_374 = arith.mulf %gather3A_373, %gather3A_360 : vector<16xf32>
        %add3A_375 = arith.addf %add3A_352, %mul3A_374 : vector<16xf32>
        %broadcast_in_dim3A_376 = arith.constant 59 : i32
        %broadcast_in_dim3A_377 = vector.broadcast %broadcast_in_dim3A_376 : i32 to vector<16xi32>
        %gather3A_378 = tpu.vector_load_idx %arg9[%add3A_97, %broadcast_in_dim3A_377] : memref<96x128xf32, #tpu.memory_space<vmem>>[vector<16xi32>, vector<16xi32>], vector<16xf32>,
        %mul3A_379 = arith.mulf %gather3A_378, %gather3A_360 : vector<16xf32>
        %add3A_380 = arith.addf %add3A_357, %mul3A_379 : vector<16xf32>
        %broadcast_in_dim3A_381 = arith.constant 78 : i32
        %broadcast_in_dim3A_382 = vector.broadcast %broadcast_in_dim3A_381 : i32 to vector<16xi32>
        %gather3A_383 = tpu.vector_load_idx %arg10[%add3A_97, %broadcast_in_dim3A_382] : memref<96x128xf32, #tpu.memory_space<vmem>>[vector<16xi32>, vector<16xi32>], vector<16xf32>,
        %broadcast_in_dim3A_384 = arith.constant 12 : i32
        %broadcast_in_dim3A_385 = vector.broadcast %broadcast_in_dim3A_384 : i32 to vector<16xi32>
        %gather3A_386 = tpu.vector_load_idx %arg9[%add3A_97, %broadcast_in_dim3A_385] : memref<96x128xf32, #tpu.memory_space<vmem>>[vector<16xi32>, vector<16xi32>], vector<16xf32>,
        %mul3A_387 = arith.mulf %gather3A_386, %gather3A_383 : vector<16xf32>
        %add3A_388 = arith.addf %add3A_365, %mul3A_387 : vector<16xf32>
        %broadcast_in_dim3A_389 = arith.constant 28 : i32
        %broadcast_in_dim3A_390 = vector.broadcast %broadcast_in_dim3A_389 : i32 to vector<16xi32>
        %gather3A_391 = tpu.vector_load_idx %arg9[%add3A_97, %broadcast_in_dim3A_390] : memref<96x128xf32, #tpu.memory_space<vmem>>[vector<16xi32>, vector<16xi32>], vector<16xf32>,
        %mul3A_392 = arith.mulf %gather3A_391, %gather3A_383 : vector<16xf32>
        %add3A_393 = arith.addf %add3A_370, %mul3A_392 : vector<16xf32>
        %broadcast_in_dim3A_394 = arith.constant 44 : i32
        %broadcast_in_dim3A_395 = vector.broadcast %broadcast_in_dim3A_394 : i32 to vector<16xi32>
        %gather3A_396 = tpu.vector_load_idx %arg9[%add3A_97, %broadcast_in_dim3A_395] : memref<96x128xf32, #tpu.memory_space<vmem>>[vector<16xi32>, vector<16xi32>], vector<16xf32>,
        %mul3A_397 = arith.mulf %gather3A_396, %gather3A_383 : vector<16xf32>
        %add3A_398 = arith.addf %add3A_375, %mul3A_397 : vector<16xf32>
        %broadcast_in_dim3A_399 = arith.constant 60 : i32
        %broadcast_in_dim3A_400 = vector.broadcast %broadcast_in_dim3A_399 : i32 to vector<16xi32>
        %gather3A_401 = tpu.vector_load_idx %arg9[%add3A_97, %broadcast_in_dim3A_400] : memref<96x128xf32, #tpu.memory_space<vmem>>[vector<16xi32>, vector<16xi32>], vector<16xf32>,
        %mul3A_402 = arith.mulf %gather3A_401, %gather3A_383 : vector<16xf32>
        %add3A_403 = arith.addf %add3A_380, %mul3A_402 : vector<16xf32>
        %broadcast_in_dim3A_404 = arith.constant 79 : i32
        %broadcast_in_dim3A_405 = vector.broadcast %broadcast_in_dim3A_404 : i32 to vector<16xi32>
        %gather3A_406 = tpu.vector_load_idx %arg10[%add3A_97, %broadcast_in_dim3A_405] : memref<96x128xf32, #tpu.memory_space<vmem>>[vector<16xi32>, vector<16xi32>], vector<16xf32>,
        %broadcast_in_dim3A_407 = arith.constant 13 : i32
        %broadcast_in_dim3A_408 = vector.broadcast %broadcast_in_dim3A_407 : i32 to vector<16xi32>
        %gather3A_409 = tpu.vector_load_idx %arg9[%add3A_97, %broadcast_in_dim3A_408] : memref<96x128xf32, #tpu.memory_space<vmem>>[vector<16xi32>, vector<16xi32>], vector<16xf32>,
        %mul3A_410 = arith.mulf %gather3A_409, %gather3A_406 : vector<16xf32>
        %add3A_411 = arith.addf %add3A_388, %mul3A_410 : vector<16xf32>
        %broadcast_in_dim3A_412 = arith.constant 29 : i32
        %broadcast_in_dim3A_413 = vector.broadcast %broadcast_in_dim3A_412 : i32 to vector<16xi32>
        %gather3A_414 = tpu.vector_load_idx %arg9[%add3A_97, %broadcast_in_dim3A_413] : memref<96x128xf32, #tpu.memory_space<vmem>>[vector<16xi32>, vector<16xi32>], vector<16xf32>,
        %mul3A_415 = arith.mulf %gather3A_414, %gather3A_406 : vector<16xf32>
        %add3A_416 = arith.addf %add3A_393, %mul3A_415 : vector<16xf32>
        %broadcast_in_dim3A_417 = arith.constant 45 : i32
        %broadcast_in_dim3A_418 = vector.broadcast %broadcast_in_dim3A_417 : i32 to vector<16xi32>
        %gather3A_419 = tpu.vector_load_idx %arg9[%add3A_97, %broadcast_in_dim3A_418] : memref<96x128xf32, #tpu.memory_space<vmem>>[vector<16xi32>, vector<16xi32>], vector<16xf32>,
        %mul3A_420 = arith.mulf %gather3A_419, %gather3A_406 : vector<16xf32>
        %add3A_421 = arith.addf %add3A_398, %mul3A_420 : vector<16xf32>
        %broadcast_in_dim3A_422 = arith.constant 61 : i32
        %broadcast_in_dim3A_423 = vector.broadcast %broadcast_in_dim3A_422 : i32 to vector<16xi32>
        %gather3A_424 = tpu.vector_load_idx %arg9[%add3A_97, %broadcast_in_dim3A_423] : memref<96x128xf32, #tpu.memory_space<vmem>>[vector<16xi32>, vector<16xi32>], vector<16xf32>,
        %mul3A_425 = arith.mulf %gather3A_424, %gather3A_406 : vector<16xf32>
        %add3A_426 = arith.addf %add3A_403, %mul3A_425 : vector<16xf32>
        %broadcast_in_dim3A_427 = arith.constant 80 : i32
        %broadcast_in_dim3A_428 = vector.broadcast %broadcast_in_dim3A_427 : i32 to vector<16xi32>
        %gather3A_429 = tpu.vector_load_idx %arg10[%add3A_97, %broadcast_in_dim3A_428] : memref<96x128xf32, #tpu.memory_space<vmem>>[vector<16xi32>, vector<16xi32>], vector<16xf32>,
        %broadcast_in_dim3A_430 = arith.constant 14 : i32
        %broadcast_in_dim3A_431 = vector.broadcast %broadcast_in_dim3A_430 : i32 to vector<16xi32>
        %gather3A_432 = tpu.vector_load_idx %arg9[%add3A_97, %broadcast_in_dim3A_431] : memref<96x128xf32, #tpu.memory_space<vmem>>[vector<16xi32>, vector<16xi32>], vector<16xf32>,
        %mul3A_433 = arith.mulf %gather3A_432, %gather3A_429 : vector<16xf32>
        %add3A_434 = arith.addf %add3A_411, %mul3A_433 : vector<16xf32>
        %broadcast_in_dim3A_435 = arith.constant 30 : i32
        %broadcast_in_dim3A_436 = vector.broadcast %broadcast_in_dim3A_435 : i32 to vector<16xi32>
        %gather3A_437 = tpu.vector_load_idx %arg9[%add3A_97, %broadcast_in_dim3A_436] : memref<96x128xf32, #tpu.memory_space<vmem>>[vector<16xi32>, vector<16xi32>], vector<16xf32>,
        %mul3A_438 = arith.mulf %gather3A_437, %gather3A_429 : vector<16xf32>
        %add3A_439 = arith.addf %add3A_416, %mul3A_438 : vector<16xf32>
        %broadcast_in_dim3A_440 = arith.constant 46 : i32
        %broadcast_in_dim3A_441 = vector.broadcast %broadcast_in_dim3A_440 : i32 to vector<16xi32>
        %gather3A_442 = tpu.vector_load_idx %arg9[%add3A_97, %broadcast_in_dim3A_441] : memref<96x128xf32, #tpu.memory_space<vmem>>[vector<16xi32>, vector<16xi32>], vector<16xf32>,
        %mul3A_443 = arith.mulf %gather3A_442, %gather3A_429 : vector<16xf32>
        %add3A_444 = arith.addf %add3A_421, %mul3A_443 : vector<16xf32>
        %broadcast_in_dim3A_445 = arith.constant 62 : i32
        %broadcast_in_dim3A_446 = vector.broadcast %broadcast_in_dim3A_445 : i32 to vector<16xi32>
        %gather3A_447 = tpu.vector_load_idx %arg9[%add3A_97, %broadcast_in_dim3A_446] : memref<96x128xf32, #tpu.memory_space<vmem>>[vector<16xi32>, vector<16xi32>], vector<16xf32>,
        %mul3A_448 = arith.mulf %gather3A_447, %gather3A_429 : vector<16xf32>
        %add3A_449 = arith.addf %add3A_426, %mul3A_448 : vector<16xf32>
        %broadcast_in_dim3A_450 = arith.constant 81 : i32
        %broadcast_in_dim3A_451 = vector.broadcast %broadcast_in_dim3A_450 : i32 to vector<16xi32>
        %gather3A_452 = tpu.vector_load_idx %arg10[%add3A_97, %broadcast_in_dim3A_451] : memref<96x128xf32, #tpu.memory_space<vmem>>[vector<16xi32>, vector<16xi32>], vector<16xf32>,
        %broadcast_in_dim3A_453 = arith.constant 15 : i32
        %broadcast_in_dim3A_454 = vector.broadcast %broadcast_in_dim3A_453 : i32 to vector<16xi32>
        %gather3A_455 = tpu.vector_load_idx %arg9[%add3A_97, %broadcast_in_dim3A_454] : memref<96x128xf32, #tpu.memory_space<vmem>>[vector<16xi32>, vector<16xi32>], vector<16xf32>,
        %mul3A_456 = arith.mulf %gather3A_455, %gather3A_452 : vector<16xf32>
        %add3A_457 = arith.addf %add3A_434, %mul3A_456 : vector<16xf32>
        %broadcast_in_dim3A_458 = arith.constant 31 : i32
        %broadcast_in_dim3A_459 = vector.broadcast %broadcast_in_dim3A_458 : i32 to vector<16xi32>
        %gather3A_460 = tpu.vector_load_idx %arg9[%add3A_97, %broadcast_in_dim3A_459] : memref<96x128xf32, #tpu.memory_space<vmem>>[vector<16xi32>, vector<16xi32>], vector<16xf32>,
        %mul3A_461 = arith.mulf %gather3A_460, %gather3A_452 : vector<16xf32>
        %add3A_462 = arith.addf %add3A_439, %mul3A_461 : vector<16xf32>
        %broadcast_in_dim3A_463 = arith.constant 47 : i32
        %broadcast_in_dim3A_464 = vector.broadcast %broadcast_in_dim3A_463 : i32 to vector<16xi32>
        %gather3A_465 = tpu.vector_load_idx %arg9[%add3A_97, %broadcast_in_dim3A_464] : memref<96x128xf32, #tpu.memory_space<vmem>>[vector<16xi32>, vector<16xi32>], vector<16xf32>,
        %mul3A_466 = arith.mulf %gather3A_465, %gather3A_452 : vector<16xf32>
        %add3A_467 = arith.addf %add3A_444, %mul3A_466 : vector<16xf32>
        %broadcast_in_dim3A_468 = arith.constant 63 : i32
        %broadcast_in_dim3A_469 = vector.broadcast %broadcast_in_dim3A_468 : i32 to vector<16xi32>
        %gather3A_470 = tpu.vector_load_idx %arg9[%add3A_97, %broadcast_in_dim3A_469] : memref<96x128xf32, #tpu.memory_space<vmem>>[vector<16xi32>, vector<16xi32>], vector<16xf32>,
        %mul3A_471 = arith.mulf %gather3A_470, %gather3A_452 : vector<16xf32>
        %add3A_472 = arith.addf %add3A_449, %mul3A_471 : vector<16xf32>
        %broadcast_in_dim3A_473 = arith.constant 64 : i32
        %broadcast_in_dim3A_474 = vector.broadcast %broadcast_in_dim3A_473 : i32 to vector<16xi32>
        %gather3A_475 = tpu.vector_load_idx %arg9[%add3A_97, %broadcast_in_dim3A_474] : memref<96x128xf32, #tpu.memory_space<vmem>>[vector<16xi32>, vector<16xi32>], vector<16xf32>,
        %broadcast_in_dim3A_476 = arith.constant 64 : i32
        %broadcast_in_dim3A_477 = vector.broadcast %broadcast_in_dim3A_476 : i32 to vector<16xi32>
        %gather3A_478 = tpu.vector_load_idx %arg10[%add3A_97, %broadcast_in_dim3A_477] : memref<96x128xf32, #tpu.memory_space<vmem>>[vector<16xi32>, vector<16xi32>], vector<16xf32>,
        %sub3A = arith.subf %gather3A_475, %gather3A_478 : vector<16xf32>
        %broadcast_in_dim3A_479 = arith.constant 65 : i32
        %broadcast_in_dim3A_480 = vector.broadcast %broadcast_in_dim3A_479 : i32 to vector<16xi32>
        %gather3A_481 = tpu.vector_load_idx %arg9[%add3A_97, %broadcast_in_dim3A_480] : memref<96x128xf32, #tpu.memory_space<vmem>>[vector<16xi32>, vector<16xi32>], vector<16xf32>,
        %broadcast_in_dim3A_482 = arith.constant 65 : i32
        %broadcast_in_dim3A_483 = vector.broadcast %broadcast_in_dim3A_482 : i32 to vector<16xi32>
        %gather3A_484 = tpu.vector_load_idx %arg10[%add3A_97, %broadcast_in_dim3A_483] : memref<96x128xf32, #tpu.memory_space<vmem>>[vector<16xi32>, vector<16xi32>], vector<16xf32>,
        %sub3A_485 = arith.subf %gather3A_481, %gather3A_484 : vector<16xf32>
        %mul3A_486 = arith.mulf %sub3A, %sub3A : vector<16xf32>
        %mul3A_487 = arith.mulf %sub3A_485, %sub3A_485 : vector<16xf32>
        %add3A_488 = arith.addf %mul3A_486, %mul3A_487 : vector<16xf32>
        %add3A_489 = arith.constant 9.99999996E-13 : f32
        %add3A_490 = vector.broadcast %add3A_489 : f32 to vector<16xf32>
        %add3A_491 = arith.addf %add3A_488, %add3A_490 : vector<16xf32>
        %bitcast3A = vector.bitcast %add3A_491 : vector<16xf32> to vector<16xi32>
        %shift_right_arithmetic3A = arith.constant 1 : i32
        %shift_right_arithmetic3A_492 = vector.broadcast %shift_right_arithmetic3A : i32 to vector<16xi32>
        %shift_right_arithmetic3A_493 = arith.shrsi %bitcast3A, %shift_right_arithmetic3A_492 : vector<16xi32>
        %sub3A_494 = arith.constant 1597463007 : i32
        %sub3A_495 = vector.broadcast %sub3A_494 : i32 to vector<16xi32>
        %sub3A_496 = arith.subi %sub3A_495, %shift_right_arithmetic3A_493 : vector<16xi32>
        %bitcast3A_497 = vector.bitcast %sub3A_496 : vector<16xi32> to vector<16xf32>
        %mul3A_498 = arith.constant 5.000000e-01 : f32
        %mul3A_499 = vector.broadcast %mul3A_498 : f32 to vector<16xf32>
        %mul3A_500 = arith.mulf %mul3A_499, %add3A_491 : vector<16xf32>
        %mul3A_501 = arith.mulf %mul3A_500, %bitcast3A_497 : vector<16xf32>
        %mul3A_502 = arith.mulf %mul3A_501, %bitcast3A_497 : vector<16xf32>
        %sub3A_503 = arith.constant 1.500000e+00 : f32
        %sub3A_504 = vector.broadcast %sub3A_503 : f32 to vector<16xf32>
        %sub3A_505 = arith.subf %sub3A_504, %mul3A_502 : vector<16xf32>
        %mul3A_506 = arith.mulf %bitcast3A_497, %sub3A_505 : vector<16xf32>
        %mul3A_507 = arith.constant 5.000000e-01 : f32
        %mul3A_508 = vector.broadcast %mul3A_507 : f32 to vector<16xf32>
        %mul3A_509 = arith.mulf %mul3A_508, %add3A_491 : vector<16xf32>
        %mul3A_510 = arith.mulf %mul3A_509, %mul3A_506 : vector<16xf32>
        %mul3A_511 = arith.mulf %mul3A_510, %mul3A_506 : vector<16xf32>
        %sub3A_512 = arith.constant 1.500000e+00 : f32
        %sub3A_513 = vector.broadcast %sub3A_512 : f32 to vector<16xf32>
        %sub3A_514 = arith.subf %sub3A_513, %mul3A_511 : vector<16xf32>
        %mul3A_515 = arith.mulf %mul3A_506, %sub3A_514 : vector<16xf32>
        %mul3A_516 = arith.constant 5.000000e-01 : f32
        %mul3A_517 = vector.broadcast %mul3A_516 : f32 to vector<16xf32>
        %mul3A_518 = arith.mulf %mul3A_517, %add3A_491 : vector<16xf32>
        %mul3A_519 = arith.mulf %mul3A_518, %mul3A_515 : vector<16xf32>
        %mul3A_520 = arith.mulf %mul3A_519, %mul3A_515 : vector<16xf32>
        %sub3A_521 = arith.constant 1.500000e+00 : f32
        %sub3A_522 = vector.broadcast %sub3A_521 : f32 to vector<16xf32>
        %sub3A_523 = arith.subf %sub3A_522, %mul3A_520 : vector<16xf32>
        %mul3A_524 = arith.mulf %mul3A_515, %sub3A_523 : vector<16xf32>
        %mul3A_525 = arith.mulf %add3A_491, %mul3A_524 : vector<16xf32>
        %neg3A = arith.constant 0.000000e+00 : f32
        %neg3A_526 = vector.broadcast %neg3A : f32 to vector<16xf32>
        %neg3A_527 = arith.subf %neg3A_526, %mul3A_525 : vector<16xf32>
        %exp3A = math.exp %neg3A_527 : vector<16xf32>
        %mul3A_528 = arith.constant 0.176776692 : f32
        %mul3A_529 = vector.broadcast %mul3A_528 : f32 to vector<16xf32>
        %mul3A_530 = arith.mulf %exp3A, %mul3A_529 : vector<16xf32>
        %mul3A_531 = arith.mulf %add3A_457, %mul3A_530 : vector<16xf32>
        %exp3A_532 = math.exp %mul3A_531 : vector<16xf32>
        %mul3A_533 = arith.mulf %add3A_462, %mul3A_530 : vector<16xf32>
        %exp3A_534 = math.exp %mul3A_533 : vector<16xf32>
        %mul3A_535 = arith.mulf %add3A_467, %mul3A_530 : vector<16xf32>
        %exp3A_536 = math.exp %mul3A_535 : vector<16xf32>
        %mul3A_537 = arith.mulf %add3A_472, %mul3A_530 : vector<16xf32>
        %exp3A_538 = math.exp %mul3A_537 : vector<16xf32>
        %broadcast_in_dim3A_539 = arith.constant 72 : i32
        %broadcast_in_dim3A_540 = vector.broadcast %broadcast_in_dim3A_539 : i32 to vector<16xi32>
        tpu.vector_store_idx %arg11[%add3A_97, %broadcast_in_dim3A_540], %exp3A_532 : memref<96x128xf32, #tpu.memory_space<vmem>>[vector<16xi32>, vector<16xi32>], vector<16xf32>,
        %broadcast_in_dim3A_541 = arith.constant 73 : i32
        %broadcast_in_dim3A_542 = vector.broadcast %broadcast_in_dim3A_541 : i32 to vector<16xi32>
        tpu.vector_store_idx %arg11[%add3A_97, %broadcast_in_dim3A_542], %exp3A_534 : memref<96x128xf32, #tpu.memory_space<vmem>>[vector<16xi32>, vector<16xi32>], vector<16xf32>,
        %broadcast_in_dim3A_543 = arith.constant 74 : i32
        %broadcast_in_dim3A_544 = vector.broadcast %broadcast_in_dim3A_543 : i32 to vector<16xi32>
        tpu.vector_store_idx %arg11[%add3A_97, %broadcast_in_dim3A_544], %exp3A_536 : memref<96x128xf32, #tpu.memory_space<vmem>>[vector<16xi32>, vector<16xi32>], vector<16xf32>,
        %broadcast_in_dim3A_545 = arith.constant 75 : i32
        %broadcast_in_dim3A_546 = vector.broadcast %broadcast_in_dim3A_545 : i32 to vector<16xi32>
        tpu.vector_store_idx %arg11[%add3A_97, %broadcast_in_dim3A_546], %exp3A_538 : memref<96x128xf32, #tpu.memory_space<vmem>>[vector<16xi32>, vector<16xi32>], vector<16xf32>,
        %broadcast_in_dim3A_547 = arith.constant 82 : i32
        %broadcast_in_dim3A_548 = vector.broadcast %broadcast_in_dim3A_547 : i32 to vector<16xi32>
        %gather3A_549 = tpu.vector_load_idx %arg10[%add3A_97, %broadcast_in_dim3A_548] : memref<96x128xf32, #tpu.memory_space<vmem>>[vector<16xi32>, vector<16xi32>], vector<16xf32>,
        %mul3A_550 = arith.mulf %exp3A_532, %gather3A_549 : vector<16xf32>
        %broadcast_in_dim3A_551 = arith.constant 0 : i32
        %broadcast_in_dim3A_552 = vector.broadcast %broadcast_in_dim3A_551 : i32 to vector<16xi32>
        tpu.vector_store_idx %arg11[%add3A_97, %broadcast_in_dim3A_552], %mul3A_550 : memref<96x128xf32, #tpu.memory_space<vmem>>[vector<16xi32>, vector<16xi32>], vector<16xf32>,
        %mul3A_553 = arith.mulf %exp3A_534, %gather3A_549 : vector<16xf32>
        %broadcast_in_dim3A_554 = arith.constant 18 : i32
        %broadcast_in_dim3A_555 = vector.broadcast %broadcast_in_dim3A_554 : i32 to vector<16xi32>
        tpu.vector_store_idx %arg11[%add3A_97, %broadcast_in_dim3A_555], %mul3A_553 : memref<96x128xf32, #tpu.memory_space<vmem>>[vector<16xi32>, vector<16xi32>], vector<16xf32>,
        %mul3A_556 = arith.mulf %exp3A_536, %gather3A_549 : vector<16xf32>
        %broadcast_in_dim3A_557 = arith.constant 36 : i32
        %broadcast_in_dim3A_558 = vector.broadcast %broadcast_in_dim3A_557 : i32 to vector<16xi32>
        tpu.vector_store_idx %arg11[%add3A_97, %broadcast_in_dim3A_558], %mul3A_556 : memref<96x128xf32, #tpu.memory_space<vmem>>[vector<16xi32>, vector<16xi32>], vector<16xf32>,
        %mul3A_559 = arith.mulf %exp3A_538, %gather3A_549 : vector<16xf32>
        %broadcast_in_dim3A_560 = arith.constant 54 : i32
        %broadcast_in_dim3A_561 = vector.broadcast %broadcast_in_dim3A_560 : i32 to vector<16xi32>
        tpu.vector_store_idx %arg11[%add3A_97, %broadcast_in_dim3A_561], %mul3A_559 : memref<96x128xf32, #tpu.memory_space<vmem>>[vector<16xi32>, vector<16xi32>], vector<16xf32>,
        %broadcast_in_dim3A_562 = arith.constant 83 : i32
        %broadcast_in_dim3A_563 = vector.broadcast %broadcast_in_dim3A_562 : i32 to vector<16xi32>
        %gather3A_564 = tpu.vector_load_idx %arg10[%add3A_97, %broadcast_in_dim3A_563] : memref<96x128xf32, #tpu.memory_space<vmem>>[vector<16xi32>, vector<16xi32>], vector<16xf32>,
        %mul3A_565 = arith.mulf %exp3A_532, %gather3A_564 : vector<16xf32>
        %broadcast_in_dim3A_566 = arith.constant 1 : i32
        %broadcast_in_dim3A_567 = vector.broadcast %broadcast_in_dim3A_566 : i32 to vector<16xi32>
        tpu.vector_store_idx %arg11[%add3A_97, %broadcast_in_dim3A_567], %mul3A_565 : memref<96x128xf32, #tpu.memory_space<vmem>>[vector<16xi32>, vector<16xi32>], vector<16xf32>,
        %mul3A_568 = arith.mulf %exp3A_534, %gather3A_564 : vector<16xf32>
        %broadcast_in_dim3A_569 = arith.constant 19 : i32
        %broadcast_in_dim3A_570 = vector.broadcast %broadcast_in_dim3A_569 : i32 to vector<16xi32>
        tpu.vector_store_idx %arg11[%add3A_97, %broadcast_in_dim3A_570], %mul3A_568 : memref<96x128xf32, #tpu.memory_space<vmem>>[vector<16xi32>, vector<16xi32>], vector<16xf32>,
        %mul3A_571 = arith.mulf %exp3A_536, %gather3A_564 : vector<16xf32>
        %broadcast_in_dim3A_572 = arith.constant 37 : i32
        %broadcast_in_dim3A_573 = vector.broadcast %broadcast_in_dim3A_572 : i32 to vector<16xi32>
        tpu.vector_store_idx %arg11[%add3A_97, %broadcast_in_dim3A_573], %mul3A_571 : memref<96x128xf32, #tpu.memory_space<vmem>>[vector<16xi32>, vector<16xi32>], vector<16xf32>,
        %mul3A_574 = arith.mulf %exp3A_538, %gather3A_564 : vector<16xf32>
        %broadcast_in_dim3A_575 = arith.constant 55 : i32
        %broadcast_in_dim3A_576 = vector.broadcast %broadcast_in_dim3A_575 : i32 to vector<16xi32>
        tpu.vector_store_idx %arg11[%add3A_97, %broadcast_in_dim3A_576], %mul3A_574 : memref<96x128xf32, #tpu.memory_space<vmem>>[vector<16xi32>, vector<16xi32>], vector<16xf32>,
        %broadcast_in_dim3A_577 = arith.constant 84 : i32
        %broadcast_in_dim3A_578 = vector.broadcast %broadcast_in_dim3A_577 : i32 to vector<16xi32>
        %gather3A_579 = tpu.vector_load_idx %arg10[%add3A_97, %broadcast_in_dim3A_578] : memref<96x128xf32, #tpu.memory_space<vmem>>[vector<16xi32>, vector<16xi32>], vector<16xf32>,
        %mul3A_580 = arith.mulf %exp3A_532, %gather3A_579 : vector<16xf32>
        %broadcast_in_dim3A_581 = arith.constant 2 : i32
        %broadcast_in_dim3A_582 = vector.broadcast %broadcast_in_dim3A_581 : i32 to vector<16xi32>
        tpu.vector_store_idx %arg11[%add3A_97, %broadcast_in_dim3A_582], %mul3A_580 : memref<96x128xf32, #tpu.memory_space<vmem>>[vector<16xi32>, vector<16xi32>], vector<16xf32>,
        %mul3A_583 = arith.mulf %exp3A_534, %gather3A_579 : vector<16xf32>
        %broadcast_in_dim3A_584 = arith.constant 20 : i32
        %broadcast_in_dim3A_585 = vector.broadcast %broadcast_in_dim3A_584 : i32 to vector<16xi32>
        tpu.vector_store_idx %arg11[%add3A_97, %broadcast_in_dim3A_585], %mul3A_583 : memref<96x128xf32, #tpu.memory_space<vmem>>[vector<16xi32>, vector<16xi32>], vector<16xf32>,
        %mul3A_586 = arith.mulf %exp3A_536, %gather3A_579 : vector<16xf32>
        %broadcast_in_dim3A_587 = arith.constant 38 : i32
        %broadcast_in_dim3A_588 = vector.broadcast %broadcast_in_dim3A_587 : i32 to vector<16xi32>
        tpu.vector_store_idx %arg11[%add3A_97, %broadcast_in_dim3A_588], %mul3A_586 : memref<96x128xf32, #tpu.memory_space<vmem>>[vector<16xi32>, vector<16xi32>], vector<16xf32>,
        %mul3A_589 = arith.mulf %exp3A_538, %gather3A_579 : vector<16xf32>
        %broadcast_in_dim3A_590 = arith.constant 56 : i32
        %broadcast_in_dim3A_591 = vector.broadcast %broadcast_in_dim3A_590 : i32 to vector<16xi32>
        tpu.vector_store_idx %arg11[%add3A_97, %broadcast_in_dim3A_591], %mul3A_589 : memref<96x128xf32, #tpu.memory_space<vmem>>[vector<16xi32>, vector<16xi32>], vector<16xf32>,
        %broadcast_in_dim3A_592 = arith.constant 85 : i32
        %broadcast_in_dim3A_593 = vector.broadcast %broadcast_in_dim3A_592 : i32 to vector<16xi32>
        %gather3A_594 = tpu.vector_load_idx %arg10[%add3A_97, %broadcast_in_dim3A_593] : memref<96x128xf32, #tpu.memory_space<vmem>>[vector<16xi32>, vector<16xi32>], vector<16xf32>,
        %mul3A_595 = arith.mulf %exp3A_532, %gather3A_594 : vector<16xf32>
        %broadcast_in_dim3A_596 = arith.constant 3 : i32
        %broadcast_in_dim3A_597 = vector.broadcast %broadcast_in_dim3A_596 : i32 to vector<16xi32>
        tpu.vector_store_idx %arg11[%add3A_97, %broadcast_in_dim3A_597], %mul3A_595 : memref<96x128xf32, #tpu.memory_space<vmem>>[vector<16xi32>, vector<16xi32>], vector<16xf32>,
        %mul3A_598 = arith.mulf %exp3A_534, %gather3A_594 : vector<16xf32>
        %broadcast_in_dim3A_599 = arith.constant 21 : i32
        %broadcast_in_dim3A_600 = vector.broadcast %broadcast_in_dim3A_599 : i32 to vector<16xi32>
        tpu.vector_store_idx %arg11[%add3A_97, %broadcast_in_dim3A_600], %mul3A_598 : memref<96x128xf32, #tpu.memory_space<vmem>>[vector<16xi32>, vector<16xi32>], vector<16xf32>,
        %mul3A_601 = arith.mulf %exp3A_536, %gather3A_594 : vector<16xf32>
        %broadcast_in_dim3A_602 = arith.constant 39 : i32
        %broadcast_in_dim3A_603 = vector.broadcast %broadcast_in_dim3A_602 : i32 to vector<16xi32>
        tpu.vector_store_idx %arg11[%add3A_97, %broadcast_in_dim3A_603], %mul3A_601 : memref<96x128xf32, #tpu.memory_space<vmem>>[vector<16xi32>, vector<16xi32>], vector<16xf32>,
        %mul3A_604 = arith.mulf %exp3A_538, %gather3A_594 : vector<16xf32>
        %broadcast_in_dim3A_605 = arith.constant 57 : i32
        %broadcast_in_dim3A_606 = vector.broadcast %broadcast_in_dim3A_605 : i32 to vector<16xi32>
        tpu.vector_store_idx %arg11[%add3A_97, %broadcast_in_dim3A_606], %mul3A_604 : memref<96x128xf32, #tpu.memory_space<vmem>>[vector<16xi32>, vector<16xi32>], vector<16xf32>,
        %broadcast_in_dim3A_607 = arith.constant 86 : i32
        %broadcast_in_dim3A_608 = vector.broadcast %broadcast_in_dim3A_607 : i32 to vector<16xi32>
        %gather3A_609 = tpu.vector_load_idx %arg10[%add3A_97, %broadcast_in_dim3A_608] : memref<96x128xf32, #tpu.memory_space<vmem>>[vector<16xi32>, vector<16xi32>], vector<16xf32>,
        %mul3A_610 = arith.mulf %exp3A_532, %gather3A_609 : vector<16xf32>
        %broadcast_in_dim3A_611 = arith.constant 4 : i32
        %broadcast_in_dim3A_612 = vector.broadcast %broadcast_in_dim3A_611 : i32 to vector<16xi32>
        tpu.vector_store_idx %arg11[%add3A_97, %broadcast_in_dim3A_612], %mul3A_610 : memref<96x128xf32, #tpu.memory_space<vmem>>[vector<16xi32>, vector<16xi32>], vector<16xf32>,
        %mul3A_613 = arith.mulf %exp3A_534, %gather3A_609 : vector<16xf32>
        %broadcast_in_dim3A_614 = arith.constant 22 : i32
        %broadcast_in_dim3A_615 = vector.broadcast %broadcast_in_dim3A_614 : i32 to vector<16xi32>
        tpu.vector_store_idx %arg11[%add3A_97, %broadcast_in_dim3A_615], %mul3A_613 : memref<96x128xf32, #tpu.memory_space<vmem>>[vector<16xi32>, vector<16xi32>], vector<16xf32>,
        %mul3A_616 = arith.mulf %exp3A_536, %gather3A_609 : vector<16xf32>
        %broadcast_in_dim3A_617 = arith.constant 40 : i32
        %broadcast_in_dim3A_618 = vector.broadcast %broadcast_in_dim3A_617 : i32 to vector<16xi32>
        tpu.vector_store_idx %arg11[%add3A_97, %broadcast_in_dim3A_618], %mul3A_616 : memref<96x128xf32, #tpu.memory_space<vmem>>[vector<16xi32>, vector<16xi32>], vector<16xf32>,
        %mul3A_619 = arith.mulf %exp3A_538, %gather3A_609 : vector<16xf32>
        %broadcast_in_dim3A_620 = arith.constant 58 : i32
        %broadcast_in_dim3A_621 = vector.broadcast %broadcast_in_dim3A_620 : i32 to vector<16xi32>
        tpu.vector_store_idx %arg11[%add3A_97, %broadcast_in_dim3A_621], %mul3A_619 : memref<96x128xf32, #tpu.memory_space<vmem>>[vector<16xi32>, vector<16xi32>], vector<16xf32>,
        %broadcast_in_dim3A_622 = arith.constant 87 : i32
        %broadcast_in_dim3A_623 = vector.broadcast %broadcast_in_dim3A_622 : i32 to vector<16xi32>
        %gather3A_624 = tpu.vector_load_idx %arg10[%add3A_97, %broadcast_in_dim3A_623] : memref<96x128xf32, #tpu.memory_space<vmem>>[vector<16xi32>, vector<16xi32>], vector<16xf32>,
        %mul3A_625 = arith.mulf %exp3A_532, %gather3A_624 : vector<16xf32>
        %broadcast_in_dim3A_626 = arith.constant 5 : i32
        %broadcast_in_dim3A_627 = vector.broadcast %broadcast_in_dim3A_626 : i32 to vector<16xi32>
        tpu.vector_store_idx %arg11[%add3A_97, %broadcast_in_dim3A_627], %mul3A_625 : memref<96x128xf32, #tpu.memory_space<vmem>>[vector<16xi32>, vector<16xi32>], vector<16xf32>,
        %mul3A_628 = arith.mulf %exp3A_534, %gather3A_624 : vector<16xf32>
        %broadcast_in_dim3A_629 = arith.constant 23 : i32
        %broadcast_in_dim3A_630 = vector.broadcast %broadcast_in_dim3A_629 : i32 to vector<16xi32>
        tpu.vector_store_idx %arg11[%add3A_97, %broadcast_in_dim3A_630], %mul3A_628 : memref<96x128xf32, #tpu.memory_space<vmem>>[vector<16xi32>, vector<16xi32>], vector<16xf32>,
        %mul3A_631 = arith.mulf %exp3A_536, %gather3A_624 : vector<16xf32>
        %broadcast_in_dim3A_632 = arith.constant 41 : i32
        %broadcast_in_dim3A_633 = vector.broadcast %broadcast_in_dim3A_632 : i32 to vector<16xi32>
        tpu.vector_store_idx %arg11[%add3A_97, %broadcast_in_dim3A_633], %mul3A_631 : memref<96x128xf32, #tpu.memory_space<vmem>>[vector<16xi32>, vector<16xi32>], vector<16xf32>,
        %mul3A_634 = arith.mulf %exp3A_538, %gather3A_624 : vector<16xf32>
        %broadcast_in_dim3A_635 = arith.constant 59 : i32
        %broadcast_in_dim3A_636 = vector.broadcast %broadcast_in_dim3A_635 : i32 to vector<16xi32>
        tpu.vector_store_idx %arg11[%add3A_97, %broadcast_in_dim3A_636], %mul3A_634 : memref<96x128xf32, #tpu.memory_space<vmem>>[vector<16xi32>, vector<16xi32>], vector<16xf32>,
        %broadcast_in_dim3A_637 = arith.constant 88 : i32
        %broadcast_in_dim3A_638 = vector.broadcast %broadcast_in_dim3A_637 : i32 to vector<16xi32>
        %gather3A_639 = tpu.vector_load_idx %arg10[%add3A_97, %broadcast_in_dim3A_638] : memref<96x128xf32, #tpu.memory_space<vmem>>[vector<16xi32>, vector<16xi32>], vector<16xf32>,
        %mul3A_640 = arith.mulf %exp3A_532, %gather3A_639 : vector<16xf32>
        %broadcast_in_dim3A_641 = arith.constant 6 : i32
        %broadcast_in_dim3A_642 = vector.broadcast %broadcast_in_dim3A_641 : i32 to vector<16xi32>
        tpu.vector_store_idx %arg11[%add3A_97, %broadcast_in_dim3A_642], %mul3A_640 : memref<96x128xf32, #tpu.memory_space<vmem>>[vector<16xi32>, vector<16xi32>], vector<16xf32>,
        %mul3A_643 = arith.mulf %exp3A_534, %gather3A_639 : vector<16xf32>
        %broadcast_in_dim3A_644 = arith.constant 24 : i32
        %broadcast_in_dim3A_645 = vector.broadcast %broadcast_in_dim3A_644 : i32 to vector<16xi32>
        tpu.vector_store_idx %arg11[%add3A_97, %broadcast_in_dim3A_645], %mul3A_643 : memref<96x128xf32, #tpu.memory_space<vmem>>[vector<16xi32>, vector<16xi32>], vector<16xf32>,
        %mul3A_646 = arith.mulf %exp3A_536, %gather3A_639 : vector<16xf32>
        %broadcast_in_dim3A_647 = arith.constant 42 : i32
        %broadcast_in_dim3A_648 = vector.broadcast %broadcast_in_dim3A_647 : i32 to vector<16xi32>
        tpu.vector_store_idx %arg11[%add3A_97, %broadcast_in_dim3A_648], %mul3A_646 : memref<96x128xf32, #tpu.memory_space<vmem>>[vector<16xi32>, vector<16xi32>], vector<16xf32>,
        %mul3A_649 = arith.mulf %exp3A_538, %gather3A_639 : vector<16xf32>
        %broadcast_in_dim3A_650 = arith.constant 60 : i32
        %broadcast_in_dim3A_651 = vector.broadcast %broadcast_in_dim3A_650 : i32 to vector<16xi32>
        tpu.vector_store_idx %arg11[%add3A_97, %broadcast_in_dim3A_651], %mul3A_649 : memref<96x128xf32, #tpu.memory_space<vmem>>[vector<16xi32>, vector<16xi32>], vector<16xf32>,
        %broadcast_in_dim3A_652 = arith.constant 89 : i32
        %broadcast_in_dim3A_653 = vector.broadcast %broadcast_in_dim3A_652 : i32 to vector<16xi32>
        %gather3A_654 = tpu.vector_load_idx %arg10[%add3A_97, %broadcast_in_dim3A_653] : memref<96x128xf32, #tpu.memory_space<vmem>>[vector<16xi32>, vector<16xi32>], vector<16xf32>,
        %mul3A_655 = arith.mulf %exp3A_532, %gather3A_654 : vector<16xf32>
        %broadcast_in_dim3A_656 = arith.constant 7 : i32
        %broadcast_in_dim3A_657 = vector.broadcast %broadcast_in_dim3A_656 : i32 to vector<16xi32>
        tpu.vector_store_idx %arg11[%add3A_97, %broadcast_in_dim3A_657], %mul3A_655 : memref<96x128xf32, #tpu.memory_space<vmem>>[vector<16xi32>, vector<16xi32>], vector<16xf32>,
        %mul3A_658 = arith.mulf %exp3A_534, %gather3A_654 : vector<16xf32>
        %broadcast_in_dim3A_659 = arith.constant 25 : i32
        %broadcast_in_dim3A_660 = vector.broadcast %broadcast_in_dim3A_659 : i32 to vector<16xi32>
        tpu.vector_store_idx %arg11[%add3A_97, %broadcast_in_dim3A_660], %mul3A_658 : memref<96x128xf32, #tpu.memory_space<vmem>>[vector<16xi32>, vector<16xi32>], vector<16xf32>,
        %mul3A_661 = arith.mulf %exp3A_536, %gather3A_654 : vector<16xf32>
        %broadcast_in_dim3A_662 = arith.constant 43 : i32
        %broadcast_in_dim3A_663 = vector.broadcast %broadcast_in_dim3A_662 : i32 to vector<16xi32>
        tpu.vector_store_idx %arg11[%add3A_97, %broadcast_in_dim3A_663], %mul3A_661 : memref<96x128xf32, #tpu.memory_space<vmem>>[vector<16xi32>, vector<16xi32>], vector<16xf32>,
        %mul3A_664 = arith.mulf %exp3A_538, %gather3A_654 : vector<16xf32>
        %broadcast_in_dim3A_665 = arith.constant 61 : i32
        %broadcast_in_dim3A_666 = vector.broadcast %broadcast_in_dim3A_665 : i32 to vector<16xi32>
        tpu.vector_store_idx %arg11[%add3A_97, %broadcast_in_dim3A_666], %mul3A_664 : memref<96x128xf32, #tpu.memory_space<vmem>>[vector<16xi32>, vector<16xi32>], vector<16xf32>,
        %broadcast_in_dim3A_667 = arith.constant 90 : i32
        %broadcast_in_dim3A_668 = vector.broadcast %broadcast_in_dim3A_667 : i32 to vector<16xi32>
        %gather3A_669 = tpu.vector_load_idx %arg10[%add3A_97, %broadcast_in_dim3A_668] : memref<96x128xf32, #tpu.memory_space<vmem>>[vector<16xi32>, vector<16xi32>], vector<16xf32>,
        %mul3A_670 = arith.mulf %exp3A_532, %gather3A_669 : vector<16xf32>
        %broadcast_in_dim3A_671 = arith.constant 8 : i32
        %broadcast_in_dim3A_672 = vector.broadcast %broadcast_in_dim3A_671 : i32 to vector<16xi32>
        tpu.vector_store_idx %arg11[%add3A_97, %broadcast_in_dim3A_672], %mul3A_670 : memref<96x128xf32, #tpu.memory_space<vmem>>[vector<16xi32>, vector<16xi32>], vector<16xf32>,
        %mul3A_673 = arith.mulf %exp3A_534, %gather3A_669 : vector<16xf32>
        %broadcast_in_dim3A_674 = arith.constant 26 : i32
        %broadcast_in_dim3A_675 = vector.broadcast %broadcast_in_dim3A_674 : i32 to vector<16xi32>
        tpu.vector_store_idx %arg11[%add3A_97, %broadcast_in_dim3A_675], %mul3A_673 : memref<96x128xf32, #tpu.memory_space<vmem>>[vector<16xi32>, vector<16xi32>], vector<16xf32>,
        %mul3A_676 = arith.mulf %exp3A_536, %gather3A_669 : vector<16xf32>
        %broadcast_in_dim3A_677 = arith.constant 44 : i32
        %broadcast_in_dim3A_678 = vector.broadcast %broadcast_in_dim3A_677 : i32 to vector<16xi32>
        tpu.vector_store_idx %arg11[%add3A_97, %broadcast_in_dim3A_678], %mul3A_676 : memref<96x128xf32, #tpu.memory_space<vmem>>[vector<16xi32>, vector<16xi32>], vector<16xf32>,
        %mul3A_679 = arith.mulf %exp3A_538, %gather3A_669 : vector<16xf32>
        %broadcast_in_dim3A_680 = arith.constant 62 : i32
        %broadcast_in_dim3A_681 = vector.broadcast %broadcast_in_dim3A_680 : i32 to vector<16xi32>
        tpu.vector_store_idx %arg11[%add3A_97, %broadcast_in_dim3A_681], %mul3A_679 : memref<96x128xf32, #tpu.memory_space<vmem>>[vector<16xi32>, vector<16xi32>], vector<16xf32>,
        %broadcast_in_dim3A_682 = arith.constant 91 : i32
        %broadcast_in_dim3A_683 = vector.broadcast %broadcast_in_dim3A_682 : i32 to vector<16xi32>
        %gather3A_684 = tpu.vector_load_idx %arg10[%add3A_97, %broadcast_in_dim3A_683] : memref<96x128xf32, #tpu.memory_space<vmem>>[vector<16xi32>, vector<16xi32>], vector<16xf32>,
        %mul3A_685 = arith.mulf %exp3A_532, %gather3A_684 : vector<16xf32>
        %broadcast_in_dim3A_686 = arith.constant 9 : i32
        %broadcast_in_dim3A_687 = vector.broadcast %broadcast_in_dim3A_686 : i32 to vector<16xi32>
        tpu.vector_store_idx %arg11[%add3A_97, %broadcast_in_dim3A_687], %mul3A_685 : memref<96x128xf32, #tpu.memory_space<vmem>>[vector<16xi32>, vector<16xi32>], vector<16xf32>,
        %mul3A_688 = arith.mulf %exp3A_534, %gather3A_684 : vector<16xf32>
        %broadcast_in_dim3A_689 = arith.constant 27 : i32
        %broadcast_in_dim3A_690 = vector.broadcast %broadcast_in_dim3A_689 : i32 to vector<16xi32>
        tpu.vector_store_idx %arg11[%add3A_97, %broadcast_in_dim3A_690], %mul3A_688 : memref<96x128xf32, #tpu.memory_space<vmem>>[vector<16xi32>, vector<16xi32>], vector<16xf32>,
        %mul3A_691 = arith.mulf %exp3A_536, %gather3A_684 : vector<16xf32>
        %broadcast_in_dim3A_692 = arith.constant 45 : i32
        %broadcast_in_dim3A_693 = vector.broadcast %broadcast_in_dim3A_692 : i32 to vector<16xi32>
        tpu.vector_store_idx %arg11[%add3A_97, %broadcast_in_dim3A_693], %mul3A_691 : memref<96x128xf32, #tpu.memory_space<vmem>>[vector<16xi32>, vector<16xi32>], vector<16xf32>,
        %mul3A_694 = arith.mulf %exp3A_538, %gather3A_684 : vector<16xf32>
        %broadcast_in_dim3A_695 = arith.constant 63 : i32
        %broadcast_in_dim3A_696 = vector.broadcast %broadcast_in_dim3A_695 : i32 to vector<16xi32>
        tpu.vector_store_idx %arg11[%add3A_97, %broadcast_in_dim3A_696], %mul3A_694 : memref<96x128xf32, #tpu.memory_space<vmem>>[vector<16xi32>, vector<16xi32>], vector<16xf32>,
        %broadcast_in_dim3A_697 = arith.constant 92 : i32
        %broadcast_in_dim3A_698 = vector.broadcast %broadcast_in_dim3A_697 : i32 to vector<16xi32>
        %gather3A_699 = tpu.vector_load_idx %arg10[%add3A_97, %broadcast_in_dim3A_698] : memref<96x128xf32, #tpu.memory_space<vmem>>[vector<16xi32>, vector<16xi32>], vector<16xf32>,
        %mul3A_700 = arith.mulf %exp3A_532, %gather3A_699 : vector<16xf32>
        %broadcast_in_dim3A_701 = arith.constant 10 : i32
        %broadcast_in_dim3A_702 = vector.broadcast %broadcast_in_dim3A_701 : i32 to vector<16xi32>
        tpu.vector_store_idx %arg11[%add3A_97, %broadcast_in_dim3A_702], %mul3A_700 : memref<96x128xf32, #tpu.memory_space<vmem>>[vector<16xi32>, vector<16xi32>], vector<16xf32>,
        %mul3A_703 = arith.mulf %exp3A_534, %gather3A_699 : vector<16xf32>
        %broadcast_in_dim3A_704 = arith.constant 28 : i32
        %broadcast_in_dim3A_705 = vector.broadcast %broadcast_in_dim3A_704 : i32 to vector<16xi32>
        tpu.vector_store_idx %arg11[%add3A_97, %broadcast_in_dim3A_705], %mul3A_703 : memref<96x128xf32, #tpu.memory_space<vmem>>[vector<16xi32>, vector<16xi32>], vector<16xf32>,
        %mul3A_706 = arith.mulf %exp3A_536, %gather3A_699 : vector<16xf32>
        %broadcast_in_dim3A_707 = arith.constant 46 : i32
        %broadcast_in_dim3A_708 = vector.broadcast %broadcast_in_dim3A_707 : i32 to vector<16xi32>
        tpu.vector_store_idx %arg11[%add3A_97, %broadcast_in_dim3A_708], %mul3A_706 : memref<96x128xf32, #tpu.memory_space<vmem>>[vector<16xi32>, vector<16xi32>], vector<16xf32>,
        %mul3A_709 = arith.mulf %exp3A_538, %gather3A_699 : vector<16xf32>
        %broadcast_in_dim3A_710 = arith.constant 64 : i32
        %broadcast_in_dim3A_711 = vector.broadcast %broadcast_in_dim3A_710 : i32 to vector<16xi32>
        tpu.vector_store_idx %arg11[%add3A_97, %broadcast_in_dim3A_711], %mul3A_709 : memref<96x128xf32, #tpu.memory_space<vmem>>[vector<16xi32>, vector<16xi32>], vector<16xf32>,
        %broadcast_in_dim3A_712 = arith.constant 93 : i32
        %broadcast_in_dim3A_713 = vector.broadcast %broadcast_in_dim3A_712 : i32 to vector<16xi32>
        %gather3A_714 = tpu.vector_load_idx %arg10[%add3A_97, %broadcast_in_dim3A_713] : memref<96x128xf32, #tpu.memory_space<vmem>>[vector<16xi32>, vector<16xi32>], vector<16xf32>,
        %mul3A_715 = arith.mulf %exp3A_532, %gather3A_714 : vector<16xf32>
        %broadcast_in_dim3A_716 = arith.constant 11 : i32
        %broadcast_in_dim3A_717 = vector.broadcast %broadcast_in_dim3A_716 : i32 to vector<16xi32>
        tpu.vector_store_idx %arg11[%add3A_97, %broadcast_in_dim3A_717], %mul3A_715 : memref<96x128xf32, #tpu.memory_space<vmem>>[vector<16xi32>, vector<16xi32>], vector<16xf32>,
        %mul3A_718 = arith.mulf %exp3A_534, %gather3A_714 : vector<16xf32>
        %broadcast_in_dim3A_719 = arith.constant 29 : i32
        %broadcast_in_dim3A_720 = vector.broadcast %broadcast_in_dim3A_719 : i32 to vector<16xi32>
        tpu.vector_store_idx %arg11[%add3A_97, %broadcast_in_dim3A_720], %mul3A_718 : memref<96x128xf32, #tpu.memory_space<vmem>>[vector<16xi32>, vector<16xi32>], vector<16xf32>,
        %mul3A_721 = arith.mulf %exp3A_536, %gather3A_714 : vector<16xf32>
        %broadcast_in_dim3A_722 = arith.constant 47 : i32
        %broadcast_in_dim3A_723 = vector.broadcast %broadcast_in_dim3A_722 : i32 to vector<16xi32>
        tpu.vector_store_idx %arg11[%add3A_97, %broadcast_in_dim3A_723], %mul3A_721 : memref<96x128xf32, #tpu.memory_space<vmem>>[vector<16xi32>, vector<16xi32>], vector<16xf32>,
        %mul3A_724 = arith.mulf %exp3A_538, %gather3A_714 : vector<16xf32>
        %broadcast_in_dim3A_725 = arith.constant 65 : i32
        %broadcast_in_dim3A_726 = vector.broadcast %broadcast_in_dim3A_725 : i32 to vector<16xi32>
        tpu.vector_store_idx %arg11[%add3A_97, %broadcast_in_dim3A_726], %mul3A_724 : memref<96x128xf32, #tpu.memory_space<vmem>>[vector<16xi32>, vector<16xi32>], vector<16xf32>,
        %broadcast_in_dim3A_727 = arith.constant 94 : i32
        %broadcast_in_dim3A_728 = vector.broadcast %broadcast_in_dim3A_727 : i32 to vector<16xi32>
        %gather3A_729 = tpu.vector_load_idx %arg10[%add3A_97, %broadcast_in_dim3A_728] : memref<96x128xf32, #tpu.memory_space<vmem>>[vector<16xi32>, vector<16xi32>], vector<16xf32>,
        %mul3A_730 = arith.mulf %exp3A_532, %gather3A_729 : vector<16xf32>
        %broadcast_in_dim3A_731 = arith.constant 12 : i32
        %broadcast_in_dim3A_732 = vector.broadcast %broadcast_in_dim3A_731 : i32 to vector<16xi32>
        tpu.vector_store_idx %arg11[%add3A_97, %broadcast_in_dim3A_732], %mul3A_730 : memref<96x128xf32, #tpu.memory_space<vmem>>[vector<16xi32>, vector<16xi32>], vector<16xf32>,
        %mul3A_733 = arith.mulf %exp3A_534, %gather3A_729 : vector<16xf32>
        %broadcast_in_dim3A_734 = arith.constant 30 : i32
        %broadcast_in_dim3A_735 = vector.broadcast %broadcast_in_dim3A_734 : i32 to vector<16xi32>
        tpu.vector_store_idx %arg11[%add3A_97, %broadcast_in_dim3A_735], %mul3A_733 : memref<96x128xf32, #tpu.memory_space<vmem>>[vector<16xi32>, vector<16xi32>], vector<16xf32>,
        %mul3A_736 = arith.mulf %exp3A_536, %gather3A_729 : vector<16xf32>
        %broadcast_in_dim3A_737 = arith.constant 48 : i32
        %broadcast_in_dim3A_738 = vector.broadcast %broadcast_in_dim3A_737 : i32 to vector<16xi32>
        tpu.vector_store_idx %arg11[%add3A_97, %broadcast_in_dim3A_738], %mul3A_736 : memref<96x128xf32, #tpu.memory_space<vmem>>[vector<16xi32>, vector<16xi32>], vector<16xf32>,
        %mul3A_739 = arith.mulf %exp3A_538, %gather3A_729 : vector<16xf32>
        %broadcast_in_dim3A_740 = arith.constant 66 : i32
        %broadcast_in_dim3A_741 = vector.broadcast %broadcast_in_dim3A_740 : i32 to vector<16xi32>
        tpu.vector_store_idx %arg11[%add3A_97, %broadcast_in_dim3A_741], %mul3A_739 : memref<96x128xf32, #tpu.memory_space<vmem>>[vector<16xi32>, vector<16xi32>], vector<16xf32>,
        %broadcast_in_dim3A_742 = arith.constant 95 : i32
        %broadcast_in_dim3A_743 = vector.broadcast %broadcast_in_dim3A_742 : i32 to vector<16xi32>
        %gather3A_744 = tpu.vector_load_idx %arg10[%add3A_97, %broadcast_in_dim3A_743] : memref<96x128xf32, #tpu.memory_space<vmem>>[vector<16xi32>, vector<16xi32>], vector<16xf32>,
        %mul3A_745 = arith.mulf %exp3A_532, %gather3A_744 : vector<16xf32>
        %broadcast_in_dim3A_746 = arith.constant 13 : i32
        %broadcast_in_dim3A_747 = vector.broadcast %broadcast_in_dim3A_746 : i32 to vector<16xi32>
        tpu.vector_store_idx %arg11[%add3A_97, %broadcast_in_dim3A_747], %mul3A_745 : memref<96x128xf32, #tpu.memory_space<vmem>>[vector<16xi32>, vector<16xi32>], vector<16xf32>,
        %mul3A_748 = arith.mulf %exp3A_534, %gather3A_744 : vector<16xf32>
        %broadcast_in_dim3A_749 = arith.constant 31 : i32
        %broadcast_in_dim3A_750 = vector.broadcast %broadcast_in_dim3A_749 : i32 to vector<16xi32>
        tpu.vector_store_idx %arg11[%add3A_97, %broadcast_in_dim3A_750], %mul3A_748 : memref<96x128xf32, #tpu.memory_space<vmem>>[vector<16xi32>, vector<16xi32>], vector<16xf32>,
        %mul3A_751 = arith.mulf %exp3A_536, %gather3A_744 : vector<16xf32>
        %broadcast_in_dim3A_752 = arith.constant 49 : i32
        %broadcast_in_dim3A_753 = vector.broadcast %broadcast_in_dim3A_752 : i32 to vector<16xi32>
        tpu.vector_store_idx %arg11[%add3A_97, %broadcast_in_dim3A_753], %mul3A_751 : memref<96x128xf32, #tpu.memory_space<vmem>>[vector<16xi32>, vector<16xi32>], vector<16xf32>,
        %mul3A_754 = arith.mulf %exp3A_538, %gather3A_744 : vector<16xf32>
        %broadcast_in_dim3A_755 = arith.constant 67 : i32
        %broadcast_in_dim3A_756 = vector.broadcast %broadcast_in_dim3A_755 : i32 to vector<16xi32>
        tpu.vector_store_idx %arg11[%add3A_97, %broadcast_in_dim3A_756], %mul3A_754 : memref<96x128xf32, #tpu.memory_space<vmem>>[vector<16xi32>, vector<16xi32>], vector<16xf32>,
        %broadcast_in_dim3A_757 = arith.constant 96 : i32
        %broadcast_in_dim3A_758 = vector.broadcast %broadcast_in_dim3A_757 : i32 to vector<16xi32>
        %gather3A_759 = tpu.vector_load_idx %arg10[%add3A_97, %broadcast_in_dim3A_758] : memref<96x128xf32, #tpu.memory_space<vmem>>[vector<16xi32>, vector<16xi32>], vector<16xf32>,
        %mul3A_760 = arith.mulf %exp3A_532, %gather3A_759 : vector<16xf32>
        %broadcast_in_dim3A_761 = arith.constant 14 : i32
        %broadcast_in_dim3A_762 = vector.broadcast %broadcast_in_dim3A_761 : i32 to vector<16xi32>
        tpu.vector_store_idx %arg11[%add3A_97, %broadcast_in_dim3A_762], %mul3A_760 : memref<96x128xf32, #tpu.memory_space<vmem>>[vector<16xi32>, vector<16xi32>], vector<16xf32>,
        %mul3A_763 = arith.mulf %exp3A_534, %gather3A_759 : vector<16xf32>
        %broadcast_in_dim3A_764 = arith.constant 32 : i32
        %broadcast_in_dim3A_765 = vector.broadcast %broadcast_in_dim3A_764 : i32 to vector<16xi32>
        tpu.vector_store_idx %arg11[%add3A_97, %broadcast_in_dim3A_765], %mul3A_763 : memref<96x128xf32, #tpu.memory_space<vmem>>[vector<16xi32>, vector<16xi32>], vector<16xf32>,
        %mul3A_766 = arith.mulf %exp3A_536, %gather3A_759 : vector<16xf32>
        %broadcast_in_dim3A_767 = arith.constant 50 : i32
        %broadcast_in_dim3A_768 = vector.broadcast %broadcast_in_dim3A_767 : i32 to vector<16xi32>
        tpu.vector_store_idx %arg11[%add3A_97, %broadcast_in_dim3A_768], %mul3A_766 : memref<96x128xf32, #tpu.memory_space<vmem>>[vector<16xi32>, vector<16xi32>], vector<16xf32>,
        %mul3A_769 = arith.mulf %exp3A_538, %gather3A_759 : vector<16xf32>
        %broadcast_in_dim3A_770 = arith.constant 68 : i32
        %broadcast_in_dim3A_771 = vector.broadcast %broadcast_in_dim3A_770 : i32 to vector<16xi32>
        tpu.vector_store_idx %arg11[%add3A_97, %broadcast_in_dim3A_771], %mul3A_769 : memref<96x128xf32, #tpu.memory_space<vmem>>[vector<16xi32>, vector<16xi32>], vector<16xf32>,
        %broadcast_in_dim3A_772 = arith.constant 97 : i32
        %broadcast_in_dim3A_773 = vector.broadcast %broadcast_in_dim3A_772 : i32 to vector<16xi32>
        %gather3A_774 = tpu.vector_load_idx %arg10[%add3A_97, %broadcast_in_dim3A_773] : memref<96x128xf32, #tpu.memory_space<vmem>>[vector<16xi32>, vector<16xi32>], vector<16xf32>,
        %mul3A_775 = arith.mulf %exp3A_532, %gather3A_774 : vector<16xf32>
        %broadcast_in_dim3A_776 = arith.constant 15 : i32
        %broadcast_in_dim3A_777 = vector.broadcast %broadcast_in_dim3A_776 : i32 to vector<16xi32>
        tpu.vector_store_idx %arg11[%add3A_97, %broadcast_in_dim3A_777], %mul3A_775 : memref<96x128xf32, #tpu.memory_space<vmem>>[vector<16xi32>, vector<16xi32>], vector<16xf32>,
        %mul3A_778 = arith.mulf %exp3A_534, %gather3A_774 : vector<16xf32>
        %broadcast_in_dim3A_779 = arith.constant 33 : i32
        %broadcast_in_dim3A_780 = vector.broadcast %broadcast_in_dim3A_779 : i32 to vector<16xi32>
        tpu.vector_store_idx %arg11[%add3A_97, %broadcast_in_dim3A_780], %mul3A_778 : memref<96x128xf32, #tpu.memory_space<vmem>>[vector<16xi32>, vector<16xi32>], vector<16xf32>,
        %mul3A_781 = arith.mulf %exp3A_536, %gather3A_774 : vector<16xf32>
        %broadcast_in_dim3A_782 = arith.constant 51 : i32
        %broadcast_in_dim3A_783 = vector.broadcast %broadcast_in_dim3A_782 : i32 to vector<16xi32>
        tpu.vector_store_idx %arg11[%add3A_97, %broadcast_in_dim3A_783], %mul3A_781 : memref<96x128xf32, #tpu.memory_space<vmem>>[vector<16xi32>, vector<16xi32>], vector<16xf32>,
        %mul3A_784 = arith.mulf %exp3A_538, %gather3A_774 : vector<16xf32>
        %broadcast_in_dim3A_785 = arith.constant 69 : i32
        %broadcast_in_dim3A_786 = vector.broadcast %broadcast_in_dim3A_785 : i32 to vector<16xi32>
        tpu.vector_store_idx %arg11[%add3A_97, %broadcast_in_dim3A_786], %mul3A_784 : memref<96x128xf32, #tpu.memory_space<vmem>>[vector<16xi32>, vector<16xi32>], vector<16xf32>,
        %broadcast_in_dim3A_787 = arith.constant 98 : i32
        %broadcast_in_dim3A_788 = vector.broadcast %broadcast_in_dim3A_787 : i32 to vector<16xi32>
        %gather3A_789 = tpu.vector_load_idx %arg10[%add3A_97, %broadcast_in_dim3A_788] : memref<96x128xf32, #tpu.memory_space<vmem>>[vector<16xi32>, vector<16xi32>], vector<16xf32>,
        %mul3A_790 = arith.mulf %exp3A_532, %gather3A_789 : vector<16xf32>
        %broadcast_in_dim3A_791 = arith.constant 16 : i32
        %broadcast_in_dim3A_792 = vector.broadcast %broadcast_in_dim3A_791 : i32 to vector<16xi32>
        tpu.vector_store_idx %arg11[%add3A_97, %broadcast_in_dim3A_792], %mul3A_790 : memref<96x128xf32, #tpu.memory_space<vmem>>[vector<16xi32>, vector<16xi32>], vector<16xf32>,
        %mul3A_793 = arith.mulf %exp3A_534, %gather3A_789 : vector<16xf32>
        %broadcast_in_dim3A_794 = arith.constant 34 : i32
        %broadcast_in_dim3A_795 = vector.broadcast %broadcast_in_dim3A_794 : i32 to vector<16xi32>
        tpu.vector_store_idx %arg11[%add3A_97, %broadcast_in_dim3A_795], %mul3A_793 : memref<96x128xf32, #tpu.memory_space<vmem>>[vector<16xi32>, vector<16xi32>], vector<16xf32>,
        %mul3A_796 = arith.mulf %exp3A_536, %gather3A_789 : vector<16xf32>
        %broadcast_in_dim3A_797 = arith.constant 52 : i32
        %broadcast_in_dim3A_798 = vector.broadcast %broadcast_in_dim3A_797 : i32 to vector<16xi32>
        tpu.vector_store_idx %arg11[%add3A_97, %broadcast_in_dim3A_798], %mul3A_796 : memref<96x128xf32, #tpu.memory_space<vmem>>[vector<16xi32>, vector<16xi32>], vector<16xf32>,
        %mul3A_799 = arith.mulf %exp3A_538, %gather3A_789 : vector<16xf32>
        %broadcast_in_dim3A_800 = arith.constant 70 : i32
        %broadcast_in_dim3A_801 = vector.broadcast %broadcast_in_dim3A_800 : i32 to vector<16xi32>
        tpu.vector_store_idx %arg11[%add3A_97, %broadcast_in_dim3A_801], %mul3A_799 : memref<96x128xf32, #tpu.memory_space<vmem>>[vector<16xi32>, vector<16xi32>], vector<16xf32>,
        %broadcast_in_dim3A_802 = arith.constant 99 : i32
        %broadcast_in_dim3A_803 = vector.broadcast %broadcast_in_dim3A_802 : i32 to vector<16xi32>
        %gather3A_804 = tpu.vector_load_idx %arg10[%add3A_97, %broadcast_in_dim3A_803] : memref<96x128xf32, #tpu.memory_space<vmem>>[vector<16xi32>, vector<16xi32>], vector<16xf32>,
        %mul3A_805 = arith.mulf %exp3A_532, %gather3A_804 : vector<16xf32>
        %broadcast_in_dim3A_806 = arith.constant 17 : i32
        %broadcast_in_dim3A_807 = vector.broadcast %broadcast_in_dim3A_806 : i32 to vector<16xi32>
        tpu.vector_store_idx %arg11[%add3A_97, %broadcast_in_dim3A_807], %mul3A_805 : memref<96x128xf32, #tpu.memory_space<vmem>>[vector<16xi32>, vector<16xi32>], vector<16xf32>,
        %mul3A_808 = arith.mulf %exp3A_534, %gather3A_804 : vector<16xf32>
        %broadcast_in_dim3A_809 = arith.constant 35 : i32
        %broadcast_in_dim3A_810 = vector.broadcast %broadcast_in_dim3A_809 : i32 to vector<16xi32>
        tpu.vector_store_idx %arg11[%add3A_97, %broadcast_in_dim3A_810], %mul3A_808 : memref<96x128xf32, #tpu.memory_space<vmem>>[vector<16xi32>, vector<16xi32>], vector<16xf32>,
        %mul3A_811 = arith.mulf %exp3A_536, %gather3A_804 : vector<16xf32>
        %broadcast_in_dim3A_812 = arith.constant 53 : i32
        %broadcast_in_dim3A_813 = vector.broadcast %broadcast_in_dim3A_812 : i32 to vector<16xi32>
        tpu.vector_store_idx %arg11[%add3A_97, %broadcast_in_dim3A_813], %mul3A_811 : memref<96x128xf32, #tpu.memory_space<vmem>>[vector<16xi32>, vector<16xi32>], vector<16xf32>,
        %mul3A_814 = arith.mulf %exp3A_538, %gather3A_804 : vector<16xf32>
        %broadcast_in_dim3A_815 = arith.constant 71 : i32
        %broadcast_in_dim3A_816 = vector.broadcast %broadcast_in_dim3A_815 : i32 to vector<16xi32>
        tpu.vector_store_idx %arg11[%add3A_97, %broadcast_in_dim3A_816], %mul3A_814 : memref<96x128xf32, #tpu.memory_space<vmem>>[vector<16xi32>, vector<16xi32>], vector<16xf32>,
      }
      %scan3A_91 = arith.constant 6 : i32
      %run_scoped3A_92 = arith.constant 0 : i32
      "tpu.region"() ({
        %run_scoped3A_93 = tpu.sem_alloc : memref<!tpu.dma_semaphore, #tpu.memory_space<semaphore_mem>>
        %dma_start3A = arith.constant 0 : i32
        %dma_start3A_94 = tpu.memref_slice %arg8[%run_scoped3A_92, %dma_start3A] : memref<1x96xi32, #tpu.memory_space<vmem>> -> memref<1x96xi32, #tpu.memory_space<vmem>>
        %dma_start3A_95 = tpu.memref_squeeze %dma_start3A_94 : memref<1x96xi32, #tpu.memory_space<vmem>> -> memref<96xi32, #tpu.memory_space<vmem>>
        %dma_start3A_96 = arith.constant 0 : i32
        %dma_start3A_97 = arith.constant 0 : i32
        %dma_start3A_98 = tpu.memref_slice %arg6[%dma_start3A_96, %dma_start3A_97] : memref<10240x128xf32, #tpu.memory_space<vmem_shared>> -> memref<10240x128xf32, #tpu.memory_space<vmem_shared>>
        tpu.enqueue_indirect_dma source(%arg11 : memref<96x128xf32, #tpu.memory_space<vmem>>) target(%dma_start3A_98 : memref<10240x128xf32, #tpu.memory_space<vmem_shared>>) offsets(%dma_start3A_95 : memref<96xi32, #tpu.memory_space<vmem>>) semaphore(%run_scoped3A_93 : memref<!tpu.dma_semaphore, #tpu.memory_space<semaphore_mem>>) {add = true}
        %dma_wait3A = arith.constant 0 : i32
        %dma_wait3A_99 = tpu.memref_slice %arg8[%run_scoped3A_92, %dma_wait3A] : memref<1x96xi32, #tpu.memory_space<vmem>> -> memref<1x96xi32, #tpu.memory_space<vmem>>
        %dma_wait3A_100 = tpu.memref_squeeze %dma_wait3A_99 : memref<1x96xi32, #tpu.memory_space<vmem>> -> memref<96xi32, #tpu.memory_space<vmem>>
        %dma_wait3A_101 = arith.constant 0 : i32
        %dma_wait3A_102 = arith.constant 0 : i32
        %dma_wait3A_103 = tpu.memref_slice %arg6[%dma_wait3A_101, %dma_wait3A_102] : memref<10240x128xf32, #tpu.memory_space<vmem_shared>> -> memref<10240x128xf32, #tpu.memory_space<vmem_shared>>
        tpu.wait_indirect_dma semaphore(%run_scoped3A_93 : memref<!tpu.dma_semaphore, #tpu.memory_space<semaphore_mem>>) src(%arg11 : memref<96x128xf32, #tpu.memory_space<vmem>>) dst(%dma_wait3A_103 : memref<10240x128xf32, #tpu.memory_space<vmem_shared>>)
        tpu.yield
      }) : () -> ()
    }
    %scan3A_34 = arith.constant 54 : i32
    %barrier3A_35 = arith.constant 0 : index
    tpu.barrier barrier_id(%barrier3A_35)
    %mul3A_36 = arith.constant 10240 : i32
    %mul3A_37 = arith.muli %arg0, %mul3A_36 : i32
    %add3A_38 = arith.addi %mul3A_37, %mul3A_8 : i32
    %add3A_39 = arith.constant 0 : i32
    %add3A_40 = arith.addi %mul3A_8, %add3A_39 : i32
    "tpu.region"() ({
      %run_scoped3A = tpu.sem_alloc : memref<!tpu.dma_semaphore, #tpu.memory_space<semaphore_mem>>
      %dma_start3A = arith.constant 0 : i32
      %dma_start3A_79 = arith.constant 0 : i32
      %dma_start3A_80 = tpu.memref_slice %arg11[%dma_start3A, %dma_start3A_79] : memref<96x128xf32, #tpu.memory_space<vmem>> -> memref<64x128xf32, #tpu.memory_space<vmem>>
      %dma_start3A_81 = arith.constant 0 : i32
      %dma_start3A_82 = tpu.memref_slice %arg6[%add3A_40, %dma_start3A_81] : memref<10240x128xf32, #tpu.memory_space<vmem_shared>> -> memref<64x128xf32, #tpu.memory_space<vmem_shared>>
      %dma_start3A_83 = arith.constant 0 : i32
      %dma_start3A_84 = arith.constant 0 : i32
      %dma_start3A_85 = tpu.memref_slice %arg11[%dma_start3A_83, %dma_start3A_84] : memref<96x128xf32, #tpu.memory_space<vmem>> -> memref<64x128xf32, #tpu.memory_space<vmem>>
      %dma_start3A_86 = arith.constant 0 : i32
      %dma_start3A_87 = tpu.memref_slice %arg6[%add3A_40, %dma_start3A_86] : memref<10240x128xf32, #tpu.memory_space<vmem_shared>> -> memref<64x128xf32, #tpu.memory_space<vmem_shared>>
      tpu.enqueue_dma source(%dma_start3A_87 : memref<64x128xf32, #tpu.memory_space<vmem_shared>>) target(%dma_start3A_85 : memref<64x128xf32, #tpu.memory_space<vmem>>) target_semaphore(%run_scoped3A : memref<!tpu.dma_semaphore, #tpu.memory_space<semaphore_mem>>)
      %dma_wait3A = arith.constant 0 : i32
      %dma_wait3A_88 = arith.constant 0 : i32
      %dma_wait3A_89 = tpu.memref_slice %arg11[%dma_wait3A, %dma_wait3A_88] : memref<96x128xf32, #tpu.memory_space<vmem>> -> memref<64x128xf32, #tpu.memory_space<vmem>>
      %dma_wait3A_90 = arith.constant 0 : i32
      %dma_wait3A_91 = tpu.memref_slice %arg6[%add3A_40, %dma_wait3A_90] : memref<10240x128xf32, #tpu.memory_space<vmem_shared>> -> memref<64x128xf32, #tpu.memory_space<vmem_shared>>
      %dma_wait3A_92 = arith.constant 0 : i32
      %dma_wait3A_93 = arith.constant 0 : i32
      %dma_wait3A_94 = tpu.memref_slice %arg11[%dma_wait3A_92, %dma_wait3A_93] : memref<96x128xf32, #tpu.memory_space<vmem>> -> memref<64x128xf32, #tpu.memory_space<vmem>>
      %dma_wait3A_95 = arith.constant 0 : i32
      %dma_wait3A_96 = tpu.memref_slice %arg6[%add3A_40, %dma_wait3A_95] : memref<10240x128xf32, #tpu.memory_space<vmem_shared>> -> memref<64x128xf32, #tpu.memory_space<vmem_shared>>
      tpu.wait_dma2 semaphore(%run_scoped3A : memref<!tpu.dma_semaphore, #tpu.memory_space<semaphore_mem>>) src(%dma_wait3A_96 : memref<64x128xf32, #tpu.memory_space<vmem_shared>>) dst(%dma_wait3A_94 : memref<64x128xf32, #tpu.memory_space<vmem>>)
      tpu.yield
    }) : () -> ()
    %add3A_41 = arith.constant 0 : i32
    %add3A_42 = arith.addi %add3A_38, %add3A_41 : i32
    "tpu.region"() ({
      %run_scoped3A = tpu.sem_alloc : memref<!tpu.dma_semaphore, #tpu.memory_space<semaphore_mem>>
      %dma_start3A = arith.constant 0 : i32
      %dma_start3A_79 = arith.constant 0 : i32
      %dma_start3A_80 = tpu.memref_slice %arg11[%dma_start3A, %dma_start3A_79] : memref<96x128xf32, #tpu.memory_space<vmem>> -> memref<64x128xf32, #tpu.memory_space<vmem>>
      %dma_start3A_81 = arith.constant 0 : i32
      %dma_start3A_82 = tpu.memref_slice %arg5[%add3A_42, %dma_start3A_81] : memref<20480x128xf32, #tpu.memory_space<hbm>> -> memref<64x128xf32, #tpu.memory_space<hbm>>
      %dma_start3A_83 = arith.constant 0 : i32
      %dma_start3A_84 = tpu.memref_slice %arg5[%add3A_42, %dma_start3A_83] : memref<20480x128xf32, #tpu.memory_space<hbm>> -> memref<64x128xf32, #tpu.memory_space<hbm>>
      %dma_start3A_85 = arith.constant 0 : i32
      %dma_start3A_86 = arith.constant 0 : i32
      %dma_start3A_87 = tpu.memref_slice %arg11[%dma_start3A_85, %dma_start3A_86] : memref<96x128xf32, #tpu.memory_space<vmem>> -> memref<64x128xf32, #tpu.memory_space<vmem>>
      tpu.enqueue_dma source(%dma_start3A_87 : memref<64x128xf32, #tpu.memory_space<vmem>>) target(%dma_start3A_84 : memref<64x128xf32, #tpu.memory_space<hbm>>) target_semaphore(%run_scoped3A : memref<!tpu.dma_semaphore, #tpu.memory_space<semaphore_mem>>)
      %dma_wait3A = arith.constant 0 : i32
      %dma_wait3A_88 = arith.constant 0 : i32
      %dma_wait3A_89 = tpu.memref_slice %arg11[%dma_wait3A, %dma_wait3A_88] : memref<96x128xf32, #tpu.memory_space<vmem>> -> memref<64x128xf32, #tpu.memory_space<vmem>>
      %dma_wait3A_90 = arith.constant 0 : i32
      %dma_wait3A_91 = tpu.memref_slice %arg5[%add3A_42, %dma_wait3A_90] : memref<20480x128xf32, #tpu.memory_space<hbm>> -> memref<64x128xf32, #tpu.memory_space<hbm>>
      %dma_wait3A_92 = arith.constant 0 : i32
      %dma_wait3A_93 = tpu.memref_slice %arg5[%add3A_42, %dma_wait3A_92] : memref<20480x128xf32, #tpu.memory_space<hbm>> -> memref<64x128xf32, #tpu.memory_space<hbm>>
      %dma_wait3A_94 = arith.constant 0 : i32
      %dma_wait3A_95 = arith.constant 0 : i32
      %dma_wait3A_96 = tpu.memref_slice %arg11[%dma_wait3A_94, %dma_wait3A_95] : memref<96x128xf32, #tpu.memory_space<vmem>> -> memref<64x128xf32, #tpu.memory_space<vmem>>
      tpu.wait_dma2 semaphore(%run_scoped3A : memref<!tpu.dma_semaphore, #tpu.memory_space<semaphore_mem>>) src(%dma_wait3A_96 : memref<64x128xf32, #tpu.memory_space<vmem>>) dst(%dma_wait3A_93 : memref<64x128xf32, #tpu.memory_space<hbm>>)
      tpu.yield
    }) : () -> ()
    %add3A_43 = arith.constant 64 : i32
    %add3A_44 = arith.addi %mul3A_8, %add3A_43 : i32
    "tpu.region"() ({
      %run_scoped3A = tpu.sem_alloc : memref<!tpu.dma_semaphore, #tpu.memory_space<semaphore_mem>>
      %dma_start3A = arith.constant 0 : i32
      %dma_start3A_79 = arith.constant 0 : i32
      %dma_start3A_80 = tpu.memref_slice %arg11[%dma_start3A, %dma_start3A_79] : memref<96x128xf32, #tpu.memory_space<vmem>> -> memref<64x128xf32, #tpu.memory_space<vmem>>
      %dma_start3A_81 = arith.constant 0 : i32
      %dma_start3A_82 = tpu.memref_slice %arg6[%add3A_44, %dma_start3A_81] : memref<10240x128xf32, #tpu.memory_space<vmem_shared>> -> memref<64x128xf32, #tpu.memory_space<vmem_shared>>
      %dma_start3A_83 = arith.constant 0 : i32
      %dma_start3A_84 = arith.constant 0 : i32
      %dma_start3A_85 = tpu.memref_slice %arg11[%dma_start3A_83, %dma_start3A_84] : memref<96x128xf32, #tpu.memory_space<vmem>> -> memref<64x128xf32, #tpu.memory_space<vmem>>
      %dma_start3A_86 = arith.constant 0 : i32
      %dma_start3A_87 = tpu.memref_slice %arg6[%add3A_44, %dma_start3A_86] : memref<10240x128xf32, #tpu.memory_space<vmem_shared>> -> memref<64x128xf32, #tpu.memory_space<vmem_shared>>
      tpu.enqueue_dma source(%dma_start3A_87 : memref<64x128xf32, #tpu.memory_space<vmem_shared>>) target(%dma_start3A_85 : memref<64x128xf32, #tpu.memory_space<vmem>>) target_semaphore(%run_scoped3A : memref<!tpu.dma_semaphore, #tpu.memory_space<semaphore_mem>>)
      %dma_wait3A = arith.constant 0 : i32
      %dma_wait3A_88 = arith.constant 0 : i32
      %dma_wait3A_89 = tpu.memref_slice %arg11[%dma_wait3A, %dma_wait3A_88] : memref<96x128xf32, #tpu.memory_space<vmem>> -> memref<64x128xf32, #tpu.memory_space<vmem>>
      %dma_wait3A_90 = arith.constant 0 : i32
      %dma_wait3A_91 = tpu.memref_slice %arg6[%add3A_44, %dma_wait3A_90] : memref<10240x128xf32, #tpu.memory_space<vmem_shared>> -> memref<64x128xf32, #tpu.memory_space<vmem_shared>>
      %dma_wait3A_92 = arith.constant 0 : i32
      %dma_wait3A_93 = arith.constant 0 : i32
      %dma_wait3A_94 = tpu.memref_slice %arg11[%dma_wait3A_92, %dma_wait3A_93] : memref<96x128xf32, #tpu.memory_space<vmem>> -> memref<64x128xf32, #tpu.memory_space<vmem>>
      %dma_wait3A_95 = arith.constant 0 : i32
      %dma_wait3A_96 = tpu.memref_slice %arg6[%add3A_44, %dma_wait3A_95] : memref<10240x128xf32, #tpu.memory_space<vmem_shared>> -> memref<64x128xf32, #tpu.memory_space<vmem_shared>>
      tpu.wait_dma2 semaphore(%run_scoped3A : memref<!tpu.dma_semaphore, #tpu.memory_space<semaphore_mem>>) src(%dma_wait3A_96 : memref<64x128xf32, #tpu.memory_space<vmem_shared>>) dst(%dma_wait3A_94 : memref<64x128xf32, #tpu.memory_space<vmem>>)
      tpu.yield
    }) : () -> ()
    %add3A_45 = arith.constant 64 : i32
    %add3A_46 = arith.addi %add3A_38, %add3A_45 : i32
    "tpu.region"() ({
      %run_scoped3A = tpu.sem_alloc : memref<!tpu.dma_semaphore, #tpu.memory_space<semaphore_mem>>
      %dma_start3A = arith.constant 0 : i32
      %dma_start3A_79 = arith.constant 0 : i32
      %dma_start3A_80 = tpu.memref_slice %arg11[%dma_start3A, %dma_start3A_79] : memref<96x128xf32, #tpu.memory_space<vmem>> -> memref<64x128xf32, #tpu.memory_space<vmem>>
      %dma_start3A_81 = arith.constant 0 : i32
      %dma_start3A_82 = tpu.memref_slice %arg5[%add3A_46, %dma_start3A_81] : memref<20480x128xf32, #tpu.memory_space<hbm>> -> memref<64x128xf32, #tpu.memory_space<hbm>>
      %dma_start3A_83 = arith.constant 0 : i32
      %dma_start3A_84 = tpu.memref_slice %arg5[%add3A_46, %dma_start3A_83] : memref<20480x128xf32, #tpu.memory_space<hbm>> -> memref<64x128xf32, #tpu.memory_space<hbm>>
      %dma_start3A_85 = arith.constant 0 : i32
      %dma_start3A_86 = arith.constant 0 : i32
      %dma_start3A_87 = tpu.memref_slice %arg11[%dma_start3A_85, %dma_start3A_86] : memref<96x128xf32, #tpu.memory_space<vmem>> -> memref<64x128xf32, #tpu.memory_space<vmem>>
      tpu.enqueue_dma source(%dma_start3A_87 : memref<64x128xf32, #tpu.memory_space<vmem>>) target(%dma_start3A_84 : memref<64x128xf32, #tpu.memory_space<hbm>>) target_semaphore(%run_scoped3A : memref<!tpu.dma_semaphore, #tpu.memory_space<semaphore_mem>>)
      %dma_wait3A = arith.constant 0 : i32
      %dma_wait3A_88 = arith.constant 0 : i32
      %dma_wait3A_89 = tpu.memref_slice %arg11[%dma_wait3A, %dma_wait3A_88] : memref<96x128xf32, #tpu.memory_space<vmem>> -> memref<64x128xf32, #tpu.memory_space<vmem>>
      %dma_wait3A_90 = arith.constant 0 : i32
      %dma_wait3A_91 = tpu.memref_slice %arg5[%add3A_46, %dma_wait3A_90] : memref<20480x128xf32, #tpu.memory_space<hbm>> -> memref<64x128xf32, #tpu.memory_space<hbm>>
      %dma_wait3A_92 = arith.constant 0 : i32
      %dma_wait3A_93 = tpu.memref_slice %arg5[%add3A_46, %dma_wait3A_92] : memref<20480x128xf32, #tpu.memory_space<hbm>> -> memref<64x128xf32, #tpu.memory_space<hbm>>
      %dma_wait3A_94 = arith.constant 0 : i32
      %dma_wait3A_95 = arith.constant 0 : i32
      %dma_wait3A_96 = tpu.memref_slice %arg11[%dma_wait3A_94, %dma_wait3A_95] : memref<96x128xf32, #tpu.memory_space<vmem>> -> memref<64x128xf32, #tpu.memory_space<vmem>>
      tpu.wait_dma2 semaphore(%run_scoped3A : memref<!tpu.dma_semaphore, #tpu.memory_space<semaphore_mem>>) src(%dma_wait3A_96 : memref<64x128xf32, #tpu.memory_space<vmem>>) dst(%dma_wait3A_93 : memref<64x128xf32, #tpu.memory_space<hbm>>)
      tpu.yield
    }) : () -> ()
    %add3A_47 = arith.constant 128 : i32
    %add3A_48 = arith.addi %mul3A_8, %add3A_47 : i32
    "tpu.region"() ({
      %run_scoped3A = tpu.sem_alloc : memref<!tpu.dma_semaphore, #tpu.memory_space<semaphore_mem>>
      %dma_start3A = arith.constant 0 : i32
      %dma_start3A_79 = arith.constant 0 : i32
      %dma_start3A_80 = tpu.memref_slice %arg11[%dma_start3A, %dma_start3A_79] : memref<96x128xf32, #tpu.memory_space<vmem>> -> memref<64x128xf32, #tpu.memory_space<vmem>>
      %dma_start3A_81 = arith.constant 0 : i32
      %dma_start3A_82 = tpu.memref_slice %arg6[%add3A_48, %dma_start3A_81] : memref<10240x128xf32, #tpu.memory_space<vmem_shared>> -> memref<64x128xf32, #tpu.memory_space<vmem_shared>>
      %dma_start3A_83 = arith.constant 0 : i32
      %dma_start3A_84 = arith.constant 0 : i32
      %dma_start3A_85 = tpu.memref_slice %arg11[%dma_start3A_83, %dma_start3A_84] : memref<96x128xf32, #tpu.memory_space<vmem>> -> memref<64x128xf32, #tpu.memory_space<vmem>>
      %dma_start3A_86 = arith.constant 0 : i32
      %dma_start3A_87 = tpu.memref_slice %arg6[%add3A_48, %dma_start3A_86] : memref<10240x128xf32, #tpu.memory_space<vmem_shared>> -> memref<64x128xf32, #tpu.memory_space<vmem_shared>>
      tpu.enqueue_dma source(%dma_start3A_87 : memref<64x128xf32, #tpu.memory_space<vmem_shared>>) target(%dma_start3A_85 : memref<64x128xf32, #tpu.memory_space<vmem>>) target_semaphore(%run_scoped3A : memref<!tpu.dma_semaphore, #tpu.memory_space<semaphore_mem>>)
      %dma_wait3A = arith.constant 0 : i32
      %dma_wait3A_88 = arith.constant 0 : i32
      %dma_wait3A_89 = tpu.memref_slice %arg11[%dma_wait3A, %dma_wait3A_88] : memref<96x128xf32, #tpu.memory_space<vmem>> -> memref<64x128xf32, #tpu.memory_space<vmem>>
      %dma_wait3A_90 = arith.constant 0 : i32
      %dma_wait3A_91 = tpu.memref_slice %arg6[%add3A_48, %dma_wait3A_90] : memref<10240x128xf32, #tpu.memory_space<vmem_shared>> -> memref<64x128xf32, #tpu.memory_space<vmem_shared>>
      %dma_wait3A_92 = arith.constant 0 : i32
      %dma_wait3A_93 = arith.constant 0 : i32
      %dma_wait3A_94 = tpu.memref_slice %arg11[%dma_wait3A_92, %dma_wait3A_93] : memref<96x128xf32, #tpu.memory_space<vmem>> -> memref<64x128xf32, #tpu.memory_space<vmem>>
      %dma_wait3A_95 = arith.constant 0 : i32
      %dma_wait3A_96 = tpu.memref_slice %arg6[%add3A_48, %dma_wait3A_95] : memref<10240x128xf32, #tpu.memory_space<vmem_shared>> -> memref<64x128xf32, #tpu.memory_space<vmem_shared>>
      tpu.wait_dma2 semaphore(%run_scoped3A : memref<!tpu.dma_semaphore, #tpu.memory_space<semaphore_mem>>) src(%dma_wait3A_96 : memref<64x128xf32, #tpu.memory_space<vmem_shared>>) dst(%dma_wait3A_94 : memref<64x128xf32, #tpu.memory_space<vmem>>)
      tpu.yield
    }) : () -> ()
    %add3A_49 = arith.constant 128 : i32
    %add3A_50 = arith.addi %add3A_38, %add3A_49 : i32
    "tpu.region"() ({
      %run_scoped3A = tpu.sem_alloc : memref<!tpu.dma_semaphore, #tpu.memory_space<semaphore_mem>>
      %dma_start3A = arith.constant 0 : i32
      %dma_start3A_79 = arith.constant 0 : i32
      %dma_start3A_80 = tpu.memref_slice %arg11[%dma_start3A, %dma_start3A_79] : memref<96x128xf32, #tpu.memory_space<vmem>> -> memref<64x128xf32, #tpu.memory_space<vmem>>
      %dma_start3A_81 = arith.constant 0 : i32
      %dma_start3A_82 = tpu.memref_slice %arg5[%add3A_50, %dma_start3A_81] : memref<20480x128xf32, #tpu.memory_space<hbm>> -> memref<64x128xf32, #tpu.memory_space<hbm>>
      %dma_start3A_83 = arith.constant 0 : i32
      %dma_start3A_84 = tpu.memref_slice %arg5[%add3A_50, %dma_start3A_83] : memref<20480x128xf32, #tpu.memory_space<hbm>> -> memref<64x128xf32, #tpu.memory_space<hbm>>
      %dma_start3A_85 = arith.constant 0 : i32
      %dma_start3A_86 = arith.constant 0 : i32
      %dma_start3A_87 = tpu.memref_slice %arg11[%dma_start3A_85, %dma_start3A_86] : memref<96x128xf32, #tpu.memory_space<vmem>> -> memref<64x128xf32, #tpu.memory_space<vmem>>
      tpu.enqueue_dma source(%dma_start3A_87 : memref<64x128xf32, #tpu.memory_space<vmem>>) target(%dma_start3A_84 : memref<64x128xf32, #tpu.memory_space<hbm>>) target_semaphore(%run_scoped3A : memref<!tpu.dma_semaphore, #tpu.memory_space<semaphore_mem>>)
      %dma_wait3A = arith.constant 0 : i32
      %dma_wait3A_88 = arith.constant 0 : i32
      %dma_wait3A_89 = tpu.memref_slice %arg11[%dma_wait3A, %dma_wait3A_88] : memref<96x128xf32, #tpu.memory_space<vmem>> -> memref<64x128xf32, #tpu.memory_space<vmem>>
      %dma_wait3A_90 = arith.constant 0 : i32
      %dma_wait3A_91 = tpu.memref_slice %arg5[%add3A_50, %dma_wait3A_90] : memref<20480x128xf32, #tpu.memory_space<hbm>> -> memref<64x128xf32, #tpu.memory_space<hbm>>
      %dma_wait3A_92 = arith.constant 0 : i32
      %dma_wait3A_93 = tpu.memref_slice %arg5[%add3A_50, %dma_wait3A_92] : memref<20480x128xf32, #tpu.memory_space<hbm>> -> memref<64x128xf32, #tpu.memory_space<hbm>>
      %dma_wait3A_94 = arith.constant 0 : i32
      %dma_wait3A_95 = arith.constant 0 : i32
      %dma_wait3A_96 = tpu.memref_slice %arg11[%dma_wait3A_94, %dma_wait3A_95] : memref<96x128xf32, #tpu.memory_space<vmem>> -> memref<64x128xf32, #tpu.memory_space<vmem>>
      tpu.wait_dma2 semaphore(%run_scoped3A : memref<!tpu.dma_semaphore, #tpu.memory_space<semaphore_mem>>) src(%dma_wait3A_96 : memref<64x128xf32, #tpu.memory_space<vmem>>) dst(%dma_wait3A_93 : memref<64x128xf32, #tpu.memory_space<hbm>>)
      tpu.yield
    }) : () -> ()
    %add3A_51 = arith.constant 192 : i32
    %add3A_52 = arith.addi %mul3A_8, %add3A_51 : i32
    "tpu.region"() ({
      %run_scoped3A = tpu.sem_alloc : memref<!tpu.dma_semaphore, #tpu.memory_space<semaphore_mem>>
      %dma_start3A = arith.constant 0 : i32
      %dma_start3A_79 = arith.constant 0 : i32
      %dma_start3A_80 = tpu.memref_slice %arg11[%dma_start3A, %dma_start3A_79] : memref<96x128xf32, #tpu.memory_space<vmem>> -> memref<64x128xf32, #tpu.memory_space<vmem>>
      %dma_start3A_81 = arith.constant 0 : i32
      %dma_start3A_82 = tpu.memref_slice %arg6[%add3A_52, %dma_start3A_81] : memref<10240x128xf32, #tpu.memory_space<vmem_shared>> -> memref<64x128xf32, #tpu.memory_space<vmem_shared>>
      %dma_start3A_83 = arith.constant 0 : i32
      %dma_start3A_84 = arith.constant 0 : i32
      %dma_start3A_85 = tpu.memref_slice %arg11[%dma_start3A_83, %dma_start3A_84] : memref<96x128xf32, #tpu.memory_space<vmem>> -> memref<64x128xf32, #tpu.memory_space<vmem>>
      %dma_start3A_86 = arith.constant 0 : i32
      %dma_start3A_87 = tpu.memref_slice %arg6[%add3A_52, %dma_start3A_86] : memref<10240x128xf32, #tpu.memory_space<vmem_shared>> -> memref<64x128xf32, #tpu.memory_space<vmem_shared>>
      tpu.enqueue_dma source(%dma_start3A_87 : memref<64x128xf32, #tpu.memory_space<vmem_shared>>) target(%dma_start3A_85 : memref<64x128xf32, #tpu.memory_space<vmem>>) target_semaphore(%run_scoped3A : memref<!tpu.dma_semaphore, #tpu.memory_space<semaphore_mem>>)
      %dma_wait3A = arith.constant 0 : i32
      %dma_wait3A_88 = arith.constant 0 : i32
      %dma_wait3A_89 = tpu.memref_slice %arg11[%dma_wait3A, %dma_wait3A_88] : memref<96x128xf32, #tpu.memory_space<vmem>> -> memref<64x128xf32, #tpu.memory_space<vmem>>
      %dma_wait3A_90 = arith.constant 0 : i32
      %dma_wait3A_91 = tpu.memref_slice %arg6[%add3A_52, %dma_wait3A_90] : memref<10240x128xf32, #tpu.memory_space<vmem_shared>> -> memref<64x128xf32, #tpu.memory_space<vmem_shared>>
      %dma_wait3A_92 = arith.constant 0 : i32
      %dma_wait3A_93 = arith.constant 0 : i32
      %dma_wait3A_94 = tpu.memref_slice %arg11[%dma_wait3A_92, %dma_wait3A_93] : memref<96x128xf32, #tpu.memory_space<vmem>> -> memref<64x128xf32, #tpu.memory_space<vmem>>
      %dma_wait3A_95 = arith.constant 0 : i32
      %dma_wait3A_96 = tpu.memref_slice %arg6[%add3A_52, %dma_wait3A_95] : memref<10240x128xf32, #tpu.memory_space<vmem_shared>> -> memref<64x128xf32, #tpu.memory_space<vmem_shared>>
      tpu.wait_dma2 semaphore(%run_scoped3A : memref<!tpu.dma_semaphore, #tpu.memory_space<semaphore_mem>>) src(%dma_wait3A_96 : memref<64x128xf32, #tpu.memory_space<vmem_shared>>) dst(%dma_wait3A_94 : memref<64x128xf32, #tpu.memory_space<vmem>>)
      tpu.yield
    }) : () -> ()
    %add3A_53 = arith.constant 192 : i32
    %add3A_54 = arith.addi %add3A_38, %add3A_53 : i32
    "tpu.region"() ({
      %run_scoped3A = tpu.sem_alloc : memref<!tpu.dma_semaphore, #tpu.memory_space<semaphore_mem>>
      %dma_start3A = arith.constant 0 : i32
      %dma_start3A_79 = arith.constant 0 : i32
      %dma_start3A_80 = tpu.memref_slice %arg11[%dma_start3A, %dma_start3A_79] : memref<96x128xf32, #tpu.memory_space<vmem>> -> memref<64x128xf32, #tpu.memory_space<vmem>>
      %dma_start3A_81 = arith.constant 0 : i32
      %dma_start3A_82 = tpu.memref_slice %arg5[%add3A_54, %dma_start3A_81] : memref<20480x128xf32, #tpu.memory_space<hbm>> -> memref<64x128xf32, #tpu.memory_space<hbm>>
      %dma_start3A_83 = arith.constant 0 : i32
      %dma_start3A_84 = tpu.memref_slice %arg5[%add3A_54, %dma_start3A_83] : memref<20480x128xf32, #tpu.memory_space<hbm>> -> memref<64x128xf32, #tpu.memory_space<hbm>>
      %dma_start3A_85 = arith.constant 0 : i32
      %dma_start3A_86 = arith.constant 0 : i32
      %dma_start3A_87 = tpu.memref_slice %arg11[%dma_start3A_85, %dma_start3A_86] : memref<96x128xf32, #tpu.memory_space<vmem>> -> memref<64x128xf32, #tpu.memory_space<vmem>>
      tpu.enqueue_dma source(%dma_start3A_87 : memref<64x128xf32, #tpu.memory_space<vmem>>) target(%dma_start3A_84 : memref<64x128xf32, #tpu.memory_space<hbm>>) target_semaphore(%run_scoped3A : memref<!tpu.dma_semaphore, #tpu.memory_space<semaphore_mem>>)
      %dma_wait3A = arith.constant 0 : i32
      %dma_wait3A_88 = arith.constant 0 : i32
      %dma_wait3A_89 = tpu.memref_slice %arg11[%dma_wait3A, %dma_wait3A_88] : memref<96x128xf32, #tpu.memory_space<vmem>> -> memref<64x128xf32, #tpu.memory_space<vmem>>
      %dma_wait3A_90 = arith.constant 0 : i32
      %dma_wait3A_91 = tpu.memref_slice %arg5[%add3A_54, %dma_wait3A_90] : memref<20480x128xf32, #tpu.memory_space<hbm>> -> memref<64x128xf32, #tpu.memory_space<hbm>>
      %dma_wait3A_92 = arith.constant 0 : i32
      %dma_wait3A_93 = tpu.memref_slice %arg5[%add3A_54, %dma_wait3A_92] : memref<20480x128xf32, #tpu.memory_space<hbm>> -> memref<64x128xf32, #tpu.memory_space<hbm>>
      %dma_wait3A_94 = arith.constant 0 : i32
      %dma_wait3A_95 = arith.constant 0 : i32
      %dma_wait3A_96 = tpu.memref_slice %arg11[%dma_wait3A_94, %dma_wait3A_95] : memref<96x128xf32, #tpu.memory_space<vmem>> -> memref<64x128xf32, #tpu.memory_space<vmem>>
      tpu.wait_dma2 semaphore(%run_scoped3A : memref<!tpu.dma_semaphore, #tpu.memory_space<semaphore_mem>>) src(%dma_wait3A_96 : memref<64x128xf32, #tpu.memory_space<vmem>>) dst(%dma_wait3A_93 : memref<64x128xf32, #tpu.memory_space<hbm>>)
      tpu.yield
    }) : () -> ()
    %add3A_55 = arith.constant 256 : i32
    %add3A_56 = arith.addi %mul3A_8, %add3A_55 : i32
    "tpu.region"() ({
      %run_scoped3A = tpu.sem_alloc : memref<!tpu.dma_semaphore, #tpu.memory_space<semaphore_mem>>
      %dma_start3A = arith.constant 0 : i32
      %dma_start3A_79 = arith.constant 0 : i32
      %dma_start3A_80 = tpu.memref_slice %arg11[%dma_start3A, %dma_start3A_79] : memref<96x128xf32, #tpu.memory_space<vmem>> -> memref<64x128xf32, #tpu.memory_space<vmem>>
      %dma_start3A_81 = arith.constant 0 : i32
      %dma_start3A_82 = tpu.memref_slice %arg6[%add3A_56, %dma_start3A_81] : memref<10240x128xf32, #tpu.memory_space<vmem_shared>> -> memref<64x128xf32, #tpu.memory_space<vmem_shared>>
      %dma_start3A_83 = arith.constant 0 : i32
      %dma_start3A_84 = arith.constant 0 : i32
      %dma_start3A_85 = tpu.memref_slice %arg11[%dma_start3A_83, %dma_start3A_84] : memref<96x128xf32, #tpu.memory_space<vmem>> -> memref<64x128xf32, #tpu.memory_space<vmem>>
      %dma_start3A_86 = arith.constant 0 : i32
      %dma_start3A_87 = tpu.memref_slice %arg6[%add3A_56, %dma_start3A_86] : memref<10240x128xf32, #tpu.memory_space<vmem_shared>> -> memref<64x128xf32, #tpu.memory_space<vmem_shared>>
      tpu.enqueue_dma source(%dma_start3A_87 : memref<64x128xf32, #tpu.memory_space<vmem_shared>>) target(%dma_start3A_85 : memref<64x128xf32, #tpu.memory_space<vmem>>) target_semaphore(%run_scoped3A : memref<!tpu.dma_semaphore, #tpu.memory_space<semaphore_mem>>)
      %dma_wait3A = arith.constant 0 : i32
      %dma_wait3A_88 = arith.constant 0 : i32
      %dma_wait3A_89 = tpu.memref_slice %arg11[%dma_wait3A, %dma_wait3A_88] : memref<96x128xf32, #tpu.memory_space<vmem>> -> memref<64x128xf32, #tpu.memory_space<vmem>>
      %dma_wait3A_90 = arith.constant 0 : i32
      %dma_wait3A_91 = tpu.memref_slice %arg6[%add3A_56, %dma_wait3A_90] : memref<10240x128xf32, #tpu.memory_space<vmem_shared>> -> memref<64x128xf32, #tpu.memory_space<vmem_shared>>
      %dma_wait3A_92 = arith.constant 0 : i32
      %dma_wait3A_93 = arith.constant 0 : i32
      %dma_wait3A_94 = tpu.memref_slice %arg11[%dma_wait3A_92, %dma_wait3A_93] : memref<96x128xf32, #tpu.memory_space<vmem>> -> memref<64x128xf32, #tpu.memory_space<vmem>>
      %dma_wait3A_95 = arith.constant 0 : i32
      %dma_wait3A_96 = tpu.memref_slice %arg6[%add3A_56, %dma_wait3A_95] : memref<10240x128xf32, #tpu.memory_space<vmem_shared>> -> memref<64x128xf32, #tpu.memory_space<vmem_shared>>
      tpu.wait_dma2 semaphore(%run_scoped3A : memref<!tpu.dma_semaphore, #tpu.memory_space<semaphore_mem>>) src(%dma_wait3A_96 : memref<64x128xf32, #tpu.memory_space<vmem_shared>>) dst(%dma_wait3A_94 : memref<64x128xf32, #tpu.memory_space<vmem>>)
      tpu.yield
    }) : () -> ()
    %add3A_57 = arith.constant 256 : i32
    %add3A_58 = arith.addi %add3A_38, %add3A_57 : i32
    "tpu.region"() ({
      %run_scoped3A = tpu.sem_alloc : memref<!tpu.dma_semaphore, #tpu.memory_space<semaphore_mem>>
      %dma_start3A = arith.constant 0 : i32
      %dma_start3A_79 = arith.constant 0 : i32
      %dma_start3A_80 = tpu.memref_slice %arg11[%dma_start3A, %dma_start3A_79] : memref<96x128xf32, #tpu.memory_space<vmem>> -> memref<64x128xf32, #tpu.memory_space<vmem>>
      %dma_start3A_81 = arith.constant 0 : i32
      %dma_start3A_82 = tpu.memref_slice %arg5[%add3A_58, %dma_start3A_81] : memref<20480x128xf32, #tpu.memory_space<hbm>> -> memref<64x128xf32, #tpu.memory_space<hbm>>
      %dma_start3A_83 = arith.constant 0 : i32
      %dma_start3A_84 = tpu.memref_slice %arg5[%add3A_58, %dma_start3A_83] : memref<20480x128xf32, #tpu.memory_space<hbm>> -> memref<64x128xf32, #tpu.memory_space<hbm>>
      %dma_start3A_85 = arith.constant 0 : i32
      %dma_start3A_86 = arith.constant 0 : i32
      %dma_start3A_87 = tpu.memref_slice %arg11[%dma_start3A_85, %dma_start3A_86] : memref<96x128xf32, #tpu.memory_space<vmem>> -> memref<64x128xf32, #tpu.memory_space<vmem>>
      tpu.enqueue_dma source(%dma_start3A_87 : memref<64x128xf32, #tpu.memory_space<vmem>>) target(%dma_start3A_84 : memref<64x128xf32, #tpu.memory_space<hbm>>) target_semaphore(%run_scoped3A : memref<!tpu.dma_semaphore, #tpu.memory_space<semaphore_mem>>)
      %dma_wait3A = arith.constant 0 : i32
      %dma_wait3A_88 = arith.constant 0 : i32
      %dma_wait3A_89 = tpu.memref_slice %arg11[%dma_wait3A, %dma_wait3A_88] : memref<96x128xf32, #tpu.memory_space<vmem>> -> memref<64x128xf32, #tpu.memory_space<vmem>>
      %dma_wait3A_90 = arith.constant 0 : i32
      %dma_wait3A_91 = tpu.memref_slice %arg5[%add3A_58, %dma_wait3A_90] : memref<20480x128xf32, #tpu.memory_space<hbm>> -> memref<64x128xf32, #tpu.memory_space<hbm>>
      %dma_wait3A_92 = arith.constant 0 : i32
      %dma_wait3A_93 = tpu.memref_slice %arg5[%add3A_58, %dma_wait3A_92] : memref<20480x128xf32, #tpu.memory_space<hbm>> -> memref<64x128xf32, #tpu.memory_space<hbm>>
      %dma_wait3A_94 = arith.constant 0 : i32
      %dma_wait3A_95 = arith.constant 0 : i32
      %dma_wait3A_96 = tpu.memref_slice %arg11[%dma_wait3A_94, %dma_wait3A_95] : memref<96x128xf32, #tpu.memory_space<vmem>> -> memref<64x128xf32, #tpu.memory_space<vmem>>
      tpu.wait_dma2 semaphore(%run_scoped3A : memref<!tpu.dma_semaphore, #tpu.memory_space<semaphore_mem>>) src(%dma_wait3A_96 : memref<64x128xf32, #tpu.memory_space<vmem>>) dst(%dma_wait3A_93 : memref<64x128xf32, #tpu.memory_space<hbm>>)
      tpu.yield
    }) : () -> ()
    %add3A_59 = arith.constant 320 : i32
    %add3A_60 = arith.addi %mul3A_8, %add3A_59 : i32
    "tpu.region"() ({
      %run_scoped3A = tpu.sem_alloc : memref<!tpu.dma_semaphore, #tpu.memory_space<semaphore_mem>>
      %dma_start3A = arith.constant 0 : i32
      %dma_start3A_79 = arith.constant 0 : i32
      %dma_start3A_80 = tpu.memref_slice %arg11[%dma_start3A, %dma_start3A_79] : memref<96x128xf32, #tpu.memory_space<vmem>> -> memref<64x128xf32, #tpu.memory_space<vmem>>
      %dma_start3A_81 = arith.constant 0 : i32
      %dma_start3A_82 = tpu.memref_slice %arg6[%add3A_60, %dma_start3A_81] : memref<10240x128xf32, #tpu.memory_space<vmem_shared>> -> memref<64x128xf32, #tpu.memory_space<vmem_shared>>
      %dma_start3A_83 = arith.constant 0 : i32
      %dma_start3A_84 = arith.constant 0 : i32
      %dma_start3A_85 = tpu.memref_slice %arg11[%dma_start3A_83, %dma_start3A_84] : memref<96x128xf32, #tpu.memory_space<vmem>> -> memref<64x128xf32, #tpu.memory_space<vmem>>
      %dma_start3A_86 = arith.constant 0 : i32
      %dma_start3A_87 = tpu.memref_slice %arg6[%add3A_60, %dma_start3A_86] : memref<10240x128xf32, #tpu.memory_space<vmem_shared>> -> memref<64x128xf32, #tpu.memory_space<vmem_shared>>
      tpu.enqueue_dma source(%dma_start3A_87 : memref<64x128xf32, #tpu.memory_space<vmem_shared>>) target(%dma_start3A_85 : memref<64x128xf32, #tpu.memory_space<vmem>>) target_semaphore(%run_scoped3A : memref<!tpu.dma_semaphore, #tpu.memory_space<semaphore_mem>>)
      %dma_wait3A = arith.constant 0 : i32
      %dma_wait3A_88 = arith.constant 0 : i32
      %dma_wait3A_89 = tpu.memref_slice %arg11[%dma_wait3A, %dma_wait3A_88] : memref<96x128xf32, #tpu.memory_space<vmem>> -> memref<64x128xf32, #tpu.memory_space<vmem>>
      %dma_wait3A_90 = arith.constant 0 : i32
      %dma_wait3A_91 = tpu.memref_slice %arg6[%add3A_60, %dma_wait3A_90] : memref<10240x128xf32, #tpu.memory_space<vmem_shared>> -> memref<64x128xf32, #tpu.memory_space<vmem_shared>>
      %dma_wait3A_92 = arith.constant 0 : i32
      %dma_wait3A_93 = arith.constant 0 : i32
      %dma_wait3A_94 = tpu.memref_slice %arg11[%dma_wait3A_92, %dma_wait3A_93] : memref<96x128xf32, #tpu.memory_space<vmem>> -> memref<64x128xf32, #tpu.memory_space<vmem>>
      %dma_wait3A_95 = arith.constant 0 : i32
      %dma_wait3A_96 = tpu.memref_slice %arg6[%add3A_60, %dma_wait3A_95] : memref<10240x128xf32, #tpu.memory_space<vmem_shared>> -> memref<64x128xf32, #tpu.memory_space<vmem_shared>>
      tpu.wait_dma2 semaphore(%run_scoped3A : memref<!tpu.dma_semaphore, #tpu.memory_space<semaphore_mem>>) src(%dma_wait3A_96 : memref<64x128xf32, #tpu.memory_space<vmem_shared>>) dst(%dma_wait3A_94 : memref<64x128xf32, #tpu.memory_space<vmem>>)
      tpu.yield
    }) : () -> ()
    %add3A_61 = arith.constant 320 : i32
    %add3A_62 = arith.addi %add3A_38, %add3A_61 : i32
    "tpu.region"() ({
      %run_scoped3A = tpu.sem_alloc : memref<!tpu.dma_semaphore, #tpu.memory_space<semaphore_mem>>
      %dma_start3A = arith.constant 0 : i32
      %dma_start3A_79 = arith.constant 0 : i32
      %dma_start3A_80 = tpu.memref_slice %arg11[%dma_start3A, %dma_start3A_79] : memref<96x128xf32, #tpu.memory_space<vmem>> -> memref<64x128xf32, #tpu.memory_space<vmem>>
      %dma_start3A_81 = arith.constant 0 : i32
      %dma_start3A_82 = tpu.memref_slice %arg5[%add3A_62, %dma_start3A_81] : memref<20480x128xf32, #tpu.memory_space<hbm>> -> memref<64x128xf32, #tpu.memory_space<hbm>>
      %dma_start3A_83 = arith.constant 0 : i32
      %dma_start3A_84 = tpu.memref_slice %arg5[%add3A_62, %dma_start3A_83] : memref<20480x128xf32, #tpu.memory_space<hbm>> -> memref<64x128xf32, #tpu.memory_space<hbm>>
      %dma_start3A_85 = arith.constant 0 : i32
      %dma_start3A_86 = arith.constant 0 : i32
      %dma_start3A_87 = tpu.memref_slice %arg11[%dma_start3A_85, %dma_start3A_86] : memref<96x128xf32, #tpu.memory_space<vmem>> -> memref<64x128xf32, #tpu.memory_space<vmem>>
      tpu.enqueue_dma source(%dma_start3A_87 : memref<64x128xf32, #tpu.memory_space<vmem>>) target(%dma_start3A_84 : memref<64x128xf32, #tpu.memory_space<hbm>>) target_semaphore(%run_scoped3A : memref<!tpu.dma_semaphore, #tpu.memory_space<semaphore_mem>>)
      %dma_wait3A = arith.constant 0 : i32
      %dma_wait3A_88 = arith.constant 0 : i32
      %dma_wait3A_89 = tpu.memref_slice %arg11[%dma_wait3A, %dma_wait3A_88] : memref<96x128xf32, #tpu.memory_space<vmem>> -> memref<64x128xf32, #tpu.memory_space<vmem>>
      %dma_wait3A_90 = arith.constant 0 : i32
      %dma_wait3A_91 = tpu.memref_slice %arg5[%add3A_62, %dma_wait3A_90] : memref<20480x128xf32, #tpu.memory_space<hbm>> -> memref<64x128xf32, #tpu.memory_space<hbm>>
      %dma_wait3A_92 = arith.constant 0 : i32
      %dma_wait3A_93 = tpu.memref_slice %arg5[%add3A_62, %dma_wait3A_92] : memref<20480x128xf32, #tpu.memory_space<hbm>> -> memref<64x128xf32, #tpu.memory_space<hbm>>
      %dma_wait3A_94 = arith.constant 0 : i32
      %dma_wait3A_95 = arith.constant 0 : i32
      %dma_wait3A_96 = tpu.memref_slice %arg11[%dma_wait3A_94, %dma_wait3A_95] : memref<96x128xf32, #tpu.memory_space<vmem>> -> memref<64x128xf32, #tpu.memory_space<vmem>>
      tpu.wait_dma2 semaphore(%run_scoped3A : memref<!tpu.dma_semaphore, #tpu.memory_space<semaphore_mem>>) src(%dma_wait3A_96 : memref<64x128xf32, #tpu.memory_space<vmem>>) dst(%dma_wait3A_93 : memref<64x128xf32, #tpu.memory_space<hbm>>)
      tpu.yield
    }) : () -> ()
    %add3A_63 = arith.constant 384 : i32
    %add3A_64 = arith.addi %mul3A_8, %add3A_63 : i32
    "tpu.region"() ({
      %run_scoped3A = tpu.sem_alloc : memref<!tpu.dma_semaphore, #tpu.memory_space<semaphore_mem>>
      %dma_start3A = arith.constant 0 : i32
      %dma_start3A_79 = arith.constant 0 : i32
      %dma_start3A_80 = tpu.memref_slice %arg11[%dma_start3A, %dma_start3A_79] : memref<96x128xf32, #tpu.memory_space<vmem>> -> memref<64x128xf32, #tpu.memory_space<vmem>>
      %dma_start3A_81 = arith.constant 0 : i32
      %dma_start3A_82 = tpu.memref_slice %arg6[%add3A_64, %dma_start3A_81] : memref<10240x128xf32, #tpu.memory_space<vmem_shared>> -> memref<64x128xf32, #tpu.memory_space<vmem_shared>>
      %dma_start3A_83 = arith.constant 0 : i32
      %dma_start3A_84 = arith.constant 0 : i32
      %dma_start3A_85 = tpu.memref_slice %arg11[%dma_start3A_83, %dma_start3A_84] : memref<96x128xf32, #tpu.memory_space<vmem>> -> memref<64x128xf32, #tpu.memory_space<vmem>>
      %dma_start3A_86 = arith.constant 0 : i32
      %dma_start3A_87 = tpu.memref_slice %arg6[%add3A_64, %dma_start3A_86] : memref<10240x128xf32, #tpu.memory_space<vmem_shared>> -> memref<64x128xf32, #tpu.memory_space<vmem_shared>>
      tpu.enqueue_dma source(%dma_start3A_87 : memref<64x128xf32, #tpu.memory_space<vmem_shared>>) target(%dma_start3A_85 : memref<64x128xf32, #tpu.memory_space<vmem>>) target_semaphore(%run_scoped3A : memref<!tpu.dma_semaphore, #tpu.memory_space<semaphore_mem>>)
      %dma_wait3A = arith.constant 0 : i32
      %dma_wait3A_88 = arith.constant 0 : i32
      %dma_wait3A_89 = tpu.memref_slice %arg11[%dma_wait3A, %dma_wait3A_88] : memref<96x128xf32, #tpu.memory_space<vmem>> -> memref<64x128xf32, #tpu.memory_space<vmem>>
      %dma_wait3A_90 = arith.constant 0 : i32
      %dma_wait3A_91 = tpu.memref_slice %arg6[%add3A_64, %dma_wait3A_90] : memref<10240x128xf32, #tpu.memory_space<vmem_shared>> -> memref<64x128xf32, #tpu.memory_space<vmem_shared>>
      %dma_wait3A_92 = arith.constant 0 : i32
      %dma_wait3A_93 = arith.constant 0 : i32
      %dma_wait3A_94 = tpu.memref_slice %arg11[%dma_wait3A_92, %dma_wait3A_93] : memref<96x128xf32, #tpu.memory_space<vmem>> -> memref<64x128xf32, #tpu.memory_space<vmem>>
      %dma_wait3A_95 = arith.constant 0 : i32
      %dma_wait3A_96 = tpu.memref_slice %arg6[%add3A_64, %dma_wait3A_95] : memref<10240x128xf32, #tpu.memory_space<vmem_shared>> -> memref<64x128xf32, #tpu.memory_space<vmem_shared>>
      tpu.wait_dma2 semaphore(%run_scoped3A : memref<!tpu.dma_semaphore, #tpu.memory_space<semaphore_mem>>) src(%dma_wait3A_96 : memref<64x128xf32, #tpu.memory_space<vmem_shared>>) dst(%dma_wait3A_94 : memref<64x128xf32, #tpu.memory_space<vmem>>)
      tpu.yield
    }) : () -> ()
    %add3A_65 = arith.constant 384 : i32
    %add3A_66 = arith.addi %add3A_38, %add3A_65 : i32
    "tpu.region"() ({
      %run_scoped3A = tpu.sem_alloc : memref<!tpu.dma_semaphore, #tpu.memory_space<semaphore_mem>>
      %dma_start3A = arith.constant 0 : i32
      %dma_start3A_79 = arith.constant 0 : i32
      %dma_start3A_80 = tpu.memref_slice %arg11[%dma_start3A, %dma_start3A_79] : memref<96x128xf32, #tpu.memory_space<vmem>> -> memref<64x128xf32, #tpu.memory_space<vmem>>
      %dma_start3A_81 = arith.constant 0 : i32
      %dma_start3A_82 = tpu.memref_slice %arg5[%add3A_66, %dma_start3A_81] : memref<20480x128xf32, #tpu.memory_space<hbm>> -> memref<64x128xf32, #tpu.memory_space<hbm>>
      %dma_start3A_83 = arith.constant 0 : i32
      %dma_start3A_84 = tpu.memref_slice %arg5[%add3A_66, %dma_start3A_83] : memref<20480x128xf32, #tpu.memory_space<hbm>> -> memref<64x128xf32, #tpu.memory_space<hbm>>
      %dma_start3A_85 = arith.constant 0 : i32
      %dma_start3A_86 = arith.constant 0 : i32
      %dma_start3A_87 = tpu.memref_slice %arg11[%dma_start3A_85, %dma_start3A_86] : memref<96x128xf32, #tpu.memory_space<vmem>> -> memref<64x128xf32, #tpu.memory_space<vmem>>
      tpu.enqueue_dma source(%dma_start3A_87 : memref<64x128xf32, #tpu.memory_space<vmem>>) target(%dma_start3A_84 : memref<64x128xf32, #tpu.memory_space<hbm>>) target_semaphore(%run_scoped3A : memref<!tpu.dma_semaphore, #tpu.memory_space<semaphore_mem>>)
      %dma_wait3A = arith.constant 0 : i32
      %dma_wait3A_88 = arith.constant 0 : i32
      %dma_wait3A_89 = tpu.memref_slice %arg11[%dma_wait3A, %dma_wait3A_88] : memref<96x128xf32, #tpu.memory_space<vmem>> -> memref<64x128xf32, #tpu.memory_space<vmem>>
      %dma_wait3A_90 = arith.constant 0 : i32
      %dma_wait3A_91 = tpu.memref_slice %arg5[%add3A_66, %dma_wait3A_90] : memref<20480x128xf32, #tpu.memory_space<hbm>> -> memref<64x128xf32, #tpu.memory_space<hbm>>
      %dma_wait3A_92 = arith.constant 0 : i32
      %dma_wait3A_93 = tpu.memref_slice %arg5[%add3A_66, %dma_wait3A_92] : memref<20480x128xf32, #tpu.memory_space<hbm>> -> memref<64x128xf32, #tpu.memory_space<hbm>>
      %dma_wait3A_94 = arith.constant 0 : i32
      %dma_wait3A_95 = arith.constant 0 : i32
      %dma_wait3A_96 = tpu.memref_slice %arg11[%dma_wait3A_94, %dma_wait3A_95] : memref<96x128xf32, #tpu.memory_space<vmem>> -> memref<64x128xf32, #tpu.memory_space<vmem>>
      tpu.wait_dma2 semaphore(%run_scoped3A : memref<!tpu.dma_semaphore, #tpu.memory_space<semaphore_mem>>) src(%dma_wait3A_96 : memref<64x128xf32, #tpu.memory_space<vmem>>) dst(%dma_wait3A_93 : memref<64x128xf32, #tpu.memory_space<hbm>>)
      tpu.yield
    }) : () -> ()
    %add3A_67 = arith.constant 448 : i32
    %add3A_68 = arith.addi %mul3A_8, %add3A_67 : i32
    "tpu.region"() ({
      %run_scoped3A = tpu.sem_alloc : memref<!tpu.dma_semaphore, #tpu.memory_space<semaphore_mem>>
      %dma_start3A = arith.constant 0 : i32
      %dma_start3A_79 = arith.constant 0 : i32
      %dma_start3A_80 = tpu.memref_slice %arg11[%dma_start3A, %dma_start3A_79] : memref<96x128xf32, #tpu.memory_space<vmem>> -> memref<64x128xf32, #tpu.memory_space<vmem>>
      %dma_start3A_81 = arith.constant 0 : i32
      %dma_start3A_82 = tpu.memref_slice %arg6[%add3A_68, %dma_start3A_81] : memref<10240x128xf32, #tpu.memory_space<vmem_shared>> -> memref<64x128xf32, #tpu.memory_space<vmem_shared>>
      %dma_start3A_83 = arith.constant 0 : i32
      %dma_start3A_84 = arith.constant 0 : i32
      %dma_start3A_85 = tpu.memref_slice %arg11[%dma_start3A_83, %dma_start3A_84] : memref<96x128xf32, #tpu.memory_space<vmem>> -> memref<64x128xf32, #tpu.memory_space<vmem>>
      %dma_start3A_86 = arith.constant 0 : i32
      %dma_start3A_87 = tpu.memref_slice %arg6[%add3A_68, %dma_start3A_86] : memref<10240x128xf32, #tpu.memory_space<vmem_shared>> -> memref<64x128xf32, #tpu.memory_space<vmem_shared>>
      tpu.enqueue_dma source(%dma_start3A_87 : memref<64x128xf32, #tpu.memory_space<vmem_shared>>) target(%dma_start3A_85 : memref<64x128xf32, #tpu.memory_space<vmem>>) target_semaphore(%run_scoped3A : memref<!tpu.dma_semaphore, #tpu.memory_space<semaphore_mem>>)
      %dma_wait3A = arith.constant 0 : i32
      %dma_wait3A_88 = arith.constant 0 : i32
      %dma_wait3A_89 = tpu.memref_slice %arg11[%dma_wait3A, %dma_wait3A_88] : memref<96x128xf32, #tpu.memory_space<vmem>> -> memref<64x128xf32, #tpu.memory_space<vmem>>
      %dma_wait3A_90 = arith.constant 0 : i32
      %dma_wait3A_91 = tpu.memref_slice %arg6[%add3A_68, %dma_wait3A_90] : memref<10240x128xf32, #tpu.memory_space<vmem_shared>> -> memref<64x128xf32, #tpu.memory_space<vmem_shared>>
      %dma_wait3A_92 = arith.constant 0 : i32
      %dma_wait3A_93 = arith.constant 0 : i32
      %dma_wait3A_94 = tpu.memref_slice %arg11[%dma_wait3A_92, %dma_wait3A_93] : memref<96x128xf32, #tpu.memory_space<vmem>> -> memref<64x128xf32, #tpu.memory_space<vmem>>
      %dma_wait3A_95 = arith.constant 0 : i32
      %dma_wait3A_96 = tpu.memref_slice %arg6[%add3A_68, %dma_wait3A_95] : memref<10240x128xf32, #tpu.memory_space<vmem_shared>> -> memref<64x128xf32, #tpu.memory_space<vmem_shared>>
      tpu.wait_dma2 semaphore(%run_scoped3A : memref<!tpu.dma_semaphore, #tpu.memory_space<semaphore_mem>>) src(%dma_wait3A_96 : memref<64x128xf32, #tpu.memory_space<vmem_shared>>) dst(%dma_wait3A_94 : memref<64x128xf32, #tpu.memory_space<vmem>>)
      tpu.yield
    }) : () -> ()
    %add3A_69 = arith.constant 448 : i32
    %add3A_70 = arith.addi %add3A_38, %add3A_69 : i32
    "tpu.region"() ({
      %run_scoped3A = tpu.sem_alloc : memref<!tpu.dma_semaphore, #tpu.memory_space<semaphore_mem>>
      %dma_start3A = arith.constant 0 : i32
      %dma_start3A_79 = arith.constant 0 : i32
      %dma_start3A_80 = tpu.memref_slice %arg11[%dma_start3A, %dma_start3A_79] : memref<96x128xf32, #tpu.memory_space<vmem>> -> memref<64x128xf32, #tpu.memory_space<vmem>>
      %dma_start3A_81 = arith.constant 0 : i32
      %dma_start3A_82 = tpu.memref_slice %arg5[%add3A_70, %dma_start3A_81] : memref<20480x128xf32, #tpu.memory_space<hbm>> -> memref<64x128xf32, #tpu.memory_space<hbm>>
      %dma_start3A_83 = arith.constant 0 : i32
      %dma_start3A_84 = tpu.memref_slice %arg5[%add3A_70, %dma_start3A_83] : memref<20480x128xf32, #tpu.memory_space<hbm>> -> memref<64x128xf32, #tpu.memory_space<hbm>>
      %dma_start3A_85 = arith.constant 0 : i32
      %dma_start3A_86 = arith.constant 0 : i32
      %dma_start3A_87 = tpu.memref_slice %arg11[%dma_start3A_85, %dma_start3A_86] : memref<96x128xf32, #tpu.memory_space<vmem>> -> memref<64x128xf32, #tpu.memory_space<vmem>>
      tpu.enqueue_dma source(%dma_start3A_87 : memref<64x128xf32, #tpu.memory_space<vmem>>) target(%dma_start3A_84 : memref<64x128xf32, #tpu.memory_space<hbm>>) target_semaphore(%run_scoped3A : memref<!tpu.dma_semaphore, #tpu.memory_space<semaphore_mem>>)
      %dma_wait3A = arith.constant 0 : i32
      %dma_wait3A_88 = arith.constant 0 : i32
      %dma_wait3A_89 = tpu.memref_slice %arg11[%dma_wait3A, %dma_wait3A_88] : memref<96x128xf32, #tpu.memory_space<vmem>> -> memref<64x128xf32, #tpu.memory_space<vmem>>
      %dma_wait3A_90 = arith.constant 0 : i32
      %dma_wait3A_91 = tpu.memref_slice %arg5[%add3A_70, %dma_wait3A_90] : memref<20480x128xf32, #tpu.memory_space<hbm>> -> memref<64x128xf32, #tpu.memory_space<hbm>>
      %dma_wait3A_92 = arith.constant 0 : i32
      %dma_wait3A_93 = tpu.memref_slice %arg5[%add3A_70, %dma_wait3A_92] : memref<20480x128xf32, #tpu.memory_space<hbm>> -> memref<64x128xf32, #tpu.memory_space<hbm>>
      %dma_wait3A_94 = arith.constant 0 : i32
      %dma_wait3A_95 = arith.constant 0 : i32
      %dma_wait3A_96 = tpu.memref_slice %arg11[%dma_wait3A_94, %dma_wait3A_95] : memref<96x128xf32, #tpu.memory_space<vmem>> -> memref<64x128xf32, #tpu.memory_space<vmem>>
      tpu.wait_dma2 semaphore(%run_scoped3A : memref<!tpu.dma_semaphore, #tpu.memory_space<semaphore_mem>>) src(%dma_wait3A_96 : memref<64x128xf32, #tpu.memory_space<vmem>>) dst(%dma_wait3A_93 : memref<64x128xf32, #tpu.memory_space<hbm>>)
      tpu.yield
    }) : () -> ()
    %add3A_71 = arith.constant 512 : i32
    %add3A_72 = arith.addi %mul3A_8, %add3A_71 : i32
    "tpu.region"() ({
      %run_scoped3A = tpu.sem_alloc : memref<!tpu.dma_semaphore, #tpu.memory_space<semaphore_mem>>
      %dma_start3A = arith.constant 0 : i32
      %dma_start3A_79 = arith.constant 0 : i32
      %dma_start3A_80 = tpu.memref_slice %arg11[%dma_start3A, %dma_start3A_79] : memref<96x128xf32, #tpu.memory_space<vmem>> -> memref<64x128xf32, #tpu.memory_space<vmem>>
      %dma_start3A_81 = arith.constant 0 : i32
      %dma_start3A_82 = tpu.memref_slice %arg6[%add3A_72, %dma_start3A_81] : memref<10240x128xf32, #tpu.memory_space<vmem_shared>> -> memref<64x128xf32, #tpu.memory_space<vmem_shared>>
      %dma_start3A_83 = arith.constant 0 : i32
      %dma_start3A_84 = arith.constant 0 : i32
      %dma_start3A_85 = tpu.memref_slice %arg11[%dma_start3A_83, %dma_start3A_84] : memref<96x128xf32, #tpu.memory_space<vmem>> -> memref<64x128xf32, #tpu.memory_space<vmem>>
      %dma_start3A_86 = arith.constant 0 : i32
      %dma_start3A_87 = tpu.memref_slice %arg6[%add3A_72, %dma_start3A_86] : memref<10240x128xf32, #tpu.memory_space<vmem_shared>> -> memref<64x128xf32, #tpu.memory_space<vmem_shared>>
      tpu.enqueue_dma source(%dma_start3A_87 : memref<64x128xf32, #tpu.memory_space<vmem_shared>>) target(%dma_start3A_85 : memref<64x128xf32, #tpu.memory_space<vmem>>) target_semaphore(%run_scoped3A : memref<!tpu.dma_semaphore, #tpu.memory_space<semaphore_mem>>)
      %dma_wait3A = arith.constant 0 : i32
      %dma_wait3A_88 = arith.constant 0 : i32
      %dma_wait3A_89 = tpu.memref_slice %arg11[%dma_wait3A, %dma_wait3A_88] : memref<96x128xf32, #tpu.memory_space<vmem>> -> memref<64x128xf32, #tpu.memory_space<vmem>>
      %dma_wait3A_90 = arith.constant 0 : i32
      %dma_wait3A_91 = tpu.memref_slice %arg6[%add3A_72, %dma_wait3A_90] : memref<10240x128xf32, #tpu.memory_space<vmem_shared>> -> memref<64x128xf32, #tpu.memory_space<vmem_shared>>
      %dma_wait3A_92 = arith.constant 0 : i32
      %dma_wait3A_93 = arith.constant 0 : i32
      %dma_wait3A_94 = tpu.memref_slice %arg11[%dma_wait3A_92, %dma_wait3A_93] : memref<96x128xf32, #tpu.memory_space<vmem>> -> memref<64x128xf32, #tpu.memory_space<vmem>>
      %dma_wait3A_95 = arith.constant 0 : i32
      %dma_wait3A_96 = tpu.memref_slice %arg6[%add3A_72, %dma_wait3A_95] : memref<10240x128xf32, #tpu.memory_space<vmem_shared>> -> memref<64x128xf32, #tpu.memory_space<vmem_shared>>
      tpu.wait_dma2 semaphore(%run_scoped3A : memref<!tpu.dma_semaphore, #tpu.memory_space<semaphore_mem>>) src(%dma_wait3A_96 : memref<64x128xf32, #tpu.memory_space<vmem_shared>>) dst(%dma_wait3A_94 : memref<64x128xf32, #tpu.memory_space<vmem>>)
      tpu.yield
    }) : () -> ()
    %add3A_73 = arith.constant 512 : i32
    %add3A_74 = arith.addi %add3A_38, %add3A_73 : i32
    "tpu.region"() ({
      %run_scoped3A = tpu.sem_alloc : memref<!tpu.dma_semaphore, #tpu.memory_space<semaphore_mem>>
      %dma_start3A = arith.constant 0 : i32
      %dma_start3A_79 = arith.constant 0 : i32
      %dma_start3A_80 = tpu.memref_slice %arg11[%dma_start3A, %dma_start3A_79] : memref<96x128xf32, #tpu.memory_space<vmem>> -> memref<64x128xf32, #tpu.memory_space<vmem>>
      %dma_start3A_81 = arith.constant 0 : i32
      %dma_start3A_82 = tpu.memref_slice %arg5[%add3A_74, %dma_start3A_81] : memref<20480x128xf32, #tpu.memory_space<hbm>> -> memref<64x128xf32, #tpu.memory_space<hbm>>
      %dma_start3A_83 = arith.constant 0 : i32
      %dma_start3A_84 = tpu.memref_slice %arg5[%add3A_74, %dma_start3A_83] : memref<20480x128xf32, #tpu.memory_space<hbm>> -> memref<64x128xf32, #tpu.memory_space<hbm>>
      %dma_start3A_85 = arith.constant 0 : i32
      %dma_start3A_86 = arith.constant 0 : i32
      %dma_start3A_87 = tpu.memref_slice %arg11[%dma_start3A_85, %dma_start3A_86] : memref<96x128xf32, #tpu.memory_space<vmem>> -> memref<64x128xf32, #tpu.memory_space<vmem>>
      tpu.enqueue_dma source(%dma_start3A_87 : memref<64x128xf32, #tpu.memory_space<vmem>>) target(%dma_start3A_84 : memref<64x128xf32, #tpu.memory_space<hbm>>) target_semaphore(%run_scoped3A : memref<!tpu.dma_semaphore, #tpu.memory_space<semaphore_mem>>)
      %dma_wait3A = arith.constant 0 : i32
      %dma_wait3A_88 = arith.constant 0 : i32
      %dma_wait3A_89 = tpu.memref_slice %arg11[%dma_wait3A, %dma_wait3A_88] : memref<96x128xf32, #tpu.memory_space<vmem>> -> memref<64x128xf32, #tpu.memory_space<vmem>>
      %dma_wait3A_90 = arith.constant 0 : i32
      %dma_wait3A_91 = tpu.memref_slice %arg5[%add3A_74, %dma_wait3A_90] : memref<20480x128xf32, #tpu.memory_space<hbm>> -> memref<64x128xf32, #tpu.memory_space<hbm>>
      %dma_wait3A_92 = arith.constant 0 : i32
      %dma_wait3A_93 = tpu.memref_slice %arg5[%add3A_74, %dma_wait3A_92] : memref<20480x128xf32, #tpu.memory_space<hbm>> -> memref<64x128xf32, #tpu.memory_space<hbm>>
      %dma_wait3A_94 = arith.constant 0 : i32
      %dma_wait3A_95 = arith.constant 0 : i32
      %dma_wait3A_96 = tpu.memref_slice %arg11[%dma_wait3A_94, %dma_wait3A_95] : memref<96x128xf32, #tpu.memory_space<vmem>> -> memref<64x128xf32, #tpu.memory_space<vmem>>
      tpu.wait_dma2 semaphore(%run_scoped3A : memref<!tpu.dma_semaphore, #tpu.memory_space<semaphore_mem>>) src(%dma_wait3A_96 : memref<64x128xf32, #tpu.memory_space<vmem>>) dst(%dma_wait3A_93 : memref<64x128xf32, #tpu.memory_space<hbm>>)
      tpu.yield
    }) : () -> ()
    %add3A_75 = arith.constant 576 : i32
    %add3A_76 = arith.addi %mul3A_8, %add3A_75 : i32
    "tpu.region"() ({
      %run_scoped3A = tpu.sem_alloc : memref<!tpu.dma_semaphore, #tpu.memory_space<semaphore_mem>>
      %dma_start3A = arith.constant 0 : i32
      %dma_start3A_79 = arith.constant 0 : i32
      %dma_start3A_80 = tpu.memref_slice %arg11[%dma_start3A, %dma_start3A_79] : memref<96x128xf32, #tpu.memory_space<vmem>> -> memref<64x128xf32, #tpu.memory_space<vmem>>
      %dma_start3A_81 = arith.constant 0 : i32
      %dma_start3A_82 = tpu.memref_slice %arg6[%add3A_76, %dma_start3A_81] : memref<10240x128xf32, #tpu.memory_space<vmem_shared>> -> memref<64x128xf32, #tpu.memory_space<vmem_shared>>
      %dma_start3A_83 = arith.constant 0 : i32
      %dma_start3A_84 = arith.constant 0 : i32
      %dma_start3A_85 = tpu.memref_slice %arg11[%dma_start3A_83, %dma_start3A_84] : memref<96x128xf32, #tpu.memory_space<vmem>> -> memref<64x128xf32, #tpu.memory_space<vmem>>
      %dma_start3A_86 = arith.constant 0 : i32
      %dma_start3A_87 = tpu.memref_slice %arg6[%add3A_76, %dma_start3A_86] : memref<10240x128xf32, #tpu.memory_space<vmem_shared>> -> memref<64x128xf32, #tpu.memory_space<vmem_shared>>
      tpu.enqueue_dma source(%dma_start3A_87 : memref<64x128xf32, #tpu.memory_space<vmem_shared>>) target(%dma_start3A_85 : memref<64x128xf32, #tpu.memory_space<vmem>>) target_semaphore(%run_scoped3A : memref<!tpu.dma_semaphore, #tpu.memory_space<semaphore_mem>>)
      %dma_wait3A = arith.constant 0 : i32
      %dma_wait3A_88 = arith.constant 0 : i32
      %dma_wait3A_89 = tpu.memref_slice %arg11[%dma_wait3A, %dma_wait3A_88] : memref<96x128xf32, #tpu.memory_space<vmem>> -> memref<64x128xf32, #tpu.memory_space<vmem>>
      %dma_wait3A_90 = arith.constant 0 : i32
      %dma_wait3A_91 = tpu.memref_slice %arg6[%add3A_76, %dma_wait3A_90] : memref<10240x128xf32, #tpu.memory_space<vmem_shared>> -> memref<64x128xf32, #tpu.memory_space<vmem_shared>>
      %dma_wait3A_92 = arith.constant 0 : i32
      %dma_wait3A_93 = arith.constant 0 : i32
      %dma_wait3A_94 = tpu.memref_slice %arg11[%dma_wait3A_92, %dma_wait3A_93] : memref<96x128xf32, #tpu.memory_space<vmem>> -> memref<64x128xf32, #tpu.memory_space<vmem>>
      %dma_wait3A_95 = arith.constant 0 : i32
      %dma_wait3A_96 = tpu.memref_slice %arg6[%add3A_76, %dma_wait3A_95] : memref<10240x128xf32, #tpu.memory_space<vmem_shared>> -> memref<64x128xf32, #tpu.memory_space<vmem_shared>>
      tpu.wait_dma2 semaphore(%run_scoped3A : memref<!tpu.dma_semaphore, #tpu.memory_space<semaphore_mem>>) src(%dma_wait3A_96 : memref<64x128xf32, #tpu.memory_space<vmem_shared>>) dst(%dma_wait3A_94 : memref<64x128xf32, #tpu.memory_space<vmem>>)
      tpu.yield
    }) : () -> ()
    %add3A_77 = arith.constant 576 : i32
    %add3A_78 = arith.addi %add3A_38, %add3A_77 : i32
    "tpu.region"() ({
      %run_scoped3A = tpu.sem_alloc : memref<!tpu.dma_semaphore, #tpu.memory_space<semaphore_mem>>
      %dma_start3A = arith.constant 0 : i32
      %dma_start3A_79 = arith.constant 0 : i32
      %dma_start3A_80 = tpu.memref_slice %arg11[%dma_start3A, %dma_start3A_79] : memref<96x128xf32, #tpu.memory_space<vmem>> -> memref<64x128xf32, #tpu.memory_space<vmem>>
      %dma_start3A_81 = arith.constant 0 : i32
      %dma_start3A_82 = tpu.memref_slice %arg5[%add3A_78, %dma_start3A_81] : memref<20480x128xf32, #tpu.memory_space<hbm>> -> memref<64x128xf32, #tpu.memory_space<hbm>>
      %dma_start3A_83 = arith.constant 0 : i32
      %dma_start3A_84 = tpu.memref_slice %arg5[%add3A_78, %dma_start3A_83] : memref<20480x128xf32, #tpu.memory_space<hbm>> -> memref<64x128xf32, #tpu.memory_space<hbm>>
      %dma_start3A_85 = arith.constant 0 : i32
      %dma_start3A_86 = arith.constant 0 : i32
      %dma_start3A_87 = tpu.memref_slice %arg11[%dma_start3A_85, %dma_start3A_86] : memref<96x128xf32, #tpu.memory_space<vmem>> -> memref<64x128xf32, #tpu.memory_space<vmem>>
      tpu.enqueue_dma source(%dma_start3A_87 : memref<64x128xf32, #tpu.memory_space<vmem>>) target(%dma_start3A_84 : memref<64x128xf32, #tpu.memory_space<hbm>>) target_semaphore(%run_scoped3A : memref<!tpu.dma_semaphore, #tpu.memory_space<semaphore_mem>>)
      %dma_wait3A = arith.constant 0 : i32
      %dma_wait3A_88 = arith.constant 0 : i32
      %dma_wait3A_89 = tpu.memref_slice %arg11[%dma_wait3A, %dma_wait3A_88] : memref<96x128xf32, #tpu.memory_space<vmem>> -> memref<64x128xf32, #tpu.memory_space<vmem>>
      %dma_wait3A_90 = arith.constant 0 : i32
      %dma_wait3A_91 = tpu.memref_slice %arg5[%add3A_78, %dma_wait3A_90] : memref<20480x128xf32, #tpu.memory_space<hbm>> -> memref<64x128xf32, #tpu.memory_space<hbm>>
      %dma_wait3A_92 = arith.constant 0 : i32
      %dma_wait3A_93 = tpu.memref_slice %arg5[%add3A_78, %dma_wait3A_92] : memref<20480x128xf32, #tpu.memory_space<hbm>> -> memref<64x128xf32, #tpu.memory_space<hbm>>
      %dma_wait3A_94 = arith.constant 0 : i32
      %dma_wait3A_95 = arith.constant 0 : i32
      %dma_wait3A_96 = tpu.memref_slice %arg11[%dma_wait3A_94, %dma_wait3A_95] : memref<96x128xf32, #tpu.memory_space<vmem>> -> memref<64x128xf32, #tpu.memory_space<vmem>>
      tpu.wait_dma2 semaphore(%run_scoped3A : memref<!tpu.dma_semaphore, #tpu.memory_space<semaphore_mem>>) src(%dma_wait3A_96 : memref<64x128xf32, #tpu.memory_space<vmem>>) dst(%dma_wait3A_93 : memref<64x128xf32, #tpu.memory_space<hbm>>)
      tpu.yield
    }) : () -> ()
    return
  }
}

module attributes {stable_mosaic.version = 14 : i64} {
  func.func @_prep_body(%arg0: i32, %arg1: memref<1280x37xf32, #tpu.memory_space<vmem>>, %arg2: memref<19x512xf32, #tpu.memory_space<vmem>>, %arg3: memref<16x512xf32, #tpu.memory_space<vmem>>, %arg4: memref<1280x128xf32, #tpu.memory_space<vmem>>) attributes {dimension_semantics = [#tpu.dimension_semantics<arbitrary>], iteration_bounds = array<i64: 8>, scalar_prefetch = 0 : i64, scratch_operands = 0 : i64, tpu.core_type = #tpu.core_type<tc>, window_params = [{transform_indices = @transform_0, window_bounds = array<i64: 1280, 37>}, {pipeline_mode = #tpu.pipeline_mode<synchronous>, transform_indices = @transform_1, window_bounds = array<i64: 19, 512>}, {pipeline_mode = #tpu.pipeline_mode<synchronous>, transform_indices = @transform_2, window_bounds = array<i64: 16, 512>}, {transform_indices = @transform_3, window_bounds = array<i64: 1280, 128>}]} {
    %get3A = arith.constant 0 : index
    %get3A_0 = arith.constant 0 : index
    %get3A_1 = vector.load %arg1[%get3A, %get3A_0] : memref<1280x37xf32, #tpu.memory_space<vmem>>, vector<1280x37xf32>
    %get3A_2 = arith.constant 0 : index
    %get3A_3 = arith.constant 0 : index
    %get3A_4 = vector.load %arg2[%get3A_2, %get3A_3] : memref<19x512xf32, #tpu.memory_space<vmem>>, vector<19x512xf32>
    %get3A_5 = arith.constant 0 : index
    %get3A_6 = arith.constant 0 : index
    %get3A_7 = vector.load %arg3[%get3A_5, %get3A_6] : memref<16x512xf32, #tpu.memory_space<vmem>>, vector<16x512xf32>
    %slice3A = vector.extract_strided_slice %get3A_1 {offsets = [0, 0], sizes = [1280, 12], strides = [1, 1]} : vector<1280x37xf32> to vector<1280x12xf32>
    %slice3A_8 = vector.extract_strided_slice %get3A_1 {offsets = [0, 30], sizes = [1280, 7], strides = [1, 1]} : vector<1280x37xf32> to vector<1280x7xf32>
    %concatenate3A = tpu.concatenate %slice3A, %slice3A_8 in 1 : vector<1280x12xf32>, vector<1280x7xf32> -> vector<1280x19xf32>
    %slice3A_9 = vector.extract_strided_slice %get3A_1 {offsets = [0, 12], sizes = [1280, 12], strides = [1, 1]} : vector<1280x37xf32> to vector<1280x12xf32>
    %slice3A_10 = vector.extract_strided_slice %get3A_1 {offsets = [0, 26], sizes = [1280, 4], strides = [1, 1]} : vector<1280x37xf32> to vector<1280x4xf32>
    %concatenate3A_11 = tpu.concatenate %slice3A_9, %slice3A_10 in 1 : vector<1280x12xf32>, vector<1280x4xf32> -> vector<1280x16xf32>
    %slice3A_12 = vector.extract_strided_slice %get3A_1 {offsets = [0, 12], sizes = [1280, 18], strides = [1, 1]} : vector<1280x37xf32> to vector<1280x18xf32>
    %slice3A_13 = vector.extract_strided_slice %get3A_1 {offsets = [0, 0], sizes = [1280, 2], strides = [1, 1]} : vector<1280x37xf32> to vector<1280x2xf32>
    %slice3A_14 = vector.extract_strided_slice %get3A_4 {offsets = [0, 0], sizes = [19, 128], strides = [1, 1]} : vector<19x512xf32> to vector<19x128xf32>
    %slice3A_15 = vector.extract_strided_slice %get3A_7 {offsets = [0, 0], sizes = [16, 128], strides = [1, 1]} : vector<16x512xf32> to vector<16x128xf32>
    %dot_general3A = arith.constant dense<0.000000e+00> : vector<19x16xf32>
    %dot_general3A_16 = tpu.matmul %slice3A_14, %slice3A_15, %dot_general3A {dimension_numbers = #tpu.dot_dimension_numbers<[1], [1], [0], [0], [0, 0, 1, 0], [], []>, precision = #tpu.contract_precision<fp32>, transpose_lhs_hint = false} : vector<19x128xf32>, vector<16x128xf32>, vector<19x16xf32> -> vector<19x16xf32>
    %slice3A_17 = vector.extract_strided_slice %get3A_4 {offsets = [0, 128], sizes = [19, 128], strides = [1, 1]} : vector<19x512xf32> to vector<19x128xf32>
    %slice3A_18 = vector.extract_strided_slice %get3A_7 {offsets = [0, 128], sizes = [16, 128], strides = [1, 1]} : vector<16x512xf32> to vector<16x128xf32>
    %dot_general3A_19 = arith.constant dense<0.000000e+00> : vector<19x16xf32>
    %dot_general3A_20 = tpu.matmul %slice3A_17, %slice3A_18, %dot_general3A_19 {dimension_numbers = #tpu.dot_dimension_numbers<[1], [1], [0], [0], [0, 0, 1, 0], [], []>, precision = #tpu.contract_precision<fp32>, transpose_lhs_hint = false} : vector<19x128xf32>, vector<16x128xf32>, vector<19x16xf32> -> vector<19x16xf32>
    %slice3A_21 = vector.extract_strided_slice %get3A_4 {offsets = [0, 256], sizes = [19, 128], strides = [1, 1]} : vector<19x512xf32> to vector<19x128xf32>
    %slice3A_22 = vector.extract_strided_slice %get3A_7 {offsets = [0, 256], sizes = [16, 128], strides = [1, 1]} : vector<16x512xf32> to vector<16x128xf32>
    %dot_general3A_23 = arith.constant dense<0.000000e+00> : vector<19x16xf32>
    %dot_general3A_24 = tpu.matmul %slice3A_21, %slice3A_22, %dot_general3A_23 {dimension_numbers = #tpu.dot_dimension_numbers<[1], [1], [0], [0], [0, 0, 1, 0], [], []>, precision = #tpu.contract_precision<fp32>, transpose_lhs_hint = false} : vector<19x128xf32>, vector<16x128xf32>, vector<19x16xf32> -> vector<19x16xf32>
    %slice3A_25 = vector.extract_strided_slice %get3A_4 {offsets = [0, 384], sizes = [19, 128], strides = [1, 1]} : vector<19x512xf32> to vector<19x128xf32>
    %slice3A_26 = vector.extract_strided_slice %get3A_7 {offsets = [0, 384], sizes = [16, 128], strides = [1, 1]} : vector<16x512xf32> to vector<16x128xf32>
    %dot_general3A_27 = arith.constant dense<0.000000e+00> : vector<19x16xf32>
    %dot_general3A_28 = tpu.matmul %slice3A_25, %slice3A_26, %dot_general3A_27 {dimension_numbers = #tpu.dot_dimension_numbers<[1], [1], [0], [0], [0, 0, 1, 0], [], []>, precision = #tpu.contract_precision<fp32>, transpose_lhs_hint = false} : vector<19x128xf32>, vector<16x128xf32>, vector<19x16xf32> -> vector<19x16xf32>
    %concatenate3A_29 = tpu.concatenate %dot_general3A_16, %dot_general3A_20, %dot_general3A_24, %dot_general3A_28 in 1 : vector<19x16xf32>, vector<19x16xf32>, vector<19x16xf32>, vector<19x16xf32> -> vector<19x64xf32>
    %dot_general3A_30 = arith.constant dense<0.000000e+00> : vector<1280x64xf32>
    %dot_general3A_31 = tpu.matmul %concatenate3A, %concatenate3A_29, %dot_general3A_30 {dimension_numbers = #tpu.dot_dimension_numbers<[1], [0], [0], [1], [0, 0, 1, 1], [], []>, precision = #tpu.contract_precision<fp32>, transpose_lhs_hint = false} : vector<1280x19xf32>, vector<19x64xf32>, vector<1280x64xf32> -> vector<1280x64xf32>
    %broadcast_in_dim3A = arith.constant 0.000000e+00 : f32
    %broadcast_in_dim3A_32 = vector.broadcast %broadcast_in_dim3A : f32 to vector<1280x28xf32>
    %concatenate3A_33 = tpu.concatenate %dot_general3A_31, %slice3A_13, %concatenate3A_11, %slice3A_12, %broadcast_in_dim3A_32 in 1 : vector<1280x64xf32>, vector<1280x2xf32>, vector<1280x16xf32>, vector<1280x18xf32>, vector<1280x28xf32> -> vector<1280x128xf32>
    %swap3A = arith.constant 0 : index
    %swap3A_34 = arith.constant 0 : index
    %swap3A_35 = vector.load %arg4[%swap3A, %swap3A_34] : memref<1280x128xf32, #tpu.memory_space<vmem>>, vector<1280x128xf32>
    tpu.vector_store %arg4[%swap3A, %swap3A_34], %concatenate3A_33 {strides = array<i32>} : memref<1280x128xf32, #tpu.memory_space<vmem>>, vector<1280x128xf32>,
    return
  }
  func.func @transform_0(%arg0: i32) -> (i32, i32) {
    %c0_i32 = arith.constant 0 : i32
    %c0_i32_0 = arith.constant 0 : i32
    return %arg0, %c0_i32 : i32, i32
  }
  func.func @transform_1(%arg0: i32) -> (i32, i32) {
    %c0_i32 = arith.constant 0 : i32
    %c0_i32_0 = arith.constant 0 : i32
    %c0_i32_1 = arith.constant 0 : i32
    return %c0_i32, %c0_i32_0 : i32, i32
  }
  func.func @transform_2(%arg0: i32) -> (i32, i32) {
    %c0_i32 = arith.constant 0 : i32
    %c0_i32_0 = arith.constant 0 : i32
    %c0_i32_1 = arith.constant 0 : i32
    return %c0_i32, %c0_i32_0 : i32, i32
  }
  func.func @transform_3(%arg0: i32) -> (i32, i32) {
    %c0_i32 = arith.constant 0 : i32
    %c0_i32_0 = arith.constant 0 : i32
    return %arg0, %c0_i32 : i32, i32
  }
}

module attributes {stable_mosaic.version = 14 : i64} {
  func.func @_finish_body(%arg0: i32, %arg1: memref<2x1280x128xf32, #tpu.memory_space<vmem>>, %arg2: memref<18x512xf32, #tpu.memory_space<vmem>>, %arg3: memref<512x128xf32, #tpu.memory_space<vmem>>, %arg4: memref<128x2xf32, #tpu.memory_space<vmem>>, %arg5: memref<1x128xf32, #tpu.memory_space<vmem>>, %arg6: memref<1x2xf32, #tpu.memory_space<vmem>>, %arg7: memref<1280x2xf32, #tpu.memory_space<vmem>>) attributes {dimension_semantics = [#tpu.dimension_semantics<arbitrary>], iteration_bounds = array<i64: 8>, scalar_prefetch = 0 : i64, scratch_operands = 0 : i64, tpu.core_type = #tpu.core_type<tc>, window_params = [{transform_indices = @transform_0, window_bounds = array<i64: 2, 1280, 128>}, {pipeline_mode = #tpu.pipeline_mode<synchronous>, transform_indices = @transform_1, window_bounds = array<i64: 18, 512>}, {pipeline_mode = #tpu.pipeline_mode<synchronous>, transform_indices = @transform_2, window_bounds = array<i64: 512, 128>}, {pipeline_mode = #tpu.pipeline_mode<synchronous>, transform_indices = @transform_3, window_bounds = array<i64: 128, 2>}, {pipeline_mode = #tpu.pipeline_mode<synchronous>, transform_indices = @transform_4, window_bounds = array<i64: 1, 128>}, {pipeline_mode = #tpu.pipeline_mode<synchronous>, transform_indices = @transform_5, window_bounds = array<i64: 1, 2>}, {transform_indices = @transform_6, window_bounds = array<i64: 1280, 2>}]} {
    %get3A = arith.constant 0 : index
    %get3A_0 = arith.constant 0 : index
    %get3A_1 = arith.constant 0 : index
    %get3A_2 = vector.load %arg1[%get3A, %get3A_0, %get3A_1] : memref<2x1280x128xf32, #tpu.memory_space<vmem>>, vector<1x1280x128xf32>
    %get3A_3 = vector.shape_cast %get3A_2 : vector<1x1280x128xf32> to vector<1280x128xf32>
    %get3A_4 = arith.constant 1 : index
    %get3A_5 = arith.constant 0 : index
    %get3A_6 = arith.constant 0 : index
    %get3A_7 = vector.load %arg1[%get3A_4, %get3A_5, %get3A_6] : memref<2x1280x128xf32, #tpu.memory_space<vmem>>, vector<1x1280x128xf32>
    %get3A_8 = vector.shape_cast %get3A_7 : vector<1x1280x128xf32> to vector<1280x128xf32>
    %add3A = arith.addf %get3A_3, %get3A_8 : vector<1280x128xf32>
    %get3A_9 = arith.constant 0 : index
    %get3A_10 = arith.constant 0 : index
    %get3A_11 = vector.load %arg2[%get3A_9, %get3A_10] : memref<18x512xf32, #tpu.memory_space<vmem>>, vector<18x512xf32>
    %get3A_12 = arith.constant 0 : index
    %get3A_13 = arith.constant 0 : index
    %get3A_14 = vector.load %arg3[%get3A_12, %get3A_13] : memref<512x128xf32, #tpu.memory_space<vmem>>, vector<512x128xf32>
    %get3A_15 = arith.constant 0 : index
    %get3A_16 = arith.constant 0 : index
    %get3A_17 = vector.load %arg4[%get3A_15, %get3A_16] : memref<128x2xf32, #tpu.memory_space<vmem>>, vector<128x2xf32>
    %get3A_18 = arith.constant 0 : index
    %get3A_19 = arith.constant 0 : index
    %get3A_20 = vector.load %arg5[%get3A_18, %get3A_19] : memref<1x128xf32, #tpu.memory_space<vmem>>, vector<1x128xf32>
    %dot_general3A = arith.constant dense<0.000000e+00> : vector<1x2xf32>
    %dot_general3A_21 = tpu.matmul %get3A_20, %get3A_17, %dot_general3A {dimension_numbers = #tpu.dot_dimension_numbers<[1], [0], [0], [1], [0, 0, 1, 1], [], []>, precision = #tpu.contract_precision<fp32>, transpose_lhs_hint = false} : vector<1x128xf32>, vector<128x2xf32>, vector<1x2xf32> -> vector<1x2xf32>
    %get3A_22 = arith.constant 0 : index
    %get3A_23 = arith.constant 0 : index
    %get3A_24 = vector.load %arg6[%get3A_22, %get3A_23] : memref<1x2xf32, #tpu.memory_space<vmem>>, vector<1x2xf32>
    %add3A_25 = arith.addf %dot_general3A_21, %get3A_24 : vector<1x2xf32>
    %broadcast_in_dim3A = vector.shape_cast %add3A_25 : vector<1x2xf32> to vector<1x2xf32>
    %broadcast_in_dim3A_26 = vector.broadcast %broadcast_in_dim3A : vector<1x2xf32> to vector<1280x2xf32>
    %slice3A = vector.extract_strided_slice %get3A_11 {offsets = [0, 0], sizes = [18, 128], strides = [1, 1]} : vector<18x512xf32> to vector<18x128xf32>
    %slice3A_27 = vector.extract_strided_slice %get3A_14 {offsets = [0, 0], sizes = [128, 128], strides = [1, 1]} : vector<512x128xf32> to vector<128x128xf32>
    %dot_general3A_28 = arith.constant dense<0.000000e+00> : vector<18x128xf32>
    %dot_general3A_29 = tpu.matmul %slice3A, %slice3A_27, %dot_general3A_28 {dimension_numbers = #tpu.dot_dimension_numbers<[1], [0], [0], [1], [0, 0, 1, 1], [], []>, precision = #tpu.contract_precision<fp32>, transpose_lhs_hint = false} : vector<18x128xf32>, vector<128x128xf32>, vector<18x128xf32> -> vector<18x128xf32>
    %dot_general3A_30 = arith.constant dense<0.000000e+00> : vector<18x2xf32>
    %dot_general3A_31 = tpu.matmul %dot_general3A_29, %get3A_17, %dot_general3A_30 {dimension_numbers = #tpu.dot_dimension_numbers<[1], [0], [0], [1], [0, 0, 1, 1], [], []>, precision = #tpu.contract_precision<fp32>, transpose_lhs_hint = false} : vector<18x128xf32>, vector<128x2xf32>, vector<18x2xf32> -> vector<18x2xf32>
    %slice3A_32 = vector.extract_strided_slice %add3A {offsets = [0, 72], sizes = [1280, 1], strides = [1, 1]} : vector<1280x128xf32> to vector<1280x1xf32>
    %add3A_33 = arith.constant 1.000000e-16 : f32
    %add3A_34 = vector.broadcast %add3A_33 : f32 to vector<1280x1xf32>
    %add3A_35 = arith.addf %slice3A_32, %add3A_34 : vector<1280x1xf32>
    %slice3A_36 = vector.extract_strided_slice %add3A {offsets = [0, 0], sizes = [1280, 18], strides = [1, 1]} : vector<1280x128xf32> to vector<1280x18xf32>
    %div3A = vector.broadcast %add3A_35 : vector<1280x1xf32> to vector<1280x18xf32>
    %div3A_37 = arith.divf %slice3A_36, %div3A : vector<1280x18xf32>
    %dot_general3A_38 = arith.constant dense<0.000000e+00> : vector<1280x2xf32>
    %dot_general3A_39 = tpu.matmul %div3A_37, %dot_general3A_31, %dot_general3A_38 {dimension_numbers = #tpu.dot_dimension_numbers<[1], [0], [0], [1], [0, 0, 1, 1], [], []>, precision = #tpu.contract_precision<fp32>, transpose_lhs_hint = false} : vector<1280x18xf32>, vector<18x2xf32>, vector<1280x2xf32> -> vector<1280x2xf32>
    %add3A_40 = arith.addf %broadcast_in_dim3A_26, %dot_general3A_39 : vector<1280x2xf32>
    %slice3A_41 = vector.extract_strided_slice %get3A_11 {offsets = [0, 128], sizes = [18, 128], strides = [1, 1]} : vector<18x512xf32> to vector<18x128xf32>
    %slice3A_42 = vector.extract_strided_slice %get3A_14 {offsets = [128, 0], sizes = [128, 128], strides = [1, 1]} : vector<512x128xf32> to vector<128x128xf32>
    %dot_general3A_43 = arith.constant dense<0.000000e+00> : vector<18x128xf32>
    %dot_general3A_44 = tpu.matmul %slice3A_41, %slice3A_42, %dot_general3A_43 {dimension_numbers = #tpu.dot_dimension_numbers<[1], [0], [0], [1], [0, 0, 1, 1], [], []>, precision = #tpu.contract_precision<fp32>, transpose_lhs_hint = false} : vector<18x128xf32>, vector<128x128xf32>, vector<18x128xf32> -> vector<18x128xf32>
    %dot_general3A_45 = arith.constant dense<0.000000e+00> : vector<18x2xf32>
    %dot_general3A_46 = tpu.matmul %dot_general3A_44, %get3A_17, %dot_general3A_45 {dimension_numbers = #tpu.dot_dimension_numbers<[1], [0], [0], [1], [0, 0, 1, 1], [], []>, precision = #tpu.contract_precision<fp32>, transpose_lhs_hint = false} : vector<18x128xf32>, vector<128x2xf32>, vector<18x2xf32> -> vector<18x2xf32>
    %slice3A_47 = vector.extract_strided_slice %add3A {offsets = [0, 73], sizes = [1280, 1], strides = [1, 1]} : vector<1280x128xf32> to vector<1280x1xf32>
    %add3A_48 = arith.constant 1.000000e-16 : f32
    %add3A_49 = vector.broadcast %add3A_48 : f32 to vector<1280x1xf32>
    %add3A_50 = arith.addf %slice3A_47, %add3A_49 : vector<1280x1xf32>
    %slice3A_51 = vector.extract_strided_slice %add3A {offsets = [0, 18], sizes = [1280, 18], strides = [1, 1]} : vector<1280x128xf32> to vector<1280x18xf32>
    %div3A_52 = vector.broadcast %add3A_50 : vector<1280x1xf32> to vector<1280x18xf32>
    %div3A_53 = arith.divf %slice3A_51, %div3A_52 : vector<1280x18xf32>
    %dot_general3A_54 = arith.constant dense<0.000000e+00> : vector<1280x2xf32>
    %dot_general3A_55 = tpu.matmul %div3A_53, %dot_general3A_46, %dot_general3A_54 {dimension_numbers = #tpu.dot_dimension_numbers<[1], [0], [0], [1], [0, 0, 1, 1], [], []>, precision = #tpu.contract_precision<fp32>, transpose_lhs_hint = false} : vector<1280x18xf32>, vector<18x2xf32>, vector<1280x2xf32> -> vector<1280x2xf32>
    %add3A_56 = arith.addf %add3A_40, %dot_general3A_55 : vector<1280x2xf32>
    %slice3A_57 = vector.extract_strided_slice %get3A_11 {offsets = [0, 256], sizes = [18, 128], strides = [1, 1]} : vector<18x512xf32> to vector<18x128xf32>
    %slice3A_58 = vector.extract_strided_slice %get3A_14 {offsets = [256, 0], sizes = [128, 128], strides = [1, 1]} : vector<512x128xf32> to vector<128x128xf32>
    %dot_general3A_59 = arith.constant dense<0.000000e+00> : vector<18x128xf32>
    %dot_general3A_60 = tpu.matmul %slice3A_57, %slice3A_58, %dot_general3A_59 {dimension_numbers = #tpu.dot_dimension_numbers<[1], [0], [0], [1], [0, 0, 1, 1], [], []>, precision = #tpu.contract_precision<fp32>, transpose_lhs_hint = false} : vector<18x128xf32>, vector<128x128xf32>, vector<18x128xf32> -> vector<18x128xf32>
    %dot_general3A_61 = arith.constant dense<0.000000e+00> : vector<18x2xf32>
    %dot_general3A_62 = tpu.matmul %dot_general3A_60, %get3A_17, %dot_general3A_61 {dimension_numbers = #tpu.dot_dimension_numbers<[1], [0], [0], [1], [0, 0, 1, 1], [], []>, precision = #tpu.contract_precision<fp32>, transpose_lhs_hint = false} : vector<18x128xf32>, vector<128x2xf32>, vector<18x2xf32> -> vector<18x2xf32>
    %slice3A_63 = vector.extract_strided_slice %add3A {offsets = [0, 74], sizes = [1280, 1], strides = [1, 1]} : vector<1280x128xf32> to vector<1280x1xf32>
    %add3A_64 = arith.constant 1.000000e-16 : f32
    %add3A_65 = vector.broadcast %add3A_64 : f32 to vector<1280x1xf32>
    %add3A_66 = arith.addf %slice3A_63, %add3A_65 : vector<1280x1xf32>
    %slice3A_67 = vector.extract_strided_slice %add3A {offsets = [0, 36], sizes = [1280, 18], strides = [1, 1]} : vector<1280x128xf32> to vector<1280x18xf32>
    %div3A_68 = vector.broadcast %add3A_66 : vector<1280x1xf32> to vector<1280x18xf32>
    %div3A_69 = arith.divf %slice3A_67, %div3A_68 : vector<1280x18xf32>
    %dot_general3A_70 = arith.constant dense<0.000000e+00> : vector<1280x2xf32>
    %dot_general3A_71 = tpu.matmul %div3A_69, %dot_general3A_62, %dot_general3A_70 {dimension_numbers = #tpu.dot_dimension_numbers<[1], [0], [0], [1], [0, 0, 1, 1], [], []>, precision = #tpu.contract_precision<fp32>, transpose_lhs_hint = false} : vector<1280x18xf32>, vector<18x2xf32>, vector<1280x2xf32> -> vector<1280x2xf32>
    %add3A_72 = arith.addf %add3A_56, %dot_general3A_71 : vector<1280x2xf32>
    %slice3A_73 = vector.extract_strided_slice %get3A_11 {offsets = [0, 384], sizes = [18, 128], strides = [1, 1]} : vector<18x512xf32> to vector<18x128xf32>
    %slice3A_74 = vector.extract_strided_slice %get3A_14 {offsets = [384, 0], sizes = [128, 128], strides = [1, 1]} : vector<512x128xf32> to vector<128x128xf32>
    %dot_general3A_75 = arith.constant dense<0.000000e+00> : vector<18x128xf32>
    %dot_general3A_76 = tpu.matmul %slice3A_73, %slice3A_74, %dot_general3A_75 {dimension_numbers = #tpu.dot_dimension_numbers<[1], [0], [0], [1], [0, 0, 1, 1], [], []>, precision = #tpu.contract_precision<fp32>, transpose_lhs_hint = false} : vector<18x128xf32>, vector<128x128xf32>, vector<18x128xf32> -> vector<18x128xf32>
    %dot_general3A_77 = arith.constant dense<0.000000e+00> : vector<18x2xf32>
    %dot_general3A_78 = tpu.matmul %dot_general3A_76, %get3A_17, %dot_general3A_77 {dimension_numbers = #tpu.dot_dimension_numbers<[1], [0], [0], [1], [0, 0, 1, 1], [], []>, precision = #tpu.contract_precision<fp32>, transpose_lhs_hint = false} : vector<18x128xf32>, vector<128x2xf32>, vector<18x2xf32> -> vector<18x2xf32>
    %slice3A_79 = vector.extract_strided_slice %add3A {offsets = [0, 75], sizes = [1280, 1], strides = [1, 1]} : vector<1280x128xf32> to vector<1280x1xf32>
    %add3A_80 = arith.constant 1.000000e-16 : f32
    %add3A_81 = vector.broadcast %add3A_80 : f32 to vector<1280x1xf32>
    %add3A_82 = arith.addf %slice3A_79, %add3A_81 : vector<1280x1xf32>
    %slice3A_83 = vector.extract_strided_slice %add3A {offsets = [0, 54], sizes = [1280, 18], strides = [1, 1]} : vector<1280x128xf32> to vector<1280x18xf32>
    %div3A_84 = vector.broadcast %add3A_82 : vector<1280x1xf32> to vector<1280x18xf32>
    %div3A_85 = arith.divf %slice3A_83, %div3A_84 : vector<1280x18xf32>
    %dot_general3A_86 = arith.constant dense<0.000000e+00> : vector<1280x2xf32>
    %dot_general3A_87 = tpu.matmul %div3A_85, %dot_general3A_78, %dot_general3A_86 {dimension_numbers = #tpu.dot_dimension_numbers<[1], [0], [0], [1], [0, 0, 1, 1], [], []>, precision = #tpu.contract_precision<fp32>, transpose_lhs_hint = false} : vector<1280x18xf32>, vector<18x2xf32>, vector<1280x2xf32> -> vector<1280x2xf32>
    %add3A_88 = arith.addf %add3A_72, %dot_general3A_87 : vector<1280x2xf32>
    %swap3A = arith.constant 0 : index
    %swap3A_89 = arith.constant 0 : index
    %swap3A_90 = vector.load %arg7[%swap3A, %swap3A_89] : memref<1280x2xf32, #tpu.memory_space<vmem>>, vector<1280x2xf32>
    tpu.vector_store %arg7[%swap3A, %swap3A_89], %add3A_88 {strides = array<i32>} : memref<1280x2xf32, #tpu.memory_space<vmem>>, vector<1280x2xf32>,
    return
  }
  func.func @transform_0(%arg0: i32) -> (i32, i32, i32) {
    %c0_i32 = arith.constant 0 : i32
    %c0_i32_0 = arith.constant 0 : i32
    %c0_i32_1 = arith.constant 0 : i32
    return %c0_i32, %arg0, %c0_i32_0 : i32, i32, i32
  }
  func.func @transform_1(%arg0: i32) -> (i32, i32) {
    %c0_i32 = arith.constant 0 : i32
    %c0_i32_0 = arith.constant 0 : i32
    %c0_i32_1 = arith.constant 0 : i32
    return %c0_i32, %c0_i32_0 : i32, i32
  }
  func.func @transform_2(%arg0: i32) -> (i32, i32) {
    %c0_i32 = arith.constant 0 : i32
    %c0_i32_0 = arith.constant 0 : i32
    %c0_i32_1 = arith.constant 0 : i32
    return %c0_i32, %c0_i32_0 : i32, i32
  }
  func.func @transform_3(%arg0: i32) -> (i32, i32) {
    %c0_i32 = arith.constant 0 : i32
    %c0_i32_0 = arith.constant 0 : i32
    %c0_i32_1 = arith.constant 0 : i32
    return %c0_i32, %c0_i32_0 : i32, i32
  }
  func.func @transform_4(%arg0: i32) -> (i32, i32) {
    %c0_i32 = arith.constant 0 : i32
    %c0_i32_0 = arith.constant 0 : i32
    %c0_i32_1 = arith.constant 0 : i32
    return %c0_i32, %c0_i32_0 : i32, i32
  }
  func.func @transform_5(%arg0: i32) -> (i32, i32) {
    %c0_i32 = arith.constant 0 : i32
    %c0_i32_0 = arith.constant 0 : i32
    %c0_i32_1 = arith.constant 0 : i32
    return %c0_i32, %c0_i32_0 : i32, i32
  }
  func.func @transform_6(%arg0: i32) -> (i32, i32) {
    %c0_i32 = arith.constant 0 : i32
    %c0_i32_0 = arith.constant 0 : i32
    return %arg0, %c0_i32 : i32, i32
  }
}

</mosaic_0001>

<sc_bundles>
// kernel: kernel.5.cloned.1.call-start
scs
__scs_entry_jumppad:
0x0: {  	(pc) =	sbr.rel $0x88, $3  }
0x1: {  	(tag) =	ssettag $0x0;
	lr =	simm.s32 $0x1  }
0x2: {  	[smem:$0x3F98] =	sst lr;
	_ =	strace $0xD0000000  }
0x3: {  	_ = 	snop  }
0x4: {  	_ = 	snop  }
0x5: {  	_ = 	snop  }
0x6: {  	_ = 	snop  }
0x7: {  	_ = 	snop  }
__scs_overlays_trampoline_lowered:
0x8: {  	[smem:$0x3FA7] =	sst s0  }
0x9: {  	[smem:$0x3FA8] =	sst s1  }
0xa: {  	[smem:$0x3FA9] =	sst s2  }
0xb: {  	[smem:$0x3FAA] =	sst s3  }
0xc: {  	[smem:$0x3FAB] =	sst s4  }
0xd: {  	[smem:$0x3FAC] =	sst s5  }
0xe: {  	[smem:$0x3FAD] =	sst s6  }
0xf: {  	[smem:$0x3FAE] =	sst s7  }
0x10: {  	[smem:$0x3FAF] =	sst s8  }
0x11: {  	[smem:$0x3FB0] =	sst s9;
	s0 =	simm.s32 @!p0 $0x0  }
0x12: {  	s1 =	sld [smem:$0x3F96];
	s0 =	simm.s32 @p0 $0x1  }
0x13: {  	[smem:$0x3FB1] =	sst s0;
	s0 =	simm.s32 @!p1 $0x0  }
0x14: {  	s2 =	sld [smem:$0x3F95];
	s0 =	simm.s32 @p1 $0x1  }
0x15: {  	[smem:$0x3FB2] =	sst s0;
	s0 =	simm.s32 @!p2 $0x0  }
0x16: {  	s3 =	sld [smem:$0x3FDB];
	s0 =	simm.s32 @p2 $0x1  }
0x17: {  	s4 =	simm.s32 $0x1BF5;
	[smem:$0x3FB4] =	sst s0  }
0x18: {  	s0 =	sld [smem:$0x3F97];
	_ =	swait.ge [sflag:s4], $0x0  }
0x19: {  	s7 =	sld [smem:$0x3F98]  }
0x1a: {  	s8 =	sadd.s32 $0xFFFFE003, lr  }
0x1b: {  	s9 =	sadd.s32 $0xFFFFFEF7, lr;
	s5 =	simm.s32 $0xFFFFFFFF;
	p2 =	slt.u32 s8, $0xFFFFF086  }
0x1c: {  	p1 =	slt.u32 s9, $0xF7A;
	s5 =	simm.s32 @!p2 $0x0  }
0x1d: {  	s5 =	simm.s32 @p1 $0x1;
	p0 =	seq.s32 s7, s2  }
0x1e: {  	s7 =	smul.u32 @!p0 $0xF7A, s2;
	p2 =	seq.s32 @!p0 s5, $0x0  }
0x1f: {  	s9 =	smul.u32 $0xF7A, s1;
	s8 =	simm.s32 @!p0 $0x1BF5;
	p2 =	por !p2, p0  }
0x20: {  	[sflag:s8] =	ssyncset.s32 @!p0 $0xFFFFF086;
	s6 =	sadd.s32 @!p0 s3, s7;
	s7 =	simm.s32 @!p0 $0x108  }
0x21: {  	s3 =	sadd.s32 s3, s9;
	s6 =	sadd.s32 @!p0 $0x88, s6;
	s7 =	simm.s32 @p2 $0x1082  }
0x22: {  	[simem:s7], [sflag:s8] =	dma.local @!p0 [hbm:s6], $0xF7A  }
0x23: {  	s9 =	sor.u32 $0xD0000000, s2;
	s6 =	simm.s32 $0x108;
	_ =	swait.ge @!p0 [sflag:s8], $0x0  }
0x24: {  	s3 =	sadd.s32 $0x88, s3;
	s6 =	simm.s32 @!p1 $0x1082;
	[sflag:s4] =	ssyncset.s32 $0xFFFFF086  }
0x25: {  	[simem:s6], [sflag:s4] =	dma.local [hbm:s3], $0xF7A  }
0x26: {  	[smem:$0x3F98] =	sst s1;
	(tag) =	ssettag s2;
	_ =	strace s9  }
0x27: {  	s1 =	sld [smem:$0x3FA8]  }
0x28: {  	s2 =	sld [smem:$0x3FA9]  }
0x29: {  	s4 =	sld [smem:$0x3FAB]  }
0x2a: {  	p0 =	seq.s32 s5, $0x0;
	s5 =	sld [smem:$0x3FAC]  }
0x2b: {  	s6 =	sld [smem:$0x3FAD]  }
0x2c: {  	s7 =	sld [smem:$0x3FAE]  }
0x2d: {  	s3 =	simm.s32 $0x108;
	s8 =	sld [smem:$0x3FAF]  }
0x2e: {  	s3 =	simm.s32 @!p0 $0x1082;
	s9 =	sld [smem:$0x3FB0]  }
0x2f: {  	lr =	sadd.s32 s0, s3;
	s0 =	sld [smem:$0x3FA7]  }
0x30: {  	s3 =	sld [smem:$0x3FAA]  }
0x31: {  	[smem:$0x3FB3] =	sst s10  }
0x32: {  	s10 =	sld [smem:$0x3FB1];
	_ =	sdelay $0x3  }
0x33: {  	p0 =	seq.s32 s10, $0x1;
	s10 =	sld [smem:$0x3FB3];
	_ =	sdelay $0x3  }
0x34: {  	[smem:$0x3FB3] =	sst s10  }
0x35: {  	s10 =	sld [smem:$0x3FB2];
	_ =	sdelay $0x3  }
0x36: {  	p1 =	seq.s32 s10, $0x1;
	s10 =	sld [smem:$0x3FB3];
	_ =	sdelay $0x3  }
0x37: {  	[smem:$0x3FB3] =	sst s10  }
0x38: {  	s10 =	sld [smem:$0x3FB4]  }
0x39: {  	_ = 	snop;
	(pc) =	sbr.ind lr, $3  }
0x3a: {  	_ = 	snop  }
0x3b: {  	_ = 	snop  }
0x3c: {  	p2 =	seq.s32 s10, $0x1;
	s10 =	sld [smem:$0x3FB3]  }
0x3d: {  	_ =	shalt  }
0x3e: {  	_ =	shalt  }
0x3f: {  	_ =	shalt  }
0x40: {  	_ =	shalt  }
0x41: {  	_ =	shalt  }
0x42: {  	_ =	shalt  }
0x43: {  	_ =	shalt  }
0x44: {  	_ =	shalt  }
0x45: {  	_ =	shalt  }
0x46: {  	_ =	shalt  }
0x47: {  	_ =	shalt  }
0x48: {  	_ =	shalt  }
0x49: {  	_ =	shalt  }
0x4a: {  	_ =	shalt  }
0x4b: {  	_ =	shalt  }
0x4c: {  	_ =	shalt  }
0x4d: {  	_ =	shalt  }
0x4e: {  	_ =	shalt  }
0x4f: {  	_ =	shalt  }
0x50: {  	_ =	shalt  }
0x51: {  	_ =	shalt  }
0x52: {  	_ =	shalt  }
0x53: {  	_ =	shalt  }
0x54: {  	_ =	shalt  }
0x55: {  	_ =	shalt  }
0x56: {  	_ =	shalt  }
0x57: {  	_ =	shalt  }
0x58: {  	_ =	shalt  }
0x59: {  	_ =	shalt  }
0x5a: {  	_ =	shalt  }
0x5b: {  	_ =	shalt  }
0x5c: {  	_ =	shalt  }
0x5d: {  	_ =	shalt  }
0x5e: {  	_ =	shalt  }
0x5f: {  	_ =	shalt  }
0x60: {  	_ =	shalt  }
0x61: {  	_ =	shalt  }
0x62: {  	_ =	shalt  }
0x63: {  	_ =	shalt  }
0x64: {  	_ =	shalt  }
0x65: {  	_ =	shalt  }
0x66: {  	_ =	shalt  }
0x67: {  	_ =	shalt  }
0x68: {  	_ =	shalt  }
0x69: {  	_ =	shalt  }
0x6a: {  	_ =	shalt  }
0x6b: {  	_ =	shalt  }
0x6c: {  	_ =	shalt  }
0x6d: {  	_ =	shalt  }
0x6e: {  	_ =	shalt  }
0x6f: {  	_ =	shalt  }
0x70: {  	_ =	shalt  }
0x71: {  	_ =	shalt  }
0x72: {  	_ =	shalt  }
0x73: {  	_ =	shalt  }
0x74: {  	_ =	shalt  }
0x75: {  	_ =	shalt  }
0x76: {  	_ =	shalt  }
0x77: {  	_ =	shalt  }
0x78: {  	_ =	shalt  }
0x79: {  	_ =	shalt  }
0x7a: {  	_ =	shalt  }
0x7b: {  	_ =	shalt  }
0x7c: {  	_ =	shalt  }
0x7d: {  	_ =	shalt  }
0x7e: {  	_ =	shalt  }
0x7f: {  	_ =	shalt  }
0x80: {  	_ =	shalt  }
0x81: {  	_ =	shalt  }
0x82: {  	_ =	shalt  }
0x83: {  	_ =	shalt  }
0x84: {  	_ =	shalt  }
0x85: {  	_ =	shalt  }
0x86: {  	_ =	shalt  }
0x87: {  	_ =	shalt  }
.Lfunc_end0:
.L_simem_size_0:
called_computation_lowered:
.L_overlay_start_0:
0x88: {  	s2 =	sld [smem:$0x3FD9]  }
0x89: {  	s3 =	sld [smem:$0x3FFE];
	_ =	sdelay $0x1  }
0x8a: {  	s1 =	srdreg.scid  }
0x8b: {  	s0 =	sand.u32 $0x1, s1  }
0x8c: {  	s16 =	sshll.u32 s0, $0xA;
	s2 =	sadd.s32 s3, s2  }
0x8d: {  	s2 =	sadd.s32 s2, s16  }
0x8e: {  	[smem:$0x3FBF] =	sst s2  }
0x8f: {  	_ = 	snop  }
0x90: {  	(tm) =	ssettm $0x1  }
0x91: {  	s17 =	sld [smem:$0x3FFB];
	_ =	sdelay $0x3  }
0x92: {  	_ =	strace s17  }
0x93: {  	s2 =	sld [smem:$0x3FFC];
	_ =	sdelay $0x3  }
0x94: {  	_ =	strace s2  }
0x95: {  	s2 =	sld [smem:$0x3FFD];
	_ =	sdelay $0x3  }
0x96: {  	_ =	strace s2  }
0x97: {  	_ =	strace $0x8FFFFFFF  }
0x98: {  	s18 =	sld [smem:$0x3FDB];
	_ =	sdelay $0x1  }
0x99: {  	s19 =	simm.s32 $_scs_section_size  }
0x9a: {  	s4 =	simm.s32 $_size__tile_overlayer_lowered;
	s5 =	simm.s32 $_tile_overlayer_lowered  }
0x9b: {  	s22 =	simm.s32 $0x1BFF;
	s21 =	sshll.u32 s5, $0x1;
	s2 =	sadd.s32 s19, s18  }
0x9c: {  	s6 =	simm.s32 $0x0;
	s20 =	sshll.u32 s4, $0x1;
	s4 =	sadd.s32 s21, s2  }
0x9d: {  	[timem:s6], [sflag:s22] =	dma.local [hbm:s4], s20  }
0x9e: {  	_ =	swait.ge [sflag:s22], s20  }
0x9f: {  	s3 =	ssub.s32 $0x0, s20;
	[sflag:s22] =	ssyncset.done $0x0  }
0xa0: {  	[sflag:s22] =	ssyncadd.s32 s3;
	_ =	sdelay $0x1  }
0xa1: {  	s23 =	simm.s32 $0x1B8B  }
0xa2: {  	_ =	swait.ge [sflag:s23], $0x1  }
0xa3: {  	[sflag:s23] =	ssyncset.done $0x0  }
0xa4: {  	s25 =	simm.s32 $0x1B8E;
	s24 =	sld [smem:$0x3FFE];
	[sflag:s23] =	ssyncadd.s32 $0xFFFFFFFF  }
0xa5: {  	s26 =	simm.s32 $execute0_lowered;
	[smem:$0x3FD2] =	sst s25  }
0xa6: {  	s4 =	sshll.u32 s26, $0x1;
	_ =	strace $0x80000046;
	[dreg:$0x1] =	wrdreg $0xFFFFFFFF  }
0xa7: {  	s28 =	simm.s32 $_size_execute0_lowered;
	s2 =	sadd.s32 s2, s4;
	[dreg:$0x0] =	wrdreg $0x0  }
0xa8: {  	s4 =	sshll.u32 s28, $0x1;
	[dreg:$0x2] =	wrdreg s2  }
0xa9: {  	[dreg:$0x3] =	wrdreg s4  }
0xaa: {  	[dreg:$0x4] =	wrdreg $0xC0  }
0xab: {  	_ =	task [dreg:s6], $0x5FFFF  }
0xac: {  	[dreg:$0x1] =	wrdreg $0xFFFFFFFF  }
0xad: {  	[dreg:$0x0] =	wrdreg $0x60  }
0xae: {  	[dreg:$0x2] =	wrdreg s24  }
0xaf: {  	[dreg:$0x3] =	wrdreg $0x0  }
0xb0: {  	[dreg:$0x4] =	wrdreg $0x9  }
0xb1: {  	_ =	task.clear_ibuf [dreg:s6], $0x5FFFF;
	_ =	strace $0x90000046  }
0xb2: {  	s29 =	simm.s32 $0x9;
	_ =	strace $0x80000048  }
0xb3: {  	_ =	swait.ge [sflag:s29], $0x1  }
0xb4: {  	[sflag:s29] =	ssyncadd.s32 $0xFFFFFFFF  }
0xb5: {  	_ =	strace $0x90000048  }
0xb6: {  	_ =	sfence  }
0xb7: {  	s30 =	sld [smem:$0x0];
	_ =	sdelay $0x2  }
0xb8: {  	s31 =	sshll.u32 s1, $0xD;
	s1 =	sshrl.u32 s1, $0x2  }
0xb9: {  	s3 =	sand.u32 $0x4000, s31;
	s1 =	sadd.s32 s1, s30  }
0xba: {  	s0 =	sor.u32 s3, s0;
	s1 =	sshll.u32 s1, $0x11  }
0xbb: {  	s0 =	sor.u32 s1, s0  }
0xbc: {  	s0 =	sadd.s32 $0x8F2B, s0  }
0xbd: {  	[sflag:s0] =	ssyncadd.remote.s32 $0x1  }
0xbe: {  	_ =	sfence.sel $0xFFFF  }
0xbf: {  	[dreg:$0x0] =	wrdreg $0xFFFFFFFF;
	(pc) =	sbr.abs _section_cstart, $3  }
0xc0: {  	[dreg:$0x1] =	wrdreg $0xFFFFFFFF  }
0xc1: {  	_ =	task.clear_ibuf [dreg:s6], $0x2FFFF;
	_ =	strace $0x9FFFFFFF  }
0xc2: {  	(tm) =	ssettm $0x7FFFFFFF  }
0xc3: {  	_ =	shalt  }
tec
execute0_lowered:
.L_overlay_start_1:
0x0: {  	(tag) =	ssettag $0x1  }
0x1: {  	s0 =	rddreg [dreg:$0x0]  }
0x2: {  	s2 =	rddreg [dreg:$0x1]  }
0x3: {  	s1 =	srdreg.scid;
	s10 =	stileid.u32  }
0x4: {  	s3 =	simm.s32 $0x0;
	s30 =	simm.s32 $0x1A100;
	s31 =	simm.s32 $0x1  }
0x5: {  	s16 =	simm.s32 $0x14100;
	s1 =	sand.u32 $0x1, s1;
	s6 =	smul.u32 $0x280, s10  }
0x6: {  	[smem:$0x7FF] =	sst s3;
	s4 =	sadd.s32 $0x1000, s0;
	s8 =	smul.u32 $0x50000, s10  }
0x7: {  	s5 =	sadd.s32 $0x7C00, s0;
	s18 =	sshll.u32 s10, $0x1;
	s7 =	smul.u32 $0x2800, s1  }
0x8: {  	_ =	strace $0x80000047;
	s9 =	ssub.s32 $0x2, s1;
	s1 =	sor.u32 s1, s18  }
0x9: {  	s18 =	simm.s32 $0x0;
	s17 =	sshrl.u32 s9, $0x1;
	s7 =	sadd.s32 s6, s7  }
0xa: {  	s8 =	sshrl.u32 s8, $0x2;
	s14 =	smul.u32 $0x36, s1;
	s7 =	sshll.u32 s7, $0x4  }
0xb: {  	s1 =	simm.s32 $0x14080;
	s6 =	sadd.s32 $0xE800, s0;
	s0 =	sadd.s32 s7, s0  }
0xc: {  	s15 =	ssub.s32 s9, s17;
	s17 =	simm.s32 $0x17100;
	s19 =	sadd.s32 $0x36800, s0  }
0xd: {  	s7 =	sadd.s32 s8, s2;
	s20 =	sadd.s32 $0x36C00, s0;
	[dreg:$0x3] =	wrdreg s19  }
0xe: {  	s8 =	sadd.s32 $0x2000, s7;
	s21 =	sadd.s32 $0x37000, s0;
	[dreg:$0x4] =	wrdreg s20  }
0xf: {  	s9 =	sadd.s32 $0x4000, s7;
	s22 =	sadd.s32 $0x37400, s0;
	[dreg:$0x5] =	wrdreg s21  }
0x10: {  	s10 =	sadd.s32 $0x6000, s7;
	s23 =	sadd.s32 $0x37800, s0;
	[dreg:$0x6] =	wrdreg s22  }
0x11: {  	s11 =	sadd.s32 $0x8000, s7;
	s24 =	sadd.s32 $0x37C00, s0;
	[dreg:$0x7] =	wrdreg s23  }
0x12: {  	s12 =	sadd.s32 $0xA000, s7;
	s25 =	sadd.s32 $0x38000, s0;
	[dreg:$0x8] =	wrdreg s24  }
0x13: {  	v0 =	vlaneseq.u32;
	s13 =	sadd.s32 $0xC000, s7;
	s26 =	sadd.s32 $0x38400, s0;
	[dreg:$0x9] =	wrdreg s25  }
0x14: {  	v2 =	vmul.u32 $0x80, v0;
	s28 =	sadd.s32 $0x10000, s7;
	s29 =	sadd.s32 $0x12000, s7;
	[dreg:$0xa] =	wrdreg s26  }
0x15: {  	s23 =	sadd.s32 $0x38800, s0;
	s24 =	sadd.s32 $0x38C00, s0;
	s25 =	smax.u32 s15, $0x1  }
0x16: {  	v1 =	vimm.f32 $0.0e+00;
	[tilespmem:$0x1FFF0] =	vst v2;
	s26 =	sadd.s32 $0xE000, s7;
	s0 =	simm.s32 $0x14000;
	s15 =	simm.s32 $0x60  }
.LBB2_1:
0x17: {  	s19 =	simm.s32 $0x0;
	s20 =	simm.s32 $0x200  }
.LBB2_2:
0x18: {  	p0 =	sne.s32 s20, $0xBE00;
	[tilespmem:s19+$0x1A170] =	vst v1  }
0x19: {  	[tilespmem:s19+$0x1A100] =	vst v1  }
0x1a: {  	[tilespmem:s19+$0x1A110] =	vst v1  }
.Ltmp0:
0x1b: {  	[tilespmem:s19+$0x1A120] =	vst v1;
	(pc) =	sbr.rel @p0 .LBB2_2-.Ltmp0, $4  }
0x1c: {  	[tilespmem:s19+$0x1A130] =	vst v1  }
0x1d: {  	[tilespmem:s19+$0x1A140] =	vst v1  }
0x1e: {  	[tilespmem:s19+$0x1A150] =	vst v1  }
0x1f: {  	[tilespmem:s19+$0x1A160] =	vst v1;
	s19 =	sshra.s32 s20, $0x2;
	s20 =	sadd.s32 $0x200, s20  }
0x20: {  	[tilespmem:s19+$0x1A170] =	vst v1  }
0x21: {  	[tilespmem:s19+$0x1A100] =	vst v1  }
0x22: {  	[tilespmem:s19+$0x1A110] =	vst v1  }
0x23: {  	[tilespmem:s19+$0x1A120] =	vst v1  }
0x24: {  	[tilespmem:s19+$0x1A130] =	vst v1  }
0x25: {  	[tilespmem:s19+$0x1A140] =	vst v1  }
0x26: {  	[tilespmem:s19+$0x1A150] =	vst v1  }
0x27: {  	[tilespmem:s19+$0x1A160] =	vst v1  }
0x28: {  	[spmem:s7] =	stream.linear.scatter [tilespmem:s30], [sflag:$0x1], $0x2000, $0x38;
	[tilespmem:$0x1D100] =	vst v63  }
0x29: {  	_ =	swait.ge [sflag:s31], $0x2000  }
0x2a: {  	[sflag:s31] =	ssyncset.done $0x0  }
0x2b: {  	[sflag:s31] =	ssyncadd.s32 $0xFFFFE000  }
0x2c: {  	[spmem:s8] =	stream.linear.scatter [tilespmem:s30], [sflag:$0x1], $0x2000, $0x38;
	[tilespmem:$0x1D100] =	vst v63  }
0x2d: {  	_ =	swait.ge [sflag:s31], $0x2000  }
0x2e: {  	[sflag:s31] =	ssyncset.done $0x0  }
0x2f: {  	[sflag:s31] =	ssyncadd.s32 $0xFFFFE000  }
0x30: {  	[spmem:s9] =	stream.linear.scatter [tilespmem:s30], [sflag:$0x1], $0x2000, $0x38;
	[tilespmem:$0x1D100] =	vst v63  }
0x31: {  	_ =	swait.ge [sflag:s31], $0x2000  }
0x32: {  	[sflag:s31] =	ssyncset.done $0x0  }
0x33: {  	[sflag:s31] =	ssyncadd.s32 $0xFFFFE000  }
0x34: {  	[spmem:s10] =	stream.linear.scatter [tilespmem:s30], [sflag:$0x1], $0x2000, $0x38;
	[tilespmem:$0x1D100] =	vst v63  }
0x35: {  	_ =	swait.ge [sflag:s31], $0x2000  }
0x36: {  	[sflag:s31] =	ssyncset.done $0x0  }
0x37: {  	[sflag:s31] =	ssyncadd.s32 $0xFFFFE000  }
0x38: {  	[spmem:s11] =	stream.linear.scatter [tilespmem:s30], [sflag:$0x1], $0x2000, $0x38;
	[tilespmem:$0x1D100] =	vst v63  }
0x39: {  	_ =	swait.ge [sflag:s31], $0x2000  }
0x3a: {  	[sflag:s31] =	ssyncset.done $0x0  }
0x3b: {  	[sflag:s31] =	ssyncadd.s32 $0xFFFFE000  }
0x3c: {  	[spmem:s12] =	stream.linear.scatter [tilespmem:s30], [sflag:$0x1], $0x2000, $0x38;
	[tilespmem:$0x1D100] =	vst v63  }
0x3d: {  	_ =	swait.ge [sflag:s31], $0x2000  }
0x3e: {  	[sflag:s31] =	ssyncset.done $0x0  }
0x3f: {  	[sflag:s31] =	ssyncadd.s32 $0xFFFFE000  }
0x40: {  	[spmem:s13] =	stream.linear.scatter [tilespmem:s30], [sflag:$0x1], $0x2000, $0x38;
	[tilespmem:$0x1D100] =	vst v63  }
0x41: {  	_ =	swait.ge [sflag:s31], $0x2000  }
0x42: {  	[sflag:s31] =	ssyncset.done $0x0  }
0x43: {  	[sflag:s31] =	ssyncadd.s32 $0xFFFFE000  }
0x44: {  	[spmem:s26] =	stream.linear.scatter [tilespmem:s30], [sflag:$0x1], $0x2000, $0x38;
	[tilespmem:$0x1D100] =	vst v63  }
0x45: {  	_ =	swait.ge [sflag:s31], $0x2000  }
0x46: {  	[sflag:s31] =	ssyncset.done $0x0  }
0x47: {  	[sflag:s31] =	ssyncadd.s32 $0xFFFFE000  }
0x48: {  	[spmem:s28] =	stream.linear.scatter [tilespmem:s30], [sflag:$0x1], $0x2000, $0x38;
	[tilespmem:$0x1D100] =	vst v63  }
0x49: {  	_ =	swait.ge [sflag:s31], $0x2000  }
0x4a: {  	[sflag:s31] =	ssyncset.done $0x0  }
0x4b: {  	[sflag:s31] =	ssyncadd.s32 $0xFFFFE000  }
0x4c: {  	[spmem:s29] =	stream.linear.scatter [tilespmem:s30], [sflag:$0x1], $0x2000, $0x38;
	[tilespmem:$0x1D100] =	vst v63  }
0x4d: {  	_ =	swait.ge [sflag:s31], $0x2000  }
0x4e: {  	[sflag:s31] =	ssyncset.done $0x0  }
0x4f: {  	[sflag:s31] =	ssyncadd.s32 $0xFFFFE000  }
0x50: {  	s19 =	simm.s32 $0x0;
	s20 =	simm.s32 $0x0;
	[bflag:$0x0] =	sbarrier.arrive $0xFFFF  }
.LBB2_4:
0x51: {  	s21 =	sadd.s32 s14, s20  }
0x52: {  	s21 =	sshll.u32 s21, $0x4  }
0x53: {  	s22 =	sadd.s32 s4, s21  }
0x54: {  	[tilespmem:s0], [sflag:$0x1] =	stream.linear.gather [hbm4b:s22+s19], $0x80, $0x38;
	[tilespmem:$0x1D100] =	vst v63  }
0x55: {  	_ =	swait.ge [sflag:s31], $0x80  }
0x56: {  	[sflag:s31] =	ssyncset.done $0x0  }
0x57: {  	s21 =	sadd.s32 s5, s21;
	[sflag:s31] =	ssyncadd.s32 $0xFFFFFF80  }
0x58: {  	[tilespmem:s1], [sflag:$0x1] =	stream.linear.gather [hbm4b:s21+s19], $0x80, $0x38;
	[tilespmem:$0x1D100] =	vst v63  }
0x59: {  	_ =	swait.ge [sflag:s31], $0x80  }
0x5a: {  	[sflag:s31] =	ssyncset.done $0x0  }
0x5b: {  	[sflag:s31] =	ssyncadd.s32 $0xFFFFFF80  }
0x5c: {  	[tilespmem:s16], [sflag:$0x1] =	stream.indirect.gather [hbm4b:s6+s15], $0x80, s1, s15, $0xb8;
	[tilespmem:$0x1D100] =	vst v63  }
0x5d: {  	_ =	swait.ge [sflag:s31], $0x3000  }
0x5e: {  	[sflag:s31] =	ssyncset.done $0x0  }
0x5f: {  	[sflag:s31] =	ssyncadd.s32 $0xFFFFD000  }
0x60: {  	[tilespmem:s17], [sflag:$0x1] =	stream.indirect.gather [hbm4b:s6+s15], $0x80, s0, s15, $0xb8;
	[tilespmem:$0x1D100] =	vst v63  }
0x61: {  	_ =	swait.ge [sflag:s31], $0x3000  }
0x62: {  	[sflag:s31] =	ssyncset.done $0x0  }
0x63: {  	s21 =	simm.s32 $0x0;
	[sflag:s31] =	ssyncadd.s32 $0xFFFFD000  }
.LBB2_5:
0x64: {  	v1 =	vld [tilespmem:$0x1FFF0];
	_ =	sdelay $0x2  }
0x65: {  	v0 =	vmov s21  }
0x66: {  	v0 =	vshll.u32 v0, $0x7  }
0x67: {  	v2 =	vor.u32 v1, v0  }
0x68: {  	v0 =	vor.u32 $0x42, v2  }
0x69: {  	v3 =	vor.u32 $0x10, v2  }
0x6a: {  	v4 =	vor.u32 $0x20, v2  }
0x6b: {  	v5 =	vor.u32 $0x30, v2  }
0x6c: {  	v7 =	vor.u32 $0x43, v2;
	v1 =	vld.idx.msk [tilespmem:v2+s16+$0x0], $0xffff  }
0x6d: {  	v11 =	vor.u32 $0x1, v2;
	[tilespmem:$0x1FEE0] =	vst v0;
	v0 =	vld.idx.msk [tilespmem:v0+s17+$0x0], $0xffff  }
0x6e: {  	v8 =	vor.u32 $0x11, v2;
	[tilespmem:$0x1FF70] =	vst v3;
	v3 =	vld.idx.msk [tilespmem:v3+s16+$0x0], $0xffff  }
0x6f: {  	v9 =	vor.u32 $0x21, v2;
	[tilespmem:$0x1FF10] =	vst v4;
	v4 =	vld.idx.msk [tilespmem:v4+s16+$0x0], $0xffff  }
0x70: {  	v10 =	vor.u32 $0x31, v2;
	[tilespmem:$0x1FED0] =	vst v5;
	v5 =	vld.idx.msk [tilespmem:v5+s16+$0x0], $0xffff  }
0x71: {  	v12 =	vor.u32 $0x44, v2;
	v6 =	vld.idx.msk [tilespmem:v7+s17+$0x0], $0xffff  }
0x72: {  	v13 =	vor.u32 $0x2, v2;
	v49 =	vld.idx.msk [tilespmem:v11+s16+$0x0], $0xffff  }
0x73: {  	v16 =	vor.u32 $0x12, v2;
	[tilespmem:$0x1FFB0] =	vst v8;
	v8 =	vld.idx.msk [tilespmem:v8+s16+$0x0], $0xffff  }
0x74: {  	v14 =	vor.u32 $0x22, v2;
	[tilespmem:$0x1FF40] =	vst v9;
	v9 =	vld.idx.msk [tilespmem:v9+s16+$0x0], $0xffff  }
0x75: {  	v15 =	vor.u32 $0x32, v2;
	[tilespmem:$0x1FEF0] =	vst v10;
	v10 =	vld.idx.msk [tilespmem:v10+s16+$0x0], $0xffff  }
0x76: {  	v17 =	vor.u32 $0x45, v2;
	v50 =	vld.idx.msk [tilespmem:v12+s17+$0x0], $0xffff  }
0x77: {  	v18 =	vor.u32 $0x3, v2;
	v51 =	vld.idx.msk [tilespmem:v13+s16+$0x0], $0xffff  }
0x78: {  	v23 =	vor.u32 $0x13, v2;
	v52 =	vld.idx.msk [tilespmem:v16+s16+$0x0], $0xffff  }
0x79: {  	v19 =	vor.u32 $0x23, v2;
	[tilespmem:$0x1FF80] =	vst v14;
	v14 =	vld.idx.msk [tilespmem:v14+s16+$0x0], $0xffff  }
0x7a: {  	v21 =	vor.u32 $0x33, v2;
	[tilespmem:$0x1FF20] =	vst v15;
	v15 =	vld.idx.msk [tilespmem:v15+s16+$0x0], $0xffff  }
0x7b: {  	v22 =	vor.u32 $0x4, v2;
	v53 =	vld.idx.msk [tilespmem:v17+s17+$0x0], $0xffff  }
0x7c: {  	v56 =	vor.u32 $0x14, v2;
	v54 =	vld.idx.msk [tilespmem:v18+s16+$0x0], $0xffff  }
0x7d: {  	v57 =	vor.u32 $0x34, v2;
	v55 =	vld.idx.msk [tilespmem:v23+s16+$0x0], $0xffff  }
0x7e: {  	v58 =	vor.u32 $0x47, v2;
	v34 =	vld.idx.msk [tilespmem:v19+s16+$0x0], $0xffff  }
0x7f: {  	v62 =	vor.u32 $0x25, v2;
	v37 =	vld.idx.msk [tilespmem:v21+s16+$0x0], $0xffff  }
0x80: {  	v35 =	vor.u32 $0x40, v2;
	v38 =	vld.idx.msk [tilespmem:v22+s16+$0x0], $0xffff  }
0x81: {  	v20 =	vor.u32 $0x46, v2;
	v24 =	vor.u32 $0x24, v2;
	[tilespmem:$0x1FF00] =	vst v7;
	v39 =	vld.idx.msk [tilespmem:v56+s16+$0x0], $0xffff  }
0x82: {  	v59 =	vor.u32 $0x5, v2;
	v60 =	vor.u32 $0x15, v2;
	v36 =	vor.u32 $0x41, v2;
	[tilespmem:$0x1FE10] =	vst v11;
	v63 =	vld.idx.msk [tilespmem:v57+s16+$0x0], $0xffff  }
0x83: {  	v28 =	vor.u32 $0x35, v2;
	v43 =	vor.u32 $0x48, v2;
	v41 =	vor.u32 $0x4D, v2;
	[tilespmem:$0x1FE40] =	vst v13;
	v13 =	vld.idx.msk [tilespmem:v58+s17+$0x0], $0xffff  }
0x84: {  	v42 =	vor.u32 $0x6, v2;
	v45 =	vor.u32 $0x36, v2;
	v44 =	vor.u32 $0x50, v2;
	[tilespmem:$0x1FF30] =	vst v12;
	v27 =	vld.idx.msk [tilespmem:v62+s16+$0x0], $0xffff  }
0x85: {  	v46 =	vor.u32 $0x51, v2;
	[tilespmem:$0x1FE20] =	vst v23;
	v31 =	vld.idx.msk [tilespmem:v35+s16+$0x0], $0xffff;
	v1 =	vmul.f32 v1, v0;
	v3 =	vmul.f32 v3, v0  }
0x86: {  	v40 =	vor.u32 $0x17, v2;
	[tilespmem:$0x1FFC0] =	vst v19;
	v48 =	vld.idx.msk [tilespmem:v35+s17+$0x0], $0xffff;
	v4 =	vmul.f32 v4, v0;
	v0 =	vmul.f32 v5, v0  }
0x87: {  	v47 =	vor.u32 $0x27, v2;
	[tilespmem:$0x1FF90] =	vst v57;
	v57 =	vld.idx.msk [tilespmem:v36+s17+$0x0], $0xffff;
	v7 =	vmul.f32 v49, v6;
	v61 =	vmul.f32 v8, v6  }
0x88: {  	[tilespmem:$0x1FE30] =	vst v62;
	v62 =	vor.u32 $0x7, v2;
	v19 =	vld.idx.msk [tilespmem:v41+s17+$0x0], $0xffff;
	v9 =	vmul.f32 v9, v6;
	v6 =	vmul.f32 v10, v6  }
0x89: {  	[tilespmem:$0x1FE00] =	vst v24;
	v23 =	vor.u32 $0x4C, v2;
	v8 =	vld.idx.msk [tilespmem:v24+s16+$0x0], $0xffff;
	v24 =	vmul.f32 v51, v50;
	v25 =	vmul.f32 v52, v50  }
0x8a: {  	[tilespmem:$0x1FE80] =	vst v22;
	v22 =	vld.idx.msk [tilespmem:v44+s17+$0x0], $0xffff;
	v41 =	vor.u32 $0xA, v2;
	v26 =	vmul.f32 v14, v50;
	v11 =	vmul.f32 v15, v50  }
0x8b: {  	[tilespmem:$0x1FE60] =	vst v18;
	v44 =	vor.u32 $0xB, v2;
	v5 =	vld.idx.msk [tilespmem:v20+s17+$0x0], $0xffff;
	v29 =	vmul.f32 v54, v53;
	v30 =	vmul.f32 v55, v53  }
0x8c: {  	[tilespmem:$0x1FE50] =	vst v56;
	v49 =	vor.u32 $0x16, v2;
	v50 =	vld.idx.msk [tilespmem:v36+s16+$0x0], $0xffff;
	v55 =	vmul.f32 v34, v53;
	v56 =	vmul.f32 v37, v53  }
0x8d: {  	[tilespmem:$0x1FFE0] =	vst v58;
	v37 =	vor.u32 $0x26, v2;
	v14 =	vld.idx.msk [tilespmem:v43+s17+$0x0], $0xffff;
	v52 =	vor.u32 $0x49, v2;
	v1 =	vadd.f32 $0.0e+00, v1  }
0x8e: {  	[tilespmem:$0x1FEA0] =	vst v59;
	v34 =	vld.idx.msk [tilespmem:v62+s16+$0x0], $0xffff;
	v12 =	vmul.f32 v27, v13;
	v3 =	vadd.f32 $0.0e+00, v3;
	v4 =	vadd.f32 $0.0e+00, v4  }
0x8f: {  	[tilespmem:$0x1FE70] =	vst v60;
	v18 =	vld.idx.msk [tilespmem:v23+s17+$0x0], $0xffff;
	v53 =	vor.u32 $0x28, v2;
	v0 =	vadd.f32 $0.0e+00, v0;
	v1 =	vadd.f32 v7, v1  }
0x90: {  	[tilespmem:$0x1FEC0] =	vst v62;
	v62 =	vor.u32 $0x2B, v2;
	v3 =	vadd.f32 v61, v3;
	v4 =	vadd.f32 v9, v4;
	v7 =	vld.idx.msk [tilespmem:v60+s16+$0x0], $0xffff  }
0x91: {  	[tilespmem:$0x1FFD0] =	vst v28;
	v0 =	vadd.f32 v6, v0;
	v60 =	vld.idx.msk [tilespmem:v28+s16+$0x0], $0xffff;
	v9 =	vsub.f32 v31, v48;
	v31 =	vor.u32 $0x4E, v2  }
0x92: {  	[tilespmem:$0x1FEB0] =	vst v42;
	v61 =	vld.idx.msk [tilespmem:v42+s16+$0x0], $0xffff;
	v42 =	vor.u32 $0x4F, v2;
	v28 =	vor.u32 $0x4A, v2;
	v58 =	vmul.f32 v38, v5  }
0x93: {  	v6 =	vld.idx.msk [tilespmem:v59+s16+$0x0], $0xffff;
	v59 =	vmul.f32 v39, v5;
	v8 =	vmul.f32 v8, v5;
	v1 =	vadd.f32 v24, v1  }
0x94: {  	v23 =	vld.idx.msk [tilespmem:v46+s17+$0x0], $0xffff;
	v5 =	vmul.f32 v63, v5;
	v3 =	vadd.f32 v25, v3;
	v4 =	vadd.f32 v26, v4  }
0x95: {  	v63 =	vld.idx.msk [tilespmem:v49+s16+$0x0], $0xffff;
	v38 =	vor.u32 $0x8, v2;
	v0 =	vadd.f32 v11, v0;
	v11 =	vsub.f32 v50, v57  }
0x96: {  	[tilespmem:$0x1FF60] =	vst v17;
	v17 =	vld.idx.msk [tilespmem:v52+s17+$0x0], $0xffff;
	v32 =	vmul.f32 v9, v9;
	v50 =	vor.u32 $0x1A, v2;
	v1 =	vadd.f32 v29, v1  }
0x97: {  	v24 =	vld.idx.msk [tilespmem:v37+s16+$0x0], $0xffff;
	v3 =	vadd.f32 v30, v3;
	v4 =	vadd.f32 v55, v4;
	v33 =	vmul.f32 v11, v11  }
0x98: {  	v26 =	vld.idx.msk [tilespmem:v45+s16+$0x0], $0xffff;
	v0 =	vadd.f32 v56, v0;
	v6 =	vmul.f32 v6, v13;
	v7 =	vmul.f32 v7, v13  }
0x99: {  	v29 =	vld.idx.msk [tilespmem:v41+s16+$0x0], $0xffff;
	v54 =	vmul.f32 v60, v13;
	v55 =	vmul.f32 v61, v14;
	v9 =	vadd.f32 v33, v32  }
0x9a: {  	[tilespmem:$0x1FF50] =	vst v21;
	v21 =	vld.idx.msk [tilespmem:v42+s17+$0x0], $0xffff;
	v42 =	vor.u32 $0x18, v2;
	v1 =	vadd.f32 v58, v1;
	v3 =	vadd.f32 v59, v3  }
0x9b: {  	[tilespmem:$0x1FFA0] =	vst v20;
	v20 =	vld.idx.msk [tilespmem:v31+s17+$0x0], $0xffff;
	v31 =	vor.u32 $0x39, v2;
	v4 =	vadd.f32 v8, v4;
	v51 =	vadd.f32 $9.999999960e-13, v9  }
0x9c: {  	v25 =	vadd.f32 v5, v0;
	v58 =	vor.u32 $0x37, v2;
	v10 =	vmul.f32 v63, v14;
	v59 =	vld.idx.msk [tilespmem:v40+s16+$0x0], $0xffff  }
0x9d: {  	[tilespmem:$0x1FE90] =	vst v49;
	v48 =	vadd.f32 v6, v1;
	v1 =	vld.idx.msk [tilespmem:v47+s16+$0x0], $0xffff;
	v57 =	vshra.s32 v51, $0x1;
	v49 =	vmul.f32 $5.000000000e-01, v51  }
0x9e: {  	v63 =	vor.u32 $0x38, v2;
	v8 =	vadd.f32 v54, v25;
	v25 =	vld.idx.msk [tilespmem:v38+s16+$0x0], $0xffff;
	v15 =	vsub.s32 $0x5F3759DF, v57  }
0x9f: {  	v39 =	vmul.f32 v24, v14;
	v12 =	vadd.f32 v12, v4;
	v54 =	vld.idx.msk [tilespmem:v53+s16+$0x0], $0xffff;
	v0 =	vmul.f32 v15, v49  }
0xa0: {  	v24 =	vor.u32 $0x4B, v2;
	v7 =	vadd.f32 v7, v3;
	v6 =	vld.idx.msk [tilespmem:v44+s16+$0x0], $0xffff;
	v13 =	vadd.f32 v55, v48  }
0xa1: {  	v55 =	vld.idx.msk [tilespmem:v28+s17+$0x0], $0xffff;
	v12 =	vadd.f32 v39, v12;
	v39 =	vor.u32 $0x9, v2;
	v3 =	vmul.f32 v15, v0  }
0xa2: {  	v60 =	vor.u32 $0x2A, v2;
	v14 =	vmul.f32 v26, v14;
	v26 =	vld.idx.msk [tilespmem:v42+s16+$0x0], $0xffff;
	v48 =	vor.u32 $0x19, v2  }
0xa3: {  	v11 =	vmul.f32 v34, v17;
	v32 =	vor.u32 $0x2C, v2;
	v4 =	vld.idx.msk [tilespmem:v58+s16+$0x0], $0xffff;
	v5 =	vsub.f32 $1.500000000e+00, v3  }
0xa4: {  	v7 =	vadd.f32 v10, v7;
	v27 =	vmul.f32 v59, v17;
	v57 =	vor.u32 $0x29, v2;
	v46 =	vld.idx.msk [tilespmem:v63+s16+$0x0], $0xffff  }
0xa5: {  	v8 =	vadd.f32 v14, v8;
	v11 =	vadd.f32 v11, v13;
	v59 =	vld.idx.msk [tilespmem:v24+s17+$0x0], $0xffff;
	v15 =	vmul.f32 v15, v5  }
0xa6: {  	v10 =	vmul.f32 v1, v17;
	v7 =	vadd.f32 v27, v7;
	v6 =	vmul.f32 v6, v19;
	v34 =	vld.idx.msk [tilespmem:v39+s16+$0x0], $0xffff  }
0xa7: {  	[tilespmem:$0x1FDF0] =	vst v16;
	v27 =	vor.u32 $0x3A, v2;
	v9 =	vmul.f32 v25, v55;
	v56 =	vld.idx.msk [tilespmem:v48+s16+$0x0], $0xffff;
	v33 =	vmul.f32 v15, v49  }
0xa8: {  	v10 =	vadd.f32 v10, v12;
	v13 =	vmul.f32 v26, v55;
	v54 =	vmul.f32 v54, v55;
	v26 =	vld.idx.msk [tilespmem:v31+s16+$0x0], $0xffff  }
0xa9: {  	v17 =	vmul.f32 v4, v17;
	v61 =	vld.idx.msk [tilespmem:v57+s16+$0x0], $0xffff;
	v11 =	vadd.f32 v9, v11;
	v16 =	vmul.f32 v33, v15  }
0xaa: {  	v46 =	vmul.f32 v46, v55;
	v55 =	vld.idx.msk [tilespmem:v50+s16+$0x0], $0xffff;
	v7 =	vadd.f32 v13, v7;
	v13 =	vadd.f32 v54, v10  }
0xab: {  	v3 =	vld.idx.msk [tilespmem:v60+s16+$0x0], $0xffff;
	v54 =	vor.u32 $0x1B, v2;
	v10 =	vmul.f32 v29, v18;
	v25 =	vsub.f32 $1.500000000e+00, v16  }
0xac: {  	v29 =	vor.u32 $0x2D, v2;
	v8 =	vadd.f32 v17, v8;
	v30 =	vmul.f32 v34, v59  }
0xad: {  	v56 =	vmul.f32 v56, v59;
	v34 =	vor.u32 $0x3B, v2;
	v15 =	vmul.f32 v25, v15  }
0xae: {  	v1 =	vld.idx.msk [tilespmem:v27+s16+$0x0], $0xffff;
	v8 =	vadd.f32 v46, v8;
	v46 =	vor.u32 $0xC, v2;
	v0 =	vmul.f32 v26, v59  }
0xaf: {  	v61 =	vmul.f32 v61, v59;
	v11 =	vadd.f32 v30, v11;
	v30 =	vld.idx.msk [tilespmem:v62+s16+$0x0], $0xffff;
	v49 =	vmul.f32 v15, v49  }
0xb0: {  	v59 =	vor.u32 $0x1D, v2;
	v55 =	vmul.f32 v55, v18;
	v3 =	vmul.f32 v3, v18  }
0xb1: {  	v7 =	vadd.f32 v56, v7;
	v12 =	vld.idx.msk [tilespmem:v54+s16+$0x0], $0xffff;
	v25 =	vor.u32 $0x3C, v2;
	v49 =	vmul.f32 v49, v15  }
0xb2: {  	v56 =	vor.u32 $0x1C, v2;
	v0 =	vadd.f32 v0, v8;
	v13 =	vadd.f32 v61, v13;
	v16 =	vld.idx.msk [tilespmem:v34+s16+$0x0], $0xffff  }
0xb3: {  	v18 =	vmul.f32 v1, v18;
	v11 =	vadd.f32 v10, v11;
	v10 =	vld.idx.msk [tilespmem:v32+s16+$0x0], $0xffff;
	v14 =	vsub.f32 $1.500000000e+00, v49  }
0xb4: {  	v17 =	vld.idx.msk [tilespmem:v46+s16+$0x0], $0xffff;
	v4 =	vadd.f32 v3, v13;
	v13 =	vor.u32 $0x3E, v2;
	v30 =	vmul.f32 v30, v19  }
0xb5: {  	v5 =	vadd.f32 v18, v0;
	v9 =	vld.idx.msk [tilespmem:v59+s16+$0x0], $0xffff;
	v49 =	vor.u32 $0xD, v2;
	v61 =	vmul.f32 v14, v15  }
0xb6: {  	v1 =	vmul.f32 v12, v19;
	v4 =	vadd.f32 v30, v4;
	v8 =	vld.idx.msk [tilespmem:v25+s16+$0x0], $0xffff;
	v15 =	vor.u32 $0x3D, v2  }
0xb7: {  	v30 =	vor.u32 $0x1F, v2;
	v19 =	vmul.f32 v16, v19;
	v14 =	vld.idx.msk [tilespmem:v56+s16+$0x0], $0xffff;
	v26 =	vmul.f32 v61, v51  }
0xb8: {  	v55 =	vadd.f32 v55, v7;
	v7 =	vld.idx.msk [tilespmem:v29+s16+$0x0], $0xffff;
	v51 =	vor.u32 $0xE, v2  }
0xb9: {  	v5 =	vadd.f32 v19, v5;
	v19 =	vld.idx.msk [tilespmem:v13+s16+$0x0], $0xffff;
	v61 =	vor.u32 $0x1E, v2;
	v33 =	vsub.f32 $0.0e+00, v26  }
0xba: {  	v10 =	vmul.f32 v10, v20;
	v17 =	vmul.f32 v17, v20;
	v18 =	vld.idx.msk [tilespmem:v49+s16+$0x0], $0xffff;
	v26 =	vor.u32 $0x2E, v2  }
0xbb: {  	v8 =	vmul.f32 v8, v20;
	v12 =	vld.idx.msk [tilespmem:v15+s16+$0x0], $0xffff;
	v0 =	vmul.f32 $1.442695020e+00, v33;
	v33 =	vor.u32 $0xF, v2  }
0xbc: {  	v16 =	vor.u32 $0x2F, v2;
	v14 =	vmul.f32 v14, v20;
	v20 =	vmul.f32 v9, v21;
	v9 =	vld.idx.msk [tilespmem:v30+s16+$0x0], $0xffff  }
0xbd: {  	v6 =	vadd.f32 v6, v11;
	v55 =	vadd.f32 v1, v55;
	v11 =	vld.idx.msk [tilespmem:v51+s16+$0x0], $0xffff;
	(erf) = vpow2.f32 v0  }
0xbe: {  	v3 =	vor.u32 $0x3F, v2;
	v0 =	vld.idx.msk [tilespmem:v61+s16+$0x0], $0xffff  }
0xbf: {  	v6 =	vadd.f32 v17, v6;
	v14 =	vadd.f32 v14, v55;
	v55 =	vmul.f32 v18, v21;
	v1 =	vld.idx.msk [tilespmem:v26+s16+$0x0], $0xffff  }
0xc0: {  	v7 =	vmul.f32 v7, v21;
	v18 =	vld.idx.msk [tilespmem:v33+s16+$0x0], $0xffff  }
0xc1: {  	v4 =	vadd.f32 v10, v4;
	v6 =	vadd.f32 v55, v6;
	v55 =	vmul.f32 v12, v21;
	v12 =	vld.idx.msk [tilespmem:v16+s16+$0x0], $0xffff  }
0xc2: {  	v5 =	vadd.f32 v8, v5  }
0xc3: {  	v17 =	vld.idx.msk [tilespmem:v3+s16+$0x0], $0xffff;
	v4 =	vadd.f32 v7, v4;
	v8 =	vadd.f32 v20, v14;
	v11 =	vmul.f32 v11, v22  }
0xc4: {  	v21 =	vmul.f32 v19, v22;
	v5 =	vadd.f32 v55, v5;
	v0 =	vmul.f32 v0, v22  }
0xc5: {  	v1 =	vmul.f32 v1, v22;
	v6 =	vadd.f32 v11, v6;
	v20 =	vmul.f32 v18, v23  }
0xc6: {  	v22 =	vmul.f32 v9, v23;
	v0 =	vadd.f32 v0, v8;
	v12 =	vmul.f32 v12, v23;
	v55 =	vpop (erf)  }
0xc7: {  	v1 =	vadd.f32 v1, v4;
	v6 =	vadd.f32 v20, v6;
	v9 =	vmul.f32 $1.767766920e-01, v55  }
0xc8: {  	v14 =	vmul.f32 v17, v23;
	v4 =	vadd.f32 v21, v5;
	v0 =	vadd.f32 v22, v0  }
0xc9: {  	v1 =	vadd.f32 v12, v1;
	v6 =	vmul.f32 v9, v6  }
0xca: {  	v4 =	vadd.f32 v14, v4;
	v0 =	vmul.f32 v9, v0  }
0xcb: {  	v1 =	vmul.f32 v9, v1;
	v17 =	vmul.f32 $1.442695020e+00, v6  }
0xcc: {  	v4 =	vmul.f32 v9, v4;
	v0 =	vmul.f32 $1.442695020e+00, v0  }
0xcd: {  	v1 =	vmul.f32 $1.442695020e+00, v1;
	(erf) = vpow2.f32 v17  }
0xce: {  	v18 =	vmul.f32 $1.442695020e+00, v4;
	(erf) = vpow2.f32 v0  }
0xcf: {  	(erf) = vpow2.f32 v1  }
0xd0: {  	(erf) = vpow2.f32 v18;
	_ =	sdelay $0x5  }
0xd1: {  	v19 =	vor.u32 $0x52, v2;
	v0 =	vpop (erf)  }
0xd2: {  	[tilespmem:v43+s30+$0x0] =	vst.idx.msk $0xffff, v0;
	v43 =	vpop (erf)  }
0xd3: {  	[tilespmem:v52+s30+$0x0] =	vst.idx.msk $0xffff, v43;
	v52 =	vpop (erf)  }
0xd4: {  	[tilespmem:v28+s30+$0x0] =	vst.idx.msk $0xffff, v52;
	v6 =	vpop (erf)  }
0xd5: {  	[tilespmem:v24+s30+$0x0] =	vst.idx.msk $0xffff, v6;
	v24 =	vld [tilespmem:$0x1FDF0]  }
0xd6: {  	v1 =	vld.idx.msk [tilespmem:v19+s17+$0x0], $0xffff  }
0xd7: {  	v28 =	vld [tilespmem:$0x1FE00];
	_ =	sdelay $0x3  }
0xd8: {  	v20 =	vmul.f32 v0, v1  }
0xd9: {  	v22 =	vor.u32 $0x53, v2;
	v21 =	vmul.f32 v43, v1  }
0xda: {  	v23 =	vmul.f32 v52, v1;
	[tilespmem:v2+s30+$0x0] =	vst.idx.msk $0xffff, v20  }
0xdb: {  	v1 =	vmul.f32 v6, v1;
	[tilespmem:v24+s30+$0x0] =	vst.idx.msk $0xffff, v21  }
0xdc: {  	v14 =	vld [tilespmem:$0x1FE10];
	[tilespmem:v28+s30+$0x0] =	vst.idx.msk $0xffff, v23  }
0xdd: {  	v18 =	vld [tilespmem:$0x1FE20];
	[tilespmem:v45+s30+$0x0] =	vst.idx.msk $0xffff, v1  }
0xde: {  	v1 =	vld.idx.msk [tilespmem:v22+s17+$0x0], $0xffff  }
0xdf: {  	v19 =	vld [tilespmem:$0x1FE30];
	_ =	sdelay $0x3  }
0xe0: {  	v45 =	vmul.f32 v0, v1  }
0xe1: {  	v12 =	vor.u32 $0x54, v2;
	v55 =	vmul.f32 v43, v1  }
0xe2: {  	v17 =	vmul.f32 v52, v1;
	[tilespmem:v14+s30+$0x0] =	vst.idx.msk $0xffff, v45  }
0xe3: {  	v1 =	vmul.f32 v6, v1;
	[tilespmem:v18+s30+$0x0] =	vst.idx.msk $0xffff, v55  }
0xe4: {  	v23 =	vld [tilespmem:$0x1FE40];
	[tilespmem:v19+s30+$0x0] =	vst.idx.msk $0xffff, v17  }
0xe5: {  	v28 =	vld [tilespmem:$0x1FE50];
	[tilespmem:v58+s30+$0x0] =	vst.idx.msk $0xffff, v1  }
0xe6: {  	v1 =	vld.idx.msk [tilespmem:v12+s17+$0x0], $0xffff;
	_ =	sdelay $0x4  }
0xe7: {  	v20 =	vmul.f32 v0, v1  }
0xe8: {  	v22 =	vor.u32 $0x55, v2;
	v21 =	vmul.f32 v43, v1  }
0xe9: {  	v24 =	vmul.f32 v52, v1;
	[tilespmem:v23+s30+$0x0] =	vst.idx.msk $0xffff, v20  }
0xea: {  	v1 =	vmul.f32 v6, v1;
	[tilespmem:v28+s30+$0x0] =	vst.idx.msk $0xffff, v21  }
0xeb: {  	v58 =	vld [tilespmem:$0x1FE60];
	[tilespmem:v37+s30+$0x0] =	vst.idx.msk $0xffff, v24  }
0xec: {  	v12 =	vld [tilespmem:$0x1FE70];
	[tilespmem:v63+s30+$0x0] =	vst.idx.msk $0xffff, v1  }
0xed: {  	v1 =	vld.idx.msk [tilespmem:v22+s17+$0x0], $0xffff;
	_ =	sdelay $0x4  }
0xee: {  	v37 =	vmul.f32 v0, v1  }
0xef: {  	v55 =	vor.u32 $0x56, v2;
	v45 =	vmul.f32 v43, v1  }
0xf0: {  	v63 =	vmul.f32 v52, v1;
	[tilespmem:v58+s30+$0x0] =	vst.idx.msk $0xffff, v37  }
0xf1: {  	v1 =	vmul.f32 v6, v1;
	[tilespmem:v12+s30+$0x0] =	vst.idx.msk $0xffff, v45  }
0xf2: {  	v19 =	vld [tilespmem:$0x1FE80];
	[tilespmem:v47+s30+$0x0] =	vst.idx.msk $0xffff, v63  }
0xf3: {  	v21 =	vld [tilespmem:$0x1FE90];
	[tilespmem:v31+s30+$0x0] =	vst.idx.msk $0xffff, v1  }
0xf4: {  	v1 =	vld.idx.msk [tilespmem:v55+s17+$0x0], $0xffff;
	_ =	sdelay $0x4  }
0xf5: {  	v14 =	vmul.f32 v0, v1  }
0xf6: {  	v18 =	vor.u32 $0x57, v2;
	v17 =	vmul.f32 v43, v1  }
0xf7: {  	v20 =	vmul.f32 v52, v1;
	[tilespmem:v19+s30+$0x0] =	vst.idx.msk $0xffff, v14  }
0xf8: {  	v1 =	vmul.f32 v6, v1;
	[tilespmem:v21+s30+$0x0] =	vst.idx.msk $0xffff, v17  }
0xf9: {  	[tilespmem:v53+s30+$0x0] =	vst.idx.msk $0xffff, v20  }
0xfa: {  	[tilespmem:v27+s30+$0x0] =	vst.idx.msk $0xffff, v1;
	v27 =	vld [tilespmem:$0x1FEA0]  }
0xfb: {  	v1 =	vld.idx.msk [tilespmem:v18+s17+$0x0], $0xffff;
	_ =	sdelay $0x4  }
0xfc: {  	v22 =	vmul.f32 v1, v0  }
0xfd: {  	v24 =	vor.u32 $0x58, v2;
	v23 =	vmul.f32 v1, v43  }
0xfe: {  	v28 =	vmul.f32 v1, v52;
	[tilespmem:v27+s30+$0x0] =	vst.idx.msk $0xffff, v22  }
0xff: {  	v1 =	vmul.f32 v1, v6;
	[tilespmem:v40+s30+$0x0] =	vst.idx.msk $0xffff, v23  }
0x100: {  	[tilespmem:v57+s30+$0x0] =	vst.idx.msk $0xffff, v28  }
0x101: {  	v40 =	vld [tilespmem:$0x1FEB0];
	[tilespmem:v34+s30+$0x0] =	vst.idx.msk $0xffff, v1  }
0x102: {  	v1 =	vld.idx.msk [tilespmem:v24+s17+$0x0], $0xffff;
	_ =	sdelay $0x4  }
0x103: {  	v31 =	vmul.f32 v1, v0  }
0x104: {  	v37 =	vor.u32 $0x59, v2;
	v34 =	vmul.f32 v1, v43  }
0x105: {  	v45 =	vmul.f32 v1, v52;
	[tilespmem:v40+s30+$0x0] =	vst.idx.msk $0xffff, v31  }
0x106: {  	v1 =	vmul.f32 v1, v6;
	[tilespmem:v42+s30+$0x0] =	vst.idx.msk $0xffff, v34  }
0x107: {  	[tilespmem:v60+s30+$0x0] =	vst.idx.msk $0xffff, v45  }
0x108: {  	v57 =	vld [tilespmem:$0x1FEC0];
	[tilespmem:v25+s30+$0x0] =	vst.idx.msk $0xffff, v1  }
0x109: {  	v1 =	vld.idx.msk [tilespmem:v37+s17+$0x0], $0xffff;
	_ =	sdelay $0x4  }
0x10a: {  	v47 =	vmul.f32 v1, v0  }
0x10b: {  	v55 =	vor.u32 $0x5A, v2;
	v53 =	vmul.f32 v1, v43  }
0x10c: {  	v58 =	vmul.f32 v1, v52;
	[tilespmem:v57+s30+$0x0] =	vst.idx.msk $0xffff, v47  }
0x10d: {  	v1 =	vmul.f32 v1, v6;
	[tilespmem:v48+s30+$0x0] =	vst.idx.msk $0xffff, v53  }
0x10e: {  	[tilespmem:v62+s30+$0x0] =	vst.idx.msk $0xffff, v58  }
0x10f: {  	[tilespmem:v15+s30+$0x0] =	vst.idx.msk $0xffff, v1  }
0x110: {  	v1 =	vld.idx.msk [tilespmem:v55+s17+$0x0], $0xffff;
	_ =	sdelay $0x4  }
0x111: {  	v60 =	vmul.f32 v1, v0  }
0x112: {  	v63 =	vor.u32 $0x5B, v2;
	v62 =	vmul.f32 v1, v43  }
0x113: {  	v8 =	vmul.f32 v1, v52;
	[tilespmem:v38+s30+$0x0] =	vst.idx.msk $0xffff, v60  }
0x114: {  	v1 =	vmul.f32 v1, v6;
	[tilespmem:v50+s30+$0x0] =	vst.idx.msk $0xffff, v62  }
0x115: {  	[tilespmem:v32+s30+$0x0] =	vst.idx.msk $0xffff, v8  }
0x116: {  	[tilespmem:v13+s30+$0x0] =	vst.idx.msk $0xffff, v1  }
0x117: {  	v1 =	vld.idx.msk [tilespmem:v63+s17+$0x0], $0xffff;
	_ =	sdelay $0x4  }
0x118: {  	v9 =	vmul.f32 v1, v0  }
0x119: {  	v11 =	vor.u32 $0x5C, v2;
	v10 =	vmul.f32 v1, v43  }
0x11a: {  	v12 =	vmul.f32 v1, v52;
	[tilespmem:v39+s30+$0x0] =	vst.idx.msk $0xffff, v9  }
0x11b: {  	v1 =	vmul.f32 v1, v6;
	[tilespmem:v54+s30+$0x0] =	vst.idx.msk $0xffff, v10  }
0x11c: {  	[tilespmem:v29+s30+$0x0] =	vst.idx.msk $0xffff, v12  }
0x11d: {  	[tilespmem:v3+s30+$0x0] =	vst.idx.msk $0xffff, v1  }
0x11e: {  	v1 =	vld.idx.msk [tilespmem:v11+s17+$0x0], $0xffff;
	_ =	sdelay $0x4  }
0x11f: {  	v13 =	vmul.f32 v1, v0  }
0x120: {  	v15 =	vor.u32 $0x5D, v2;
	v14 =	vmul.f32 v1, v43  }
0x121: {  	v17 =	vmul.f32 v1, v52;
	[tilespmem:v41+s30+$0x0] =	vst.idx.msk $0xffff, v13  }
0x122: {  	v1 =	vmul.f32 v1, v6;
	[tilespmem:v56+s30+$0x0] =	vst.idx.msk $0xffff, v14  }
0x123: {  	[tilespmem:v26+s30+$0x0] =	vst.idx.msk $0xffff, v17  }
0x124: {  	[tilespmem:v35+s30+$0x0] =	vst.idx.msk $0xffff, v1  }
0x125: {  	v1 =	vld.idx.msk [tilespmem:v15+s17+$0x0], $0xffff;
	_ =	sdelay $0x4  }
0x126: {  	v18 =	vmul.f32 v1, v0  }
0x127: {  	v20 =	vor.u32 $0x5E, v2;
	v19 =	vmul.f32 v1, v43  }
0x128: {  	v21 =	vmul.f32 v1, v52;
	[tilespmem:v44+s30+$0x0] =	vst.idx.msk $0xffff, v18  }
0x129: {  	v1 =	vmul.f32 v1, v6;
	[tilespmem:v59+s30+$0x0] =	vst.idx.msk $0xffff, v19  }
0x12a: {  	[tilespmem:v16+s30+$0x0] =	vst.idx.msk $0xffff, v21  }
0x12b: {  	[tilespmem:v36+s30+$0x0] =	vst.idx.msk $0xffff, v1  }
0x12c: {  	v1 =	vld.idx.msk [tilespmem:v20+s17+$0x0], $0xffff  }
0x12d: {  	v26 =	vld [tilespmem:$0x1FED0]  }
0x12e: {  	v27 =	vld [tilespmem:$0x1FEE0];
	_ =	sdelay $0x2  }
0x12f: {  	v22 =	vmul.f32 v1, v0  }
0x130: {  	v24 =	vor.u32 $0x5F, v2;
	v23 =	vmul.f32 v1, v43  }
0x131: {  	v25 =	vmul.f32 v1, v52;
	[tilespmem:v46+s30+$0x0] =	vst.idx.msk $0xffff, v22  }
0x132: {  	v1 =	vmul.f32 v1, v6;
	[tilespmem:v61+s30+$0x0] =	vst.idx.msk $0xffff, v23  }
0x133: {  	[tilespmem:v26+s30+$0x0] =	vst.idx.msk $0xffff, v25  }
0x134: {  	[tilespmem:v27+s30+$0x0] =	vst.idx.msk $0xffff, v1  }
0x135: {  	v1 =	vld.idx.msk [tilespmem:v24+s17+$0x0], $0xffff  }
0x136: {  	v34 =	vld [tilespmem:$0x1FEF0]  }
0x137: {  	v35 =	vld [tilespmem:$0x1FF00];
	_ =	sdelay $0x2  }
0x138: {  	v28 =	vmul.f32 v1, v0  }
0x139: {  	v31 =	vor.u32 $0x60, v2;
	v29 =	vmul.f32 v1, v43  }
0x13a: {  	v32 =	vmul.f32 v1, v52;
	[tilespmem:v49+s30+$0x0] =	vst.idx.msk $0xffff, v28  }
0x13b: {  	v1 =	vmul.f32 v1, v6;
	[tilespmem:v30+s30+$0x0] =	vst.idx.msk $0xffff, v29  }
0x13c: {  	[tilespmem:v34+s30+$0x0] =	vst.idx.msk $0xffff, v32  }
0x13d: {  	v40 =	vld [tilespmem:$0x1FF10];
	[tilespmem:v35+s30+$0x0] =	vst.idx.msk $0xffff, v1  }
0x13e: {  	v1 =	vld.idx.msk [tilespmem:v31+s17+$0x0], $0xffff  }
0x13f: {  	v41 =	vld [tilespmem:$0x1FF20]  }
0x140: {  	v42 =	vld [tilespmem:$0x1FF30];
	_ =	sdelay $0x2  }
0x141: {  	v36 =	vmul.f32 v1, v0  }
0x142: {  	v38 =	vor.u32 $0x61, v2;
	v37 =	vmul.f32 v1, v43  }
0x143: {  	v39 =	vmul.f32 v1, v52;
	[tilespmem:v51+s30+$0x0] =	vst.idx.msk $0xffff, v36  }
0x144: {  	v1 =	vmul.f32 v1, v6;
	[tilespmem:v40+s30+$0x0] =	vst.idx.msk $0xffff, v37  }
0x145: {  	[tilespmem:v41+s30+$0x0] =	vst.idx.msk $0xffff, v39  }
0x146: {  	v48 =	vld [tilespmem:$0x1FF40];
	[tilespmem:v42+s30+$0x0] =	vst.idx.msk $0xffff, v1  }
0x147: {  	v1 =	vld.idx.msk [tilespmem:v38+s17+$0x0], $0xffff  }
0x148: {  	v49 =	vld [tilespmem:$0x1FF50]  }
0x149: {  	v50 =	vld [tilespmem:$0x1FF60];
	_ =	sdelay $0x2  }
0x14a: {  	v44 =	vmul.f32 v1, v0  }
0x14b: {  	v46 =	vor.u32 $0x62, v2;
	v45 =	vmul.f32 v1, v43  }
0x14c: {  	v47 =	vmul.f32 v1, v52;
	[tilespmem:v33+s30+$0x0] =	vst.idx.msk $0xffff, v44  }
0x14d: {  	v1 =	vmul.f32 v1, v6;
	[tilespmem:v48+s30+$0x0] =	vst.idx.msk $0xffff, v45  }
0x14e: {  	v54 =	vld [tilespmem:$0x1FF70];
	[tilespmem:v49+s30+$0x0] =	vst.idx.msk $0xffff, v47  }
0x14f: {  	v56 =	vld [tilespmem:$0x1FF80];
	[tilespmem:v50+s30+$0x0] =	vst.idx.msk $0xffff, v1  }
0x150: {  	v1 =	vld.idx.msk [tilespmem:v46+s17+$0x0], $0xffff  }
0x151: {  	v57 =	vld [tilespmem:$0x1FF90]  }
0x152: {  	v58 =	vld [tilespmem:$0x1FFA0];
	_ =	sdelay $0x2  }
0x153: {  	v51 =	vmul.f32 v1, v0  }
0x154: {  	v2 =	vor.u32 $0x63, v2;
	v53 =	vmul.f32 v1, v43  }
0x155: {  	v55 =	vmul.f32 v1, v52;
	[tilespmem:v54+s30+$0x0] =	vst.idx.msk $0xffff, v51  }
0x156: {  	v1 =	vmul.f32 v1, v6;
	[tilespmem:v56+s30+$0x0] =	vst.idx.msk $0xffff, v53  }
0x157: {  	v59 =	vld [tilespmem:$0x1FFB0];
	[tilespmem:v57+s30+$0x0] =	vst.idx.msk $0xffff, v55  }
0x158: {  	v61 =	vld [tilespmem:$0x1FFC0];
	[tilespmem:v58+s30+$0x0] =	vst.idx.msk $0xffff, v1  }
0x159: {  	v1 =	vld.idx.msk [tilespmem:v2+s17+$0x0], $0xffff  }
0x15a: {  	v62 =	vld [tilespmem:$0x1FFD0]  }
0x15b: {  	v63 =	vld [tilespmem:$0x1FFE0];
	_ =	sdelay $0x2  }
0x15c: {  	p0 =	sne.s32 s21, $0x50;
	v0 =	vmul.f32 v1, v0  }
.Ltmp1:
0x15d: {  	v2 =	vmul.f32 v1, v43;
	(pc) =	sbr.rel @p0 .LBB2_5-.Ltmp1, $4  }
0x15e: {  	v60 =	vmul.f32 v1, v52;
	[tilespmem:v59+s30+$0x0] =	vst.idx.msk $0xffff, v0  }
0x15f: {  	v1 =	vmul.f32 v1, v6;
	[tilespmem:v61+s30+$0x0] =	vst.idx.msk $0xffff, v2  }
0x160: {  	[tilespmem:v62+s30+$0x0] =	vst.idx.msk $0xffff, v60  }
0x161: {  	s21 =	sadd.s32 $0x10, s21;
	[tilespmem:v63+s30+$0x0] =	vst.idx.msk $0xffff, v1  }
0x162: {  	s20 =	sadd.s32 $0x1, s20  }
0x163: {  	p0 =	sne.s32 s20, $0x36  }
.Ltmp2:
0x164: {  	_ = 	snop;
	(pc) =	sbr.rel @p0 .LBB2_4-.Ltmp2, $4  }
0x165: {  	[spmem:s2] =	stream.indirect.scatter.add.f32 [tilespmem:s30], [sflag:$0x1], $0x80, s1, s15, $0xb8;
	[tilespmem:$0x1D100] =	vst v63  }
0x166: {  	_ =	swait.ge [sflag:s31], $0x3000  }
0x167: {  	[sflag:s31] =	ssyncset.done $0x0  }
0x168: {  	[sflag:s31] =	ssyncadd.s32 $0xFFFFD000  }
0x169: {  	[bflag:$0x0] =	sbarrier.arrive $0xFFFF  }
0x16a: {  	[tilespmem:s30], [sflag:$0x1] =	stream.linear.gather [spmem:s7], $0x2000, $0x38;
	[tilespmem:$0x1D100] =	vst v63  }
0x16b: {  	_ =	swait.ge [sflag:s31], $0x2000  }
0x16c: {  	[sflag:s31] =	ssyncset.done $0x0  }
0x16d: {  	s19 =	rddreg [dreg:$0x3];
	[sflag:s31] =	ssyncadd.s32 $0xFFFFE000  }
0x16e: {  	[hbm4b:s19+s3] =	stream.linear.scatter [tilespmem:s30], [sflag:$0x1], $0x2000, $0x38;
	[tilespmem:$0x1D100] =	vst v63  }
0x16f: {  	_ =	swait.ge [sflag:s31], $0x2000  }
0x170: {  	[sflag:s31] =	ssyncset.done $0x0  }
0x171: {  	[sflag:s31] =	ssyncadd.s32 $0xFFFFE000  }
0x172: {  	[tilespmem:s30], [sflag:$0x1] =	stream.linear.gather [spmem:s8], $0x2000, $0x38;
	[tilespmem:$0x1D100] =	vst v63  }
0x173: {  	_ =	swait.ge [sflag:s31], $0x2000  }
0x174: {  	[sflag:s31] =	ssyncset.done $0x0  }
0x175: {  	s22 =	rddreg [dreg:$0x4];
	[sflag:s31] =	ssyncadd.s32 $0xFFFFE000  }
0x176: {  	[hbm4b:s22+s3] =	stream.linear.scatter [tilespmem:s30], [sflag:$0x1], $0x2000, $0x38;
	[tilespmem:$0x1D100] =	vst v63  }
0x177: {  	_ =	swait.ge [sflag:s31], $0x2000  }
0x178: {  	[sflag:s31] =	ssyncset.done $0x0  }
0x179: {  	[sflag:s31] =	ssyncadd.s32 $0xFFFFE000  }
0x17a: {  	[tilespmem:s30], [sflag:$0x1] =	stream.linear.gather [spmem:s9], $0x2000, $0x38;
	[tilespmem:$0x1D100] =	vst v63  }
0x17b: {  	_ =	swait.ge [sflag:s31], $0x2000  }
0x17c: {  	[sflag:s31] =	ssyncset.done $0x0  }
0x17d: {  	s20 =	rddreg [dreg:$0x5];
	[sflag:s31] =	ssyncadd.s32 $0xFFFFE000  }
0x17e: {  	[hbm4b:s20+s3] =	stream.linear.scatter [tilespmem:s30], [sflag:$0x1], $0x2000, $0x38;
	[tilespmem:$0x1D100] =	vst v63  }
0x17f: {  	_ =	swait.ge [sflag:s31], $0x2000  }
0x180: {  	[sflag:s31] =	ssyncset.done $0x0  }
0x181: {  	[sflag:s31] =	ssyncadd.s32 $0xFFFFE000  }
0x182: {  	[tilespmem:s30], [sflag:$0x1] =	stream.linear.gather [spmem:s10], $0x2000, $0x38;
	[tilespmem:$0x1D100] =	vst v63  }
0x183: {  	_ =	swait.ge [sflag:s31], $0x2000  }
0x184: {  	[sflag:s31] =	ssyncset.done $0x0  }
0x185: {  	s21 =	rddreg [dreg:$0x6];
	[sflag:s31] =	ssyncadd.s32 $0xFFFFE000  }
0x186: {  	[hbm4b:s21+s3] =	stream.linear.scatter [tilespmem:s30], [sflag:$0x1], $0x2000, $0x38;
	[tilespmem:$0x1D100] =	vst v63  }
0x187: {  	_ =	swait.ge [sflag:s31], $0x2000  }
0x188: {  	[sflag:s31] =	ssyncset.done $0x0  }
0x189: {  	[sflag:s31] =	ssyncadd.s32 $0xFFFFE000  }
0x18a: {  	[tilespmem:s30], [sflag:$0x1] =	stream.linear.gather [spmem:s11], $0x2000, $0x38;
	[tilespmem:$0x1D100] =	vst v63  }
0x18b: {  	_ =	swait.ge [sflag:s31], $0x2000  }
0x18c: {  	[sflag:s31] =	ssyncset.done $0x0  }
0x18d: {  	s22 =	rddreg [dreg:$0x7];
	[sflag:s31] =	ssyncadd.s32 $0xFFFFE000  }
0x18e: {  	[hbm4b:s22+s3] =	stream.linear.scatter [tilespmem:s30], [sflag:$0x1], $0x2000, $0x38;
	[tilespmem:$0x1D100] =	vst v63  }
0x18f: {  	_ =	swait.ge [sflag:s31], $0x2000  }
0x190: {  	[sflag:s31] =	ssyncset.done $0x0  }
0x191: {  	[sflag:s31] =	ssyncadd.s32 $0xFFFFE000  }
0x192: {  	[tilespmem:s30], [sflag:$0x1] =	stream.linear.gather [spmem:s12], $0x2000, $0x38;
	[tilespmem:$0x1D100] =	vst v63  }
0x193: {  	_ =	swait.ge [sflag:s31], $0x2000  }
0x194: {  	[sflag:s31] =	ssyncset.done $0x0  }
0x195: {  	s20 =	rddreg [dreg:$0x8];
	[sflag:s31] =	ssyncadd.s32 $0xFFFFE000  }
0x196: {  	[hbm4b:s20+s3] =	stream.linear.scatter [tilespmem:s30], [sflag:$0x1], $0x2000, $0x38;
	[tilespmem:$0x1D100] =	vst v63  }
0x197: {  	_ =	swait.ge [sflag:s31], $0x2000  }
0x198: {  	[sflag:s31] =	ssyncset.done $0x0  }
0x199: {  	[sflag:s31] =	ssyncadd.s32 $0xFFFFE000  }
0x19a: {  	[tilespmem:s30], [sflag:$0x1] =	stream.linear.gather [spmem:s13], $0x2000, $0x38;
	[tilespmem:$0x1D100] =	vst v63  }
0x19b: {  	_ =	swait.ge [sflag:s31], $0x2000  }
0x19c: {  	[sflag:s31] =	ssyncset.done $0x0  }
0x19d: {  	s21 =	rddreg [dreg:$0x9];
	[sflag:s31] =	ssyncadd.s32 $0xFFFFE000  }
0x19e: {  	[hbm4b:s21+s3] =	stream.linear.scatter [tilespmem:s30], [sflag:$0x1], $0x2000, $0x38;
	[tilespmem:$0x1D100] =	vst v63  }
0x19f: {  	_ =	swait.ge [sflag:s31], $0x2000  }
0x1a0: {  	[sflag:s31] =	ssyncset.done $0x0  }
0x1a1: {  	[sflag:s31] =	ssyncadd.s32 $0xFFFFE000  }
0x1a2: {  	[tilespmem:s30], [sflag:$0x1] =	stream.linear.gather [spmem:s26], $0x2000, $0x38;
	[tilespmem:$0x1D100] =	vst v63  }
0x1a3: {  	_ =	swait.ge [sflag:s31], $0x2000  }
0x1a4: {  	[sflag:s31] =	ssyncset.done $0x0  }
0x1a5: {  	s22 =	rddreg [dreg:$0xa];
	[sflag:s31] =	ssyncadd.s32 $0xFFFFE000  }
0x1a6: {  	[hbm4b:s22+s3] =	stream.linear.scatter [tilespmem:s30], [sflag:$0x1], $0x2000, $0x38;
	[tilespmem:$0x1D100] =	vst v63  }
0x1a7: {  	_ =	swait.ge [sflag:s31], $0x2000  }
0x1a8: {  	[sflag:s31] =	ssyncset.done $0x0  }
0x1a9: {  	[sflag:s31] =	ssyncadd.s32 $0xFFFFE000  }
0x1aa: {  	[tilespmem:s30], [sflag:$0x1] =	stream.linear.gather [spmem:s28], $0x2000, $0x38;
	[tilespmem:$0x1D100] =	vst v63  }
0x1ab: {  	_ =	swait.ge [sflag:s31], $0x2000  }
0x1ac: {  	[sflag:s31] =	ssyncset.done $0x0  }
0x1ad: {  	[sflag:s31] =	ssyncadd.s32 $0xFFFFE000  }
0x1ae: {  	[hbm4b:s23+s3] =	stream.linear.scatter [tilespmem:s30], [sflag:$0x1], $0x2000, $0x38;
	[tilespmem:$0x1D100] =	vst v63  }
0x1af: {  	_ =	swait.ge [sflag:s31], $0x2000  }
0x1b0: {  	[sflag:s31] =	ssyncset.done $0x0  }
0x1b1: {  	[sflag:s31] =	ssyncadd.s32 $0xFFFFE000  }
0x1b2: {  	[tilespmem:s30], [sflag:$0x1] =	stream.linear.gather [spmem:s29], $0x2000, $0x38;
	[tilespmem:$0x1D100] =	vst v63  }
0x1b3: {  	s18 =	sadd.s32 $0x1, s18;
	_ =	swait.ge [sflag:s31], $0x2000  }
0x1b4: {  	p0 =	sne.s32 s18, s25;
	[sflag:s31] =	ssyncset.done $0x0  }
.Ltmp3:
0x1b5: {  	[sflag:s31] =	ssyncadd.s32 $0xFFFFE000;
	(pc) =	sbr.rel @p0 .LBB2_1-.Ltmp3, $4  }
0x1b6: {  	[hbm4b:s24+s3] =	stream.linear.scatter [tilespmem:s30], [sflag:$0x1], $0x2000, $0x38;
	[tilespmem:$0x1D100] =	vst v63  }
0x1b7: {  	_ =	swait.ge [sflag:s31], $0x2000  }
0x1b8: {  	[sflag:s31] =	ssyncset.done $0x0  }
0x1b9: {  	v1 =	vimm.f32 $0.0e+00;
	[sflag:s31] =	ssyncadd.s32 $0xFFFFE000  }
0x1ba: {  	_ =	sfence.sel $0x180000  }
0x1bb: {  	[bflag:$0x0] =	sbarrier.arrive $0xFFFF  }
0x1bc: {  	_ =	strace $0x90000047  }
0x1bd: {  	s0 =	stileid.u32;
	[bflag:$0x2] =	sbarrier.arrive $0xFFFF  }
0x1be: {  	p0 =	sne.s32 s0, $0x0;
	s0 =	rddreg [dreg:$0x2]  }
0x1bf: {  	s0 =	sadd.s32 @!p0 $0x100000, s0  }
0x1c0: {  	[sflag:s0] =	ssyncadd.tile.s32 @!p0 $0x1;
	_ =	shalt  }
.Lfunc_end2:
_tile_overlayer_lowered:
.L_overlay_start_2:
0x1c1: {  	(tag) =	ssettag $0x2  }
0x1c2: {  	s0 =	rddreg [dreg:$0x0];
	s2 =	stileid.u32  }
0x1c3: {  	s1 =	rddreg [dreg:$0x1];
	p0 =	sne.s32 s2, $0x0  }
0x1c4: {  	s3 =	rddreg [dreg:$0x2];
	[bflag:$0x3] =	sbarrier.arrive $0xFFFF;
	s2 =	simm.s32 @!p0 $0x1C01  }
0x1c5: {  	[timem:s3], [sflag:s2] =	dma.local @!p0 [hbm:s0], s1  }
0x1c6: {  	s0 =	simm.s32 @!p0 $0x1  }
0x1c7: {  	_ =	swait.ge @!p0 [sflag:s0], s1  }
0x1c8: {  	s1 =	ssub.s32 @!p0 $0x0, s1;
	[sflag:s0] =	ssyncset.done @!p0 $0x0  }
0x1c9: {  	[sflag:s0] =	ssyncadd.s32 @!p0 s1  }
0x1ca: {  	[bflag:$0x3] =	sbarrier.arrive $0xFFFF  }
0x1cb: {  	_ =	shalt  }

</sc_bundles>
